<compile_context>
chip_gen: v7x
topology: tpu7x:2x2x1
jax: 0.10.2.dev20260603
libtpu: 0.0.44.dev20260713+nightly
codegen_flags: <defaults>
</compile_context>

<pallas_src>
import functools

import jax
import jax.numpy as jnp
from jax import lax
from jax.experimental import pallas as pl
from jax.experimental.pallas import tpu as pltpu
from jax.experimental.pallas import tpu_sc as plsc

UPK = 2
KC = 2048
NUM_K = 8192
DIM = 32
HW_IN = 1024
NPOS = HW_IN * UPK * UPK


def _vq_tc_kernel(x_ref, w_ref, b_ref, cb_ref, enc_ref, idx_ref, hsqw_ref):
    xb = x_ref[0]
    enc128 = (
        jnp.dot(w_ref[...], xb, preferred_element_type=jnp.float32)
        + b_ref[...]
    )
    enc_all = enc128.reshape(DIM, NPOS)
    enc_ref[0] = enc_all

    cb = cb_ref[...]
    hsqw_ref[...] = 0.5 * jnp.sum(cb * cb, axis=1, keepdims=True)

    def body(i, carry):
        m8, j8 = carry
        cbk = cb_ref[pl.ds(i * KC, KC), :]
        cross = jnp.dot(cbk, enc_all, preferred_element_type=jnp.float32)
        hs = hsqw_ref[pl.ds(i * KC, KC), :]
        base = i.astype(jnp.float32) * (KC // 8)
        for j in range(KC // 8):
            slab = (lax.slice_in_dim(hs, j * 8, (j + 1) * 8, axis=0)
                    - lax.slice_in_dim(cross, j * 8, (j + 1) * 8, axis=0))
            j8 = jnp.where(slab < m8, base + float(j), j8)
            m8 = jnp.minimum(slab, m8)
        return (m8, j8)

    m80 = jnp.full((8, NPOS), jnp.inf, jnp.float32)
    j80 = jnp.zeros((8, NPOS), jnp.float32)
    m8, j8 = lax.fori_loop(0, NUM_K // KC, body, (m80, j80))

    bmin = jnp.min(m8, axis=0, keepdims=True)
    srow = lax.broadcasted_iota(jnp.int32, (8, NPOS), 0).astype(jnp.float32)
    cand = jnp.where(m8 == bmin, j8 * 8.0 + srow, float(8 * NUM_K))
    ridx = jnp.min(cand, axis=0, keepdims=True)
    idx_ref[0, 0] = ridx[0].astype(jnp.int32)


def _vq_distance_argmin(xr, conv_w, conv_b, codebook):
    B = xr.shape[0]
    return pl.pallas_call(
        _vq_tc_kernel,
        grid=(B,),
        in_specs=[
            pl.BlockSpec((1, xr.shape[1], HW_IN), lambda b: (b, 0, 0)),
            pl.BlockSpec(conv_w.shape, lambda b: (0, 0)),
            pl.BlockSpec((conv_w.shape[0], 1), lambda b: (0, 0)),
            pl.BlockSpec(codebook.shape, lambda b: (0, 0)),
        ],
        out_specs=[
            pl.BlockSpec((1, DIM, NPOS), lambda b: (b, 0, 0)),
            pl.BlockSpec((1, 1, NPOS), lambda b: (b, 0, 0)),
        ],
        out_shape=[
            jax.ShapeDtypeStruct((B, DIM, NPOS), jnp.float32),
            jax.ShapeDtypeStruct((B, 1, NPOS), jnp.int32),
        ],
        scratch_shapes=[pltpu.VMEM((NUM_K, 1), jnp.float32)],
        compiler_params=pltpu.CompilerParams(
            dimension_semantics=("parallel",),
        ),
    )(xr, conv_w, conv_b.reshape(-1, 1), codebook)


GATHER_D = 128


def _sc_gather(table_pad, idx_flat):
    info = plsc.get_sparse_core_info()
    nc, ns = info.num_cores, info.num_subcores
    nw = nc * ns
    n = idx_flat.shape[0]
    b_per_w = n // nw
    mesh = plsc.VectorSubcoreMesh(core_axis_name="c", subcore_axis_name="s")

    @functools.partial(
        pl.kernel,
        mesh=mesh,
        out_type=jax.ShapeDtypeStruct((n, GATHER_D), jnp.float32),
        scratch_types=[
            pltpu.VMEM((b_per_w,), jnp.int32),
            pltpu.VMEM((b_per_w, GATHER_D), jnp.float32),
            pltpu.SemaphoreType.DMA,
        ],
    )
    def gather_kernel(table_hbm, idx_hbm, out_hbm, idx_v, rows_v, sem):
        wid = lax.axis_index("s") * nc + lax.axis_index("c")
        base = wid * b_per_w
        pltpu.sync_copy(idx_hbm.at[pl.ds(base, b_per_w)], idx_v)
        pltpu.async_copy(table_hbm.at[idx_v], rows_v, sem).wait()
        pltpu.sync_copy(rows_v, out_hbm.at[pl.ds(base, b_per_w)])

    return gather_kernel(table_pad, idx_flat)


def _epilogue_kernel(enc_ref, emb_ref, out_ref, embout_ref):
    enc = enc_ref[0]
    embt = jnp.transpose(emb_ref[...][:, :DIM])
    embout_ref[0] = embt.reshape(DIM, 64, 64)
    out_ref[0] = (enc + (embt - enc)).reshape(DIM, 64, 64)


def _epilogue(enc_post, emb_rows):
    B = enc_post.shape[0]
    res = pl.pallas_call(
        _epilogue_kernel,
        grid=(B,),
        in_specs=[
            pl.BlockSpec((1, DIM, NPOS), lambda b: (b, 0, 0)),
            pl.BlockSpec((NPOS, GATHER_D), lambda b: (b, 0)),
        ],
        out_specs=[
            pl.BlockSpec((1, DIM, 64, 64), lambda b: (b, 0, 0, 0)),
            pl.BlockSpec((1, DIM, 64, 64), lambda b: (b, 0, 0, 0)),
        ],
        out_shape=[
            jax.ShapeDtypeStruct((B, DIM, 64, 64), jnp.float32),
            jax.ShapeDtypeStruct((B, DIM, 64, 64), jnp.float32),
        ],
        compiler_params=pltpu.CompilerParams(
            dimension_semantics=("parallel",),
        ),
    )(enc_post, emb_rows)
    return res


def kernel(x, conv_w, conv_b, codebook):
    B = x.shape[0]
    xr = x.reshape(B, x.shape[1], HW_IN)
    enc_m, idx_m = _vq_distance_argmin(xr, conv_w, conv_b, codebook)

    indices = (
        idx_m.reshape(B, UPK, UPK, 32, 32)
        .transpose(0, 3, 1, 4, 2)
        .reshape(B, 32 * UPK, 32 * UPK)
    )
    encoded = (
        enc_m.reshape(B, DIM, UPK, UPK, 32, 32)
        .transpose(0, 1, 4, 2, 5, 3)
        .reshape(B, DIM, 32 * UPK, 32 * UPK)
    )

    table_pad = jnp.pad(codebook, ((0, 0), (0, GATHER_D - DIM)))
    emb_rows = _sc_gather(table_pad, indices.reshape(B * NPOS))
    out, embeddings = _epilogue(encoded.reshape(B, DIM, NPOS), emb_rows)
    return (out, embeddings, encoded, indices)

# --- scband reference (transcript-rebuilt; emitter-appended) ---
"""Pipeline reference for scband-vqlayer-43568148250914 (READ-ONLY COPY).

The authoritative reference and input builder live on the scoring server;
editing this copy changes nothing except your own understanding.
"""

import jax, jax.numpy as jnp
import numpy as np

UP = 2

def pixel_shuffle(x, r):
    B, C, H, W = x.shape
    Co = C // (r * r)
    x = x.reshape(B, Co, r, r, H, W)
    x = x.transpose(0, 1, 4, 2, 5, 3)
    return x.reshape(B, Co, H * r, W * r)

def setup_inputs(seed: int = 0) -> dict:
    key = jax.random.key(seed)
    k1, k2, k3, k4 = jax.random.split(key, 4)
    in_planes = 192
    num_embeddings = 8192
    embedding_dim = 32
    out_ch = embedding_dim * UP * UP  # 128
    x = jax.random.normal(k1, (2, in_planes, 32, 32), dtype=jnp.float32)
    # Conv2d 1x1 weight [out, in] and bias [out]
    fan_in = in_planes
    bound = 1.0 / np.sqrt(fan_in)
    conv_w = jax.random.uniform(k2, (out_ch, in_planes), minval=-bound, maxval=bound, dtype=jnp.float32)
    conv_b = jax.random.uniform(k3, (out_ch,), minval=-bound, maxval=bound, dtype=jnp.float32)
    lim = float(np.sqrt(3.0 / embedding_dim))
    codebook = jax.random.uniform(k4, (num_embeddings, embedding_dim), minval=-lim, maxval=lim, dtype=jnp.float32)
    return {"x": x, "conv_w": conv_w, "conv_b": conv_b, "codebook": codebook}

def reference(x, conv_w, conv_b, codebook):
    # 1x1 conv
    encoded = jnp.einsum('bihw,oi->bohw', x, conv_w) + conv_b[None, :, None, None]
    encoded = pixel_shuffle(encoded, UP)
    B, D, H, W = encoded.shape
    encoded_flat = encoded.reshape(B, D, H * W)
    # squared distances: [B, K, HW]
    sq_enc = (encoded_flat ** 2).sum(axis=1, keepdims=True)            # [B, 1, HW]
    sq_w = (codebook ** 2).sum(axis=1)[None, :, None]                  # [1, K, 1]
    cross = jnp.einsum('kd,bdn->bkn', codebook, encoded_flat)          # [B, K, HW]
    squared_dist = sq_enc + sq_w - 2.0 * cross
    indices = jnp.argmin(squared_dist, axis=1).reshape(B, H, W)
    embeddings = jnp.take(codebook, indices, axis=0)                   # [B, H, W, D]
    embeddings = embeddings.transpose(0, 3, 1, 2)                      # [B, D, H, W]
    out = encoded + jax.lax.stop_gradient(embeddings - encoded)
    return (out, embeddings, encoded, indices)

if __name__ == "__main__":
    import jax
    _d = setup_inputs()
    print(jax.jit(kernel)(*tuple(_d.values())))

</pallas_src>

<mosaic_0001>
#map = affine_map<(d0, d1) -> (0, 0)>
#map1 = affine_map<(d0, d1) -> (0)>
module attributes {stable_mosaic.version = 14 : i64} {
  func.func @gather_kernel(%arg0: i32, %arg1: i32, %arg2: memref<8192x128xf32, #tpu.memory_space<hbm>>, %arg3: memref<8192xi32, #tpu.memory_space<hbm>>, %arg4: memref<8192x128xf32, #tpu.memory_space<hbm>>, %arg5: memref<256xi32, #tpu.memory_space<vmem>>, %arg6: memref<256x128xf32, #tpu.memory_space<vmem>>, %arg7: memref<!tpu.dma_semaphore, #tpu.memory_space<semaphore_mem>>) attributes {dimension_semantics = [#tpu.dimension_semantics<core_parallel>, #tpu.dimension_semantics<subcore_parallel>], iteration_bounds = array<i64: 2, 16>, scalar_prefetch = 0 : i64, scratch_operands = 3 : i64, tpu.core_type = #tpu.core_type<sc_vector_subcore>, window_params = [{transform_indices = #map}, {transform_indices = #map1}, {transform_indices = #map}]} {
    %mul3A = arith.constant 2 : i32
    %mul3A_0 = arith.muli %arg1, %mul3A : i32
    %add3A = arith.addi %mul3A_0, %arg0 : i32
    %mul3A_1 = arith.constant 256 : i32
    %mul3A_2 = arith.muli %add3A, %mul3A_1 : i32
    "tpu.region"() ({
      %run_scoped3A = tpu.sem_alloc : memref<!tpu.dma_semaphore, #tpu.memory_space<semaphore_mem>>
      %dma_start3A_7 = tpu.memref_slice %arg3[%mul3A_2] : memref<8192xi32, #tpu.memory_space<hbm>> -> memref<256xi32, #tpu.memory_space<hbm>>
      %dma_start3A_8 = tpu.memref_slice %arg3[%mul3A_2] : memref<8192xi32, #tpu.memory_space<hbm>> -> memref<256xi32, #tpu.memory_space<hbm>>
      tpu.enqueue_dma source(%dma_start3A_8 : memref<256xi32, #tpu.memory_space<hbm>>) target(%arg5 : memref<256xi32, #tpu.memory_space<vmem>>) target_semaphore(%run_scoped3A : memref<!tpu.dma_semaphore, #tpu.memory_space<semaphore_mem>>)
      %dma_wait3A_9 = tpu.memref_slice %arg3[%mul3A_2] : memref<8192xi32, #tpu.memory_space<hbm>> -> memref<256xi32, #tpu.memory_space<hbm>>
      %dma_wait3A_10 = tpu.memref_slice %arg3[%mul3A_2] : memref<8192xi32, #tpu.memory_space<hbm>> -> memref<256xi32, #tpu.memory_space<hbm>>
      tpu.wait_dma2 semaphore(%run_scoped3A : memref<!tpu.dma_semaphore, #tpu.memory_space<semaphore_mem>>) src(%dma_wait3A_10 : memref<256xi32, #tpu.memory_space<hbm>>) dst(%arg5 : memref<256xi32, #tpu.memory_space<vmem>>)
      tpu.yield
    }) : () -> ()
    %dma_start3A = arith.constant 0 : i32
    %dma_start3A_3 = arith.constant 0 : i32
    %dma_start3A_4 = tpu.memref_slice %arg2[%dma_start3A, %dma_start3A_3] : memref<8192x128xf32, #tpu.memory_space<hbm>> -> memref<8192x128xf32, #tpu.memory_space<hbm>>
    tpu.enqueue_indirect_dma source(%dma_start3A_4 : memref<8192x128xf32, #tpu.memory_space<hbm>>) target(%arg6 : memref<256x128xf32, #tpu.memory_space<vmem>>) offsets(%arg5 : memref<256xi32, #tpu.memory_space<vmem>>) semaphore(%arg7 : memref<!tpu.dma_semaphore, #tpu.memory_space<semaphore_mem>>)
    %dma_wait3A = arith.constant 0 : i32
    %dma_wait3A_5 = arith.constant 0 : i32
    %dma_wait3A_6 = tpu.memref_slice %arg2[%dma_wait3A, %dma_wait3A_5] : memref<8192x128xf32, #tpu.memory_space<hbm>> -> memref<8192x128xf32, #tpu.memory_space<hbm>>
    tpu.wait_indirect_dma semaphore(%arg7 : memref<!tpu.dma_semaphore, #tpu.memory_space<semaphore_mem>>) src(%dma_wait3A_6 : memref<8192x128xf32, #tpu.memory_space<hbm>>) dst(%arg6 : memref<256x128xf32, #tpu.memory_space<vmem>>)
    "tpu.region"() ({
      %run_scoped3A = tpu.sem_alloc : memref<!tpu.dma_semaphore, #tpu.memory_space<semaphore_mem>>
      %dma_start3A_7 = arith.constant 0 : i32
      %dma_start3A_8 = tpu.memref_slice %arg4[%mul3A_2, %dma_start3A_7] : memref<8192x128xf32, #tpu.memory_space<hbm>> -> memref<256x128xf32, #tpu.memory_space<hbm>>
      %dma_start3A_9 = arith.constant 0 : i32
      %dma_start3A_10 = tpu.memref_slice %arg4[%mul3A_2, %dma_start3A_9] : memref<8192x128xf32, #tpu.memory_space<hbm>> -> memref<256x128xf32, #tpu.memory_space<hbm>>
      tpu.enqueue_dma source(%arg6 : memref<256x128xf32, #tpu.memory_space<vmem>>) target(%dma_start3A_10 : memref<256x128xf32, #tpu.memory_space<hbm>>) target_semaphore(%run_scoped3A : memref<!tpu.dma_semaphore, #tpu.memory_space<semaphore_mem>>)
      %dma_wait3A_11 = arith.constant 0 : i32
      %dma_wait3A_12 = tpu.memref_slice %arg4[%mul3A_2, %dma_wait3A_11] : memref<8192x128xf32, #tpu.memory_space<hbm>> -> memref<256x128xf32, #tpu.memory_space<hbm>>
      %dma_wait3A_13 = arith.constant 0 : i32
      %dma_wait3A_14 = tpu.memref_slice %arg4[%mul3A_2, %dma_wait3A_13] : memref<8192x128xf32, #tpu.memory_space<hbm>> -> memref<256x128xf32, #tpu.memory_space<hbm>>
      tpu.wait_dma2 semaphore(%run_scoped3A : memref<!tpu.dma_semaphore, #tpu.memory_space<semaphore_mem>>) src(%arg6 : memref<256x128xf32, #tpu.memory_space<vmem>>) dst(%dma_wait3A_14 : memref<256x128xf32, #tpu.memory_space<hbm>>)
      tpu.yield
    }) : () -> ()
    return
  }
}

module attributes {stable_mosaic.version = 14 : i64} {
  func.func @_vq_tc_kernel(%arg0: i32, %arg1: memref<1x192x1024xf32, #tpu.memory_space<vmem>>, %arg2: memref<128x192xf32, #tpu.memory_space<vmem>>, %arg3: memref<128x1xf32, #tpu.memory_space<vmem>>, %arg4: memref<8192x32xf32, #tpu.memory_space<vmem>>, %arg5: memref<1x32x4096xf32, #tpu.memory_space<vmem>>, %arg6: memref<1x1x4096xi32, #tpu.memory_space<vmem>>, %arg7: memref<8192x1xf32, #tpu.memory_space<vmem>>) attributes {dimension_semantics = [#tpu.dimension_semantics<parallel>], iteration_bounds = array<i64: 2>, scalar_prefetch = 0 : i64, scratch_operands = 1 : i64, tpu.core_type = #tpu.core_type<tc>, window_params = [{transform_indices = @transform_0, window_bounds = array<i64: 1, 192, 1024>}, {pipeline_mode = #tpu.pipeline_mode<synchronous>, transform_indices = @transform_1, window_bounds = array<i64: 128, 192>}, {pipeline_mode = #tpu.pipeline_mode<synchronous>, transform_indices = @transform_2, window_bounds = array<i64: 128, 1>}, {pipeline_mode = #tpu.pipeline_mode<synchronous>, transform_indices = @transform_3, window_bounds = array<i64: 8192, 32>}, {transform_indices = @transform_4, window_bounds = array<i64: 1, 32, 4096>}, {transform_indices = @transform_5, window_bounds = array<i64: 1, 1, 4096>}]} {
    %get3A = arith.constant 0 : index
    %get3A_0 = arith.constant 0 : index
    %get3A_1 = arith.constant 0 : index
    %get3A_2 = vector.load %arg1[%get3A, %get3A_0, %get3A_1] : memref<1x192x1024xf32, #tpu.memory_space<vmem>>, vector<1x192x1024xf32>
    %get3A_3 = vector.shape_cast %get3A_2 : vector<1x192x1024xf32> to vector<192x1024xf32>
    %get3A_4 = arith.constant 0 : index
    %get3A_5 = arith.constant 0 : index
    %get3A_6 = vector.load %arg2[%get3A_4, %get3A_5] : memref<128x192xf32, #tpu.memory_space<vmem>>, vector<128x192xf32>
    %dot_general3A = arith.constant dense<0.000000e+00> : vector<128x1024xf32>
    %dot_general3A_7 = tpu.matmul %get3A_6, %get3A_3, %dot_general3A {dimension_numbers = #tpu.dot_dimension_numbers<[1], [0], [0], [1], [0, 0, 1, 1], [], []>, transpose_lhs_hint = false} : vector<128x192xf32>, vector<192x1024xf32>, vector<128x1024xf32> -> vector<128x1024xf32>
    %get3A_8 = arith.constant 0 : index
    %get3A_9 = arith.constant 0 : index
    %get3A_10 = vector.load %arg3[%get3A_8, %get3A_9] : memref<128x1xf32, #tpu.memory_space<vmem>>, vector<128x1xf32>
    %add3A = vector.broadcast %get3A_10 : vector<128x1xf32> to vector<128x1024xf32>
    %add3A_11 = arith.addf %dot_general3A_7, %add3A : vector<128x1024xf32>
    %reshape3A = vector.shape_cast %add3A_11 : vector<128x1024xf32> to vector<32x4096xf32>
    %swap3A = arith.constant 0 : index
    %swap3A_12 = arith.constant 0 : index
    %swap3A_13 = arith.constant 0 : index
    %swap3A_14 = vector.load %arg5[%swap3A, %swap3A_12, %swap3A_13] : memref<1x32x4096xf32, #tpu.memory_space<vmem>>, vector<1x32x4096xf32>
    %swap3A_15 = vector.shape_cast %swap3A_14 : vector<1x32x4096xf32> to vector<32x4096xf32>
    %swap3A_16 = vector.shape_cast %reshape3A : vector<32x4096xf32> to vector<1x32x4096xf32>
    tpu.vector_store %arg5[%swap3A, %swap3A_12, %swap3A_13], %swap3A_16 {strides = array<i32>} : memref<1x32x4096xf32, #tpu.memory_space<vmem>>, vector<1x32x4096xf32>,
    %get3A_17 = arith.constant 0 : index
    %get3A_18 = arith.constant 0 : index
    %get3A_19 = vector.load %arg4[%get3A_17, %get3A_18] : memref<8192x32xf32, #tpu.memory_space<vmem>>, vector<8192x32xf32>
    %mul3A = arith.mulf %get3A_19, %get3A_19 : vector<8192x32xf32>
    %reduce_sum3A = arith.constant dense<0.000000e+00> : vector<8192xf32>
    %reduce_sum3A_20 = vector.multi_reduction <add>, %mul3A, %reduce_sum3A [1] : vector<8192x32xf32> to vector<8192xf32>
    %broadcast_in_dim3A = vector.shape_cast %reduce_sum3A_20 : vector<8192xf32> to vector<8192x1xf32>
    %mul3A_21 = arith.constant 5.000000e-01 : f32
    %mul3A_22 = vector.broadcast %mul3A_21 : f32 to vector<8192x1xf32>
    %mul3A_23 = arith.mulf %mul3A_22, %broadcast_in_dim3A : vector<8192x1xf32>
    %swap3A_24 = arith.constant 0 : index
    %swap3A_25 = arith.constant 0 : index
    %swap3A_26 = vector.load %arg7[%swap3A_24, %swap3A_25] : memref<8192x1xf32, #tpu.memory_space<vmem>>, vector<8192x1xf32>
    tpu.vector_store %arg7[%swap3A_24, %swap3A_25], %mul3A_23 {strides = array<i32>} : memref<8192x1xf32, #tpu.memory_space<vmem>>, vector<8192x1xf32>,
    %broadcast_in_dim3A_27 = arith.constant 0x7F800000 : f32
    %broadcast_in_dim3A_28 = vector.broadcast %broadcast_in_dim3A_27 : f32 to vector<8x4096xf32>
    %broadcast_in_dim3A_29 = arith.constant 0.000000e+00 : f32
    %broadcast_in_dim3A_30 = vector.broadcast %broadcast_in_dim3A_29 : f32 to vector<8x4096xf32>
    %scan3A = arith.constant 0 : i32
    %scan3A_31 = arith.constant 4 : i32
    %scan3A_32 = arith.addi %scan3A, %scan3A_31 : i32
    %scan3A_33 = arith.constant 1 : i32
    %scan3A_34:2 = scf.for %scan3A_54 = %scan3A to %scan3A_32 step %scan3A_33 iter_args(%scan3A_55 = %broadcast_in_dim3A_28, %scan3A_56 = %broadcast_in_dim3A_30) -> (vector<8x4096xf32>, vector<8x4096xf32>)  : i32 {
      %mul3A_57 = arith.constant 2048 : i32
      %mul3A_58 = arith.muli %scan3A_54, %mul3A_57 : i32
      %get3A_59 = arith.index_cast %mul3A_58 : i32 to index
      %get3A_60 = arith.constant 0 : index
      %get3A_61 = vector.load %arg4[%get3A_59, %get3A_60] : memref<8192x32xf32, #tpu.memory_space<vmem>>, vector<2048x32xf32>
      %dot_general3A_62 = arith.constant dense<0.000000e+00> : vector<2048x4096xf32>
      %dot_general3A_63 = tpu.matmul %get3A_61, %reshape3A, %dot_general3A_62 {dimension_numbers = #tpu.dot_dimension_numbers<[1], [0], [0], [1], [0, 0, 1, 1], [], []>, transpose_lhs_hint = false} : vector<2048x32xf32>, vector<32x4096xf32>, vector<2048x4096xf32> -> vector<2048x4096xf32>
      %mul3A_64 = arith.constant 2048 : i32
      %mul3A_65 = arith.muli %scan3A_54, %mul3A_64 : i32
      %get3A_66 = arith.index_cast %mul3A_65 : i32 to index
      %get3A_67 = arith.constant 0 : index
      %get3A_68 = vector.load %arg7[%get3A_66, %get3A_67] : memref<8192x1xf32, #tpu.memory_space<vmem>>, vector<2048x1xf32>
      %convert_element_type3A_69 = arith.sitofp %scan3A_54 : i32 to f32
      %mul3A_70 = arith.constant 2.560000e+02 : f32
      %mul3A_71 = arith.mulf %convert_element_type3A_69, %mul3A_70 : f32
      %slice3A = vector.extract_strided_slice %get3A_68 {offsets = [0, 0], sizes = [8, 1], strides = [1, 1]} : vector<2048x1xf32> to vector<8x1xf32>
      %slice3A_72 = vector.extract_strided_slice %dot_general3A_63 {offsets = [0, 0], sizes = [8, 4096], strides = [1, 1]} : vector<2048x4096xf32> to vector<8x4096xf32>
      %sub3A = vector.broadcast %slice3A : vector<8x1xf32> to vector<8x4096xf32>
      %sub3A_73 = arith.subf %sub3A, %slice3A_72 : vector<8x4096xf32>
      %lt3A = arith.cmpf olt, %sub3A_73, %scan3A_55 : vector<8x4096xf32>
      %add3A_74 = arith.constant 0.000000e+00 : f32
      %add3A_75 = arith.addf %mul3A_71, %add3A_74 : f32
      %broadcast_in_dim3A_76 = vector.broadcast %add3A_75 : f32 to vector<8x4096xf32>
      %select_n3A_77 = arith.select %lt3A, %broadcast_in_dim3A_76, %scan3A_56 : vector<8x4096xi1>, vector<8x4096xf32>
      %min3A = arith.minimumf %sub3A_73, %scan3A_55 : vector<8x4096xf32>
      %slice3A_78 = vector.extract_strided_slice %get3A_68 {offsets = [8, 0], sizes = [8, 1], strides = [1, 1]} : vector<2048x1xf32> to vector<8x1xf32>
      %slice3A_79 = vector.extract_strided_slice %dot_general3A_63 {offsets = [8, 0], sizes = [8, 4096], strides = [1, 1]} : vector<2048x4096xf32> to vector<8x4096xf32>
      %sub3A_80 = vector.broadcast %slice3A_78 : vector<8x1xf32> to vector<8x4096xf32>
      %sub3A_81 = arith.subf %sub3A_80, %slice3A_79 : vector<8x4096xf32>
      %lt3A_82 = arith.cmpf olt, %sub3A_81, %min3A : vector<8x4096xf32>
      %add3A_83 = arith.constant 1.000000e+00 : f32
      %add3A_84 = arith.addf %mul3A_71, %add3A_83 : f32
      %broadcast_in_dim3A_85 = vector.broadcast %add3A_84 : f32 to vector<8x4096xf32>
      %select_n3A_86 = arith.select %lt3A_82, %broadcast_in_dim3A_85, %select_n3A_77 : vector<8x4096xi1>, vector<8x4096xf32>
      %min3A_87 = arith.minimumf %sub3A_81, %min3A : vector<8x4096xf32>
      %slice3A_88 = vector.extract_strided_slice %get3A_68 {offsets = [16, 0], sizes = [8, 1], strides = [1, 1]} : vector<2048x1xf32> to vector<8x1xf32>
      %slice3A_89 = vector.extract_strided_slice %dot_general3A_63 {offsets = [16, 0], sizes = [8, 4096], strides = [1, 1]} : vector<2048x4096xf32> to vector<8x4096xf32>
      %sub3A_90 = vector.broadcast %slice3A_88 : vector<8x1xf32> to vector<8x4096xf32>
      %sub3A_91 = arith.subf %sub3A_90, %slice3A_89 : vector<8x4096xf32>
      %lt3A_92 = arith.cmpf olt, %sub3A_91, %min3A_87 : vector<8x4096xf32>
      %add3A_93 = arith.constant 2.000000e+00 : f32
      %add3A_94 = arith.addf %mul3A_71, %add3A_93 : f32
      %broadcast_in_dim3A_95 = vector.broadcast %add3A_94 : f32 to vector<8x4096xf32>
      %select_n3A_96 = arith.select %lt3A_92, %broadcast_in_dim3A_95, %select_n3A_86 : vector<8x4096xi1>, vector<8x4096xf32>
      %min3A_97 = arith.minimumf %sub3A_91, %min3A_87 : vector<8x4096xf32>
      %slice3A_98 = vector.extract_strided_slice %get3A_68 {offsets = [24, 0], sizes = [8, 1], strides = [1, 1]} : vector<2048x1xf32> to vector<8x1xf32>
      %slice3A_99 = vector.extract_strided_slice %dot_general3A_63 {offsets = [24, 0], sizes = [8, 4096], strides = [1, 1]} : vector<2048x4096xf32> to vector<8x4096xf32>
      %sub3A_100 = vector.broadcast %slice3A_98 : vector<8x1xf32> to vector<8x4096xf32>
      %sub3A_101 = arith.subf %sub3A_100, %slice3A_99 : vector<8x4096xf32>
      %lt3A_102 = arith.cmpf olt, %sub3A_101, %min3A_97 : vector<8x4096xf32>
      %add3A_103 = arith.constant 3.000000e+00 : f32
      %add3A_104 = arith.addf %mul3A_71, %add3A_103 : f32
      %broadcast_in_dim3A_105 = vector.broadcast %add3A_104 : f32 to vector<8x4096xf32>
      %select_n3A_106 = arith.select %lt3A_102, %broadcast_in_dim3A_105, %select_n3A_96 : vector<8x4096xi1>, vector<8x4096xf32>
      %min3A_107 = arith.minimumf %sub3A_101, %min3A_97 : vector<8x4096xf32>
      %slice3A_108 = vector.extract_strided_slice %get3A_68 {offsets = [32, 0], sizes = [8, 1], strides = [1, 1]} : vector<2048x1xf32> to vector<8x1xf32>
      %slice3A_109 = vector.extract_strided_slice %dot_general3A_63 {offsets = [32, 0], sizes = [8, 4096], strides = [1, 1]} : vector<2048x4096xf32> to vector<8x4096xf32>
      %sub3A_110 = vector.broadcast %slice3A_108 : vector<8x1xf32> to vector<8x4096xf32>
      %sub3A_111 = arith.subf %sub3A_110, %slice3A_109 : vector<8x4096xf32>
      %lt3A_112 = arith.cmpf olt, %sub3A_111, %min3A_107 : vector<8x4096xf32>
      %add3A_113 = arith.constant 4.000000e+00 : f32
      %add3A_114 = arith.addf %mul3A_71, %add3A_113 : f32
      %broadcast_in_dim3A_115 = vector.broadcast %add3A_114 : f32 to vector<8x4096xf32>
      %select_n3A_116 = arith.select %lt3A_112, %broadcast_in_dim3A_115, %select_n3A_106 : vector<8x4096xi1>, vector<8x4096xf32>
      %min3A_117 = arith.minimumf %sub3A_111, %min3A_107 : vector<8x4096xf32>
      %slice3A_118 = vector.extract_strided_slice %get3A_68 {offsets = [40, 0], sizes = [8, 1], strides = [1, 1]} : vector<2048x1xf32> to vector<8x1xf32>
      %slice3A_119 = vector.extract_strided_slice %dot_general3A_63 {offsets = [40, 0], sizes = [8, 4096], strides = [1, 1]} : vector<2048x4096xf32> to vector<8x4096xf32>
      %sub3A_120 = vector.broadcast %slice3A_118 : vector<8x1xf32> to vector<8x4096xf32>
      %sub3A_121 = arith.subf %sub3A_120, %slice3A_119 : vector<8x4096xf32>
      %lt3A_122 = arith.cmpf olt, %sub3A_121, %min3A_117 : vector<8x4096xf32>
      %add3A_123 = arith.constant 5.000000e+00 : f32
      %add3A_124 = arith.addf %mul3A_71, %add3A_123 : f32
      %broadcast_in_dim3A_125 = vector.broadcast %add3A_124 : f32 to vector<8x4096xf32>
      %select_n3A_126 = arith.select %lt3A_122, %broadcast_in_dim3A_125, %select_n3A_116 : vector<8x4096xi1>, vector<8x4096xf32>
      %min3A_127 = arith.minimumf %sub3A_121, %min3A_117 : vector<8x4096xf32>
      %slice3A_128 = vector.extract_strided_slice %get3A_68 {offsets = [48, 0], sizes = [8, 1], strides = [1, 1]} : vector<2048x1xf32> to vector<8x1xf32>
      %slice3A_129 = vector.extract_strided_slice %dot_general3A_63 {offsets = [48, 0], sizes = [8, 4096], strides = [1, 1]} : vector<2048x4096xf32> to vector<8x4096xf32>
      %sub3A_130 = vector.broadcast %slice3A_128 : vector<8x1xf32> to vector<8x4096xf32>
      %sub3A_131 = arith.subf %sub3A_130, %slice3A_129 : vector<8x4096xf32>
      %lt3A_132 = arith.cmpf olt, %sub3A_131, %min3A_127 : vector<8x4096xf32>
      %add3A_133 = arith.constant 6.000000e+00 : f32
      %add3A_134 = arith.addf %mul3A_71, %add3A_133 : f32
      %broadcast_in_dim3A_135 = vector.broadcast %add3A_134 : f32 to vector<8x4096xf32>
      %select_n3A_136 = arith.select %lt3A_132, %broadcast_in_dim3A_135, %select_n3A_126 : vector<8x4096xi1>, vector<8x4096xf32>
      %min3A_137 = arith.minimumf %sub3A_131, %min3A_127 : vector<8x4096xf32>
      %slice3A_138 = vector.extract_strided_slice %get3A_68 {offsets = [56, 0], sizes = [8, 1], strides = [1, 1]} : vector<2048x1xf32> to vector<8x1xf32>
      %slice3A_139 = vector.extract_strided_slice %dot_general3A_63 {offsets = [56, 0], sizes = [8, 4096], strides = [1, 1]} : vector<2048x4096xf32> to vector<8x4096xf32>
      %sub3A_140 = vector.broadcast %slice3A_138 : vector<8x1xf32> to vector<8x4096xf32>
      %sub3A_141 = arith.subf %sub3A_140, %slice3A_139 : vector<8x4096xf32>
      %lt3A_142 = arith.cmpf olt, %sub3A_141, %min3A_137 : vector<8x4096xf32>
      %add3A_143 = arith.constant 7.000000e+00 : f32
      %add3A_144 = arith.addf %mul3A_71, %add3A_143 : f32
      %broadcast_in_dim3A_145 = vector.broadcast %add3A_144 : f32 to vector<8x4096xf32>
      %select_n3A_146 = arith.select %lt3A_142, %broadcast_in_dim3A_145, %select_n3A_136 : vector<8x4096xi1>, vector<8x4096xf32>
      %min3A_147 = arith.minimumf %sub3A_141, %min3A_137 : vector<8x4096xf32>
      %slice3A_148 = vector.extract_strided_slice %get3A_68 {offsets = [64, 0], sizes = [8, 1], strides = [1, 1]} : vector<2048x1xf32> to vector<8x1xf32>
      %slice3A_149 = vector.extract_strided_slice %dot_general3A_63 {offsets = [64, 0], sizes = [8, 4096], strides = [1, 1]} : vector<2048x4096xf32> to vector<8x4096xf32>
      %sub3A_150 = vector.broadcast %slice3A_148 : vector<8x1xf32> to vector<8x4096xf32>
      %sub3A_151 = arith.subf %sub3A_150, %slice3A_149 : vector<8x4096xf32>
      %lt3A_152 = arith.cmpf olt, %sub3A_151, %min3A_147 : vector<8x4096xf32>
      %add3A_153 = arith.constant 8.000000e+00 : f32
      %add3A_154 = arith.addf %mul3A_71, %add3A_153 : f32
      %broadcast_in_dim3A_155 = vector.broadcast %add3A_154 : f32 to vector<8x4096xf32>
      %select_n3A_156 = arith.select %lt3A_152, %broadcast_in_dim3A_155, %select_n3A_146 : vector<8x4096xi1>, vector<8x4096xf32>
      %min3A_157 = arith.minimumf %sub3A_151, %min3A_147 : vector<8x4096xf32>
      %slice3A_158 = vector.extract_strided_slice %get3A_68 {offsets = [72, 0], sizes = [8, 1], strides = [1, 1]} : vector<2048x1xf32> to vector<8x1xf32>
      %slice3A_159 = vector.extract_strided_slice %dot_general3A_63 {offsets = [72, 0], sizes = [8, 4096], strides = [1, 1]} : vector<2048x4096xf32> to vector<8x4096xf32>
      %sub3A_160 = vector.broadcast %slice3A_158 : vector<8x1xf32> to vector<8x4096xf32>
      %sub3A_161 = arith.subf %sub3A_160, %slice3A_159 : vector<8x4096xf32>
      %lt3A_162 = arith.cmpf olt, %sub3A_161, %min3A_157 : vector<8x4096xf32>
      %add3A_163 = arith.constant 9.000000e+00 : f32
      %add3A_164 = arith.addf %mul3A_71, %add3A_163 : f32
      %broadcast_in_dim3A_165 = vector.broadcast %add3A_164 : f32 to vector<8x4096xf32>
      %select_n3A_166 = arith.select %lt3A_162, %broadcast_in_dim3A_165, %select_n3A_156 : vector<8x4096xi1>, vector<8x4096xf32>
      %min3A_167 = arith.minimumf %sub3A_161, %min3A_157 : vector<8x4096xf32>
      %slice3A_168 = vector.extract_strided_slice %get3A_68 {offsets = [80, 0], sizes = [8, 1], strides = [1, 1]} : vector<2048x1xf32> to vector<8x1xf32>
      %slice3A_169 = vector.extract_strided_slice %dot_general3A_63 {offsets = [80, 0], sizes = [8, 4096], strides = [1, 1]} : vector<2048x4096xf32> to vector<8x4096xf32>
      %sub3A_170 = vector.broadcast %slice3A_168 : vector<8x1xf32> to vector<8x4096xf32>
      %sub3A_171 = arith.subf %sub3A_170, %slice3A_169 : vector<8x4096xf32>
      %lt3A_172 = arith.cmpf olt, %sub3A_171, %min3A_167 : vector<8x4096xf32>
      %add3A_173 = arith.constant 1.000000e+01 : f32
      %add3A_174 = arith.addf %mul3A_71, %add3A_173 : f32
      %broadcast_in_dim3A_175 = vector.broadcast %add3A_174 : f32 to vector<8x4096xf32>
      %select_n3A_176 = arith.select %lt3A_172, %broadcast_in_dim3A_175, %select_n3A_166 : vector<8x4096xi1>, vector<8x4096xf32>
      %min3A_177 = arith.minimumf %sub3A_171, %min3A_167 : vector<8x4096xf32>
      %slice3A_178 = vector.extract_strided_slice %get3A_68 {offsets = [88, 0], sizes = [8, 1], strides = [1, 1]} : vector<2048x1xf32> to vector<8x1xf32>
      %slice3A_179 = vector.extract_strided_slice %dot_general3A_63 {offsets = [88, 0], sizes = [8, 4096], strides = [1, 1]} : vector<2048x4096xf32> to vector<8x4096xf32>
      %sub3A_180 = vector.broadcast %slice3A_178 : vector<8x1xf32> to vector<8x4096xf32>
      %sub3A_181 = arith.subf %sub3A_180, %slice3A_179 : vector<8x4096xf32>
      %lt3A_182 = arith.cmpf olt, %sub3A_181, %min3A_177 : vector<8x4096xf32>
      %add3A_183 = arith.constant 1.100000e+01 : f32
      %add3A_184 = arith.addf %mul3A_71, %add3A_183 : f32
      %broadcast_in_dim3A_185 = vector.broadcast %add3A_184 : f32 to vector<8x4096xf32>
      %select_n3A_186 = arith.select %lt3A_182, %broadcast_in_dim3A_185, %select_n3A_176 : vector<8x4096xi1>, vector<8x4096xf32>
      %min3A_187 = arith.minimumf %sub3A_181, %min3A_177 : vector<8x4096xf32>
      %slice3A_188 = vector.extract_strided_slice %get3A_68 {offsets = [96, 0], sizes = [8, 1], strides = [1, 1]} : vector<2048x1xf32> to vector<8x1xf32>
      %slice3A_189 = vector.extract_strided_slice %dot_general3A_63 {offsets = [96, 0], sizes = [8, 4096], strides = [1, 1]} : vector<2048x4096xf32> to vector<8x4096xf32>
      %sub3A_190 = vector.broadcast %slice3A_188 : vector<8x1xf32> to vector<8x4096xf32>
      %sub3A_191 = arith.subf %sub3A_190, %slice3A_189 : vector<8x4096xf32>
      %lt3A_192 = arith.cmpf olt, %sub3A_191, %min3A_187 : vector<8x4096xf32>
      %add3A_193 = arith.constant 1.200000e+01 : f32
      %add3A_194 = arith.addf %mul3A_71, %add3A_193 : f32
      %broadcast_in_dim3A_195 = vector.broadcast %add3A_194 : f32 to vector<8x4096xf32>
      %select_n3A_196 = arith.select %lt3A_192, %broadcast_in_dim3A_195, %select_n3A_186 : vector<8x4096xi1>, vector<8x4096xf32>
      %min3A_197 = arith.minimumf %sub3A_191, %min3A_187 : vector<8x4096xf32>
      %slice3A_198 = vector.extract_strided_slice %get3A_68 {offsets = [104, 0], sizes = [8, 1], strides = [1, 1]} : vector<2048x1xf32> to vector<8x1xf32>
      %slice3A_199 = vector.extract_strided_slice %dot_general3A_63 {offsets = [104, 0], sizes = [8, 4096], strides = [1, 1]} : vector<2048x4096xf32> to vector<8x4096xf32>
      %sub3A_200 = vector.broadcast %slice3A_198 : vector<8x1xf32> to vector<8x4096xf32>
      %sub3A_201 = arith.subf %sub3A_200, %slice3A_199 : vector<8x4096xf32>
      %lt3A_202 = arith.cmpf olt, %sub3A_201, %min3A_197 : vector<8x4096xf32>
      %add3A_203 = arith.constant 1.300000e+01 : f32
      %add3A_204 = arith.addf %mul3A_71, %add3A_203 : f32
      %broadcast_in_dim3A_205 = vector.broadcast %add3A_204 : f32 to vector<8x4096xf32>
      %select_n3A_206 = arith.select %lt3A_202, %broadcast_in_dim3A_205, %select_n3A_196 : vector<8x4096xi1>, vector<8x4096xf32>
      %min3A_207 = arith.minimumf %sub3A_201, %min3A_197 : vector<8x4096xf32>
      %slice3A_208 = vector.extract_strided_slice %get3A_68 {offsets = [112, 0], sizes = [8, 1], strides = [1, 1]} : vector<2048x1xf32> to vector<8x1xf32>
      %slice3A_209 = vector.extract_strided_slice %dot_general3A_63 {offsets = [112, 0], sizes = [8, 4096], strides = [1, 1]} : vector<2048x4096xf32> to vector<8x4096xf32>
      %sub3A_210 = vector.broadcast %slice3A_208 : vector<8x1xf32> to vector<8x4096xf32>
      %sub3A_211 = arith.subf %sub3A_210, %slice3A_209 : vector<8x4096xf32>
      %lt3A_212 = arith.cmpf olt, %sub3A_211, %min3A_207 : vector<8x4096xf32>
      %add3A_213 = arith.constant 1.400000e+01 : f32
      %add3A_214 = arith.addf %mul3A_71, %add3A_213 : f32
      %broadcast_in_dim3A_215 = vector.broadcast %add3A_214 : f32 to vector<8x4096xf32>
      %select_n3A_216 = arith.select %lt3A_212, %broadcast_in_dim3A_215, %select_n3A_206 : vector<8x4096xi1>, vector<8x4096xf32>
      %min3A_217 = arith.minimumf %sub3A_211, %min3A_207 : vector<8x4096xf32>
      %slice3A_218 = vector.extract_strided_slice %get3A_68 {offsets = [120, 0], sizes = [8, 1], strides = [1, 1]} : vector<2048x1xf32> to vector<8x1xf32>
      %slice3A_219 = vector.extract_strided_slice %dot_general3A_63 {offsets = [120, 0], sizes = [8, 4096], strides = [1, 1]} : vector<2048x4096xf32> to vector<8x4096xf32>
      %sub3A_220 = vector.broadcast %slice3A_218 : vector<8x1xf32> to vector<8x4096xf32>
      %sub3A_221 = arith.subf %sub3A_220, %slice3A_219 : vector<8x4096xf32>
      %lt3A_222 = arith.cmpf olt, %sub3A_221, %min3A_217 : vector<8x4096xf32>
      %add3A_223 = arith.constant 1.500000e+01 : f32
      %add3A_224 = arith.addf %mul3A_71, %add3A_223 : f32
      %broadcast_in_dim3A_225 = vector.broadcast %add3A_224 : f32 to vector<8x4096xf32>
      %select_n3A_226 = arith.select %lt3A_222, %broadcast_in_dim3A_225, %select_n3A_216 : vector<8x4096xi1>, vector<8x4096xf32>
      %min3A_227 = arith.minimumf %sub3A_221, %min3A_217 : vector<8x4096xf32>
      %slice3A_228 = vector.extract_strided_slice %get3A_68 {offsets = [128, 0], sizes = [8, 1], strides = [1, 1]} : vector<2048x1xf32> to vector<8x1xf32>
      %slice3A_229 = vector.extract_strided_slice %dot_general3A_63 {offsets = [128, 0], sizes = [8, 4096], strides = [1, 1]} : vector<2048x4096xf32> to vector<8x4096xf32>
      %sub3A_230 = vector.broadcast %slice3A_228 : vector<8x1xf32> to vector<8x4096xf32>
      %sub3A_231 = arith.subf %sub3A_230, %slice3A_229 : vector<8x4096xf32>
      %lt3A_232 = arith.cmpf olt, %sub3A_231, %min3A_227 : vector<8x4096xf32>
      %add3A_233 = arith.constant 1.600000e+01 : f32
      %add3A_234 = arith.addf %mul3A_71, %add3A_233 : f32
      %broadcast_in_dim3A_235 = vector.broadcast %add3A_234 : f32 to vector<8x4096xf32>
      %select_n3A_236 = arith.select %lt3A_232, %broadcast_in_dim3A_235, %select_n3A_226 : vector<8x4096xi1>, vector<8x4096xf32>
      %min3A_237 = arith.minimumf %sub3A_231, %min3A_227 : vector<8x4096xf32>
      %slice3A_238 = vector.extract_strided_slice %get3A_68 {offsets = [136, 0], sizes = [8, 1], strides = [1, 1]} : vector<2048x1xf32> to vector<8x1xf32>
      %slice3A_239 = vector.extract_strided_slice %dot_general3A_63 {offsets = [136, 0], sizes = [8, 4096], strides = [1, 1]} : vector<2048x4096xf32> to vector<8x4096xf32>
      %sub3A_240 = vector.broadcast %slice3A_238 : vector<8x1xf32> to vector<8x4096xf32>
      %sub3A_241 = arith.subf %sub3A_240, %slice3A_239 : vector<8x4096xf32>
      %lt3A_242 = arith.cmpf olt, %sub3A_241, %min3A_237 : vector<8x4096xf32>
      %add3A_243 = arith.constant 1.700000e+01 : f32
      %add3A_244 = arith.addf %mul3A_71, %add3A_243 : f32
      %broadcast_in_dim3A_245 = vector.broadcast %add3A_244 : f32 to vector<8x4096xf32>
      %select_n3A_246 = arith.select %lt3A_242, %broadcast_in_dim3A_245, %select_n3A_236 : vector<8x4096xi1>, vector<8x4096xf32>
      %min3A_247 = arith.minimumf %sub3A_241, %min3A_237 : vector<8x4096xf32>
      %slice3A_248 = vector.extract_strided_slice %get3A_68 {offsets = [144, 0], sizes = [8, 1], strides = [1, 1]} : vector<2048x1xf32> to vector<8x1xf32>
      %slice3A_249 = vector.extract_strided_slice %dot_general3A_63 {offsets = [144, 0], sizes = [8, 4096], strides = [1, 1]} : vector<2048x4096xf32> to vector<8x4096xf32>
      %sub3A_250 = vector.broadcast %slice3A_248 : vector<8x1xf32> to vector<8x4096xf32>
      %sub3A_251 = arith.subf %sub3A_250, %slice3A_249 : vector<8x4096xf32>
      %lt3A_252 = arith.cmpf olt, %sub3A_251, %min3A_247 : vector<8x4096xf32>
      %add3A_253 = arith.constant 1.800000e+01 : f32
      %add3A_254 = arith.addf %mul3A_71, %add3A_253 : f32
      %broadcast_in_dim3A_255 = vector.broadcast %add3A_254 : f32 to vector<8x4096xf32>
      %select_n3A_256 = arith.select %lt3A_252, %broadcast_in_dim3A_255, %select_n3A_246 : vector<8x4096xi1>, vector<8x4096xf32>
      %min3A_257 = arith.minimumf %sub3A_251, %min3A_247 : vector<8x4096xf32>
      %slice3A_258 = vector.extract_strided_slice %get3A_68 {offsets = [152, 0], sizes = [8, 1], strides = [1, 1]} : vector<2048x1xf32> to vector<8x1xf32>
      %slice3A_259 = vector.extract_strided_slice %dot_general3A_63 {offsets = [152, 0], sizes = [8, 4096], strides = [1, 1]} : vector<2048x4096xf32> to vector<8x4096xf32>
      %sub3A_260 = vector.broadcast %slice3A_258 : vector<8x1xf32> to vector<8x4096xf32>
      %sub3A_261 = arith.subf %sub3A_260, %slice3A_259 : vector<8x4096xf32>
      %lt3A_262 = arith.cmpf olt, %sub3A_261, %min3A_257 : vector<8x4096xf32>
      %add3A_263 = arith.constant 1.900000e+01 : f32
      %add3A_264 = arith.addf %mul3A_71, %add3A_263 : f32
      %broadcast_in_dim3A_265 = vector.broadcast %add3A_264 : f32 to vector<8x4096xf32>
      %select_n3A_266 = arith.select %lt3A_262, %broadcast_in_dim3A_265, %select_n3A_256 : vector<8x4096xi1>, vector<8x4096xf32>
      %min3A_267 = arith.minimumf %sub3A_261, %min3A_257 : vector<8x4096xf32>
      %slice3A_268 = vector.extract_strided_slice %get3A_68 {offsets = [160, 0], sizes = [8, 1], strides = [1, 1]} : vector<2048x1xf32> to vector<8x1xf32>
      %slice3A_269 = vector.extract_strided_slice %dot_general3A_63 {offsets = [160, 0], sizes = [8, 4096], strides = [1, 1]} : vector<2048x4096xf32> to vector<8x4096xf32>
      %sub3A_270 = vector.broadcast %slice3A_268 : vector<8x1xf32> to vector<8x4096xf32>
      %sub3A_271 = arith.subf %sub3A_270, %slice3A_269 : vector<8x4096xf32>
      %lt3A_272 = arith.cmpf olt, %sub3A_271, %min3A_267 : vector<8x4096xf32>
      %add3A_273 = arith.constant 2.000000e+01 : f32
      %add3A_274 = arith.addf %mul3A_71, %add3A_273 : f32
      %broadcast_in_dim3A_275 = vector.broadcast %add3A_274 : f32 to vector<8x4096xf32>
      %select_n3A_276 = arith.select %lt3A_272, %broadcast_in_dim3A_275, %select_n3A_266 : vector<8x4096xi1>, vector<8x4096xf32>
      %min3A_277 = arith.minimumf %sub3A_271, %min3A_267 : vector<8x4096xf32>
      %slice3A_278 = vector.extract_strided_slice %get3A_68 {offsets = [168, 0], sizes = [8, 1], strides = [1, 1]} : vector<2048x1xf32> to vector<8x1xf32>
      %slice3A_279 = vector.extract_strided_slice %dot_general3A_63 {offsets = [168, 0], sizes = [8, 4096], strides = [1, 1]} : vector<2048x4096xf32> to vector<8x4096xf32>
      %sub3A_280 = vector.broadcast %slice3A_278 : vector<8x1xf32> to vector<8x4096xf32>
      %sub3A_281 = arith.subf %sub3A_280, %slice3A_279 : vector<8x4096xf32>
      %lt3A_282 = arith.cmpf olt, %sub3A_281, %min3A_277 : vector<8x4096xf32>
      %add3A_283 = arith.constant 2.100000e+01 : f32
      %add3A_284 = arith.addf %mul3A_71, %add3A_283 : f32
      %broadcast_in_dim3A_285 = vector.broadcast %add3A_284 : f32 to vector<8x4096xf32>
      %select_n3A_286 = arith.select %lt3A_282, %broadcast_in_dim3A_285, %select_n3A_276 : vector<8x4096xi1>, vector<8x4096xf32>
      %min3A_287 = arith.minimumf %sub3A_281, %min3A_277 : vector<8x4096xf32>
      %slice3A_288 = vector.extract_strided_slice %get3A_68 {offsets = [176, 0], sizes = [8, 1], strides = [1, 1]} : vector<2048x1xf32> to vector<8x1xf32>
      %slice3A_289 = vector.extract_strided_slice %dot_general3A_63 {offsets = [176, 0], sizes = [8, 4096], strides = [1, 1]} : vector<2048x4096xf32> to vector<8x4096xf32>
      %sub3A_290 = vector.broadcast %slice3A_288 : vector<8x1xf32> to vector<8x4096xf32>
      %sub3A_291 = arith.subf %sub3A_290, %slice3A_289 : vector<8x4096xf32>
      %lt3A_292 = arith.cmpf olt, %sub3A_291, %min3A_287 : vector<8x4096xf32>
      %add3A_293 = arith.constant 2.200000e+01 : f32
      %add3A_294 = arith.addf %mul3A_71, %add3A_293 : f32
      %broadcast_in_dim3A_295 = vector.broadcast %add3A_294 : f32 to vector<8x4096xf32>
      %select_n3A_296 = arith.select %lt3A_292, %broadcast_in_dim3A_295, %select_n3A_286 : vector<8x4096xi1>, vector<8x4096xf32>
      %min3A_297 = arith.minimumf %sub3A_291, %min3A_287 : vector<8x4096xf32>
      %slice3A_298 = vector.extract_strided_slice %get3A_68 {offsets = [184, 0], sizes = [8, 1], strides = [1, 1]} : vector<2048x1xf32> to vector<8x1xf32>
      %slice3A_299 = vector.extract_strided_slice %dot_general3A_63 {offsets = [184, 0], sizes = [8, 4096], strides = [1, 1]} : vector<2048x4096xf32> to vector<8x4096xf32>
      %sub3A_300 = vector.broadcast %slice3A_298 : vector<8x1xf32> to vector<8x4096xf32>
      %sub3A_301 = arith.subf %sub3A_300, %slice3A_299 : vector<8x4096xf32>
      %lt3A_302 = arith.cmpf olt, %sub3A_301, %min3A_297 : vector<8x4096xf32>
      %add3A_303 = arith.constant 2.300000e+01 : f32
      %add3A_304 = arith.addf %mul3A_71, %add3A_303 : f32
      %broadcast_in_dim3A_305 = vector.broadcast %add3A_304 : f32 to vector<8x4096xf32>
      %select_n3A_306 = arith.select %lt3A_302, %broadcast_in_dim3A_305, %select_n3A_296 : vector<8x4096xi1>, vector<8x4096xf32>
      %min3A_307 = arith.minimumf %sub3A_301, %min3A_297 : vector<8x4096xf32>
      %slice3A_308 = vector.extract_strided_slice %get3A_68 {offsets = [192, 0], sizes = [8, 1], strides = [1, 1]} : vector<2048x1xf32> to vector<8x1xf32>
      %slice3A_309 = vector.extract_strided_slice %dot_general3A_63 {offsets = [192, 0], sizes = [8, 4096], strides = [1, 1]} : vector<2048x4096xf32> to vector<8x4096xf32>
      %sub3A_310 = vector.broadcast %slice3A_308 : vector<8x1xf32> to vector<8x4096xf32>
      %sub3A_311 = arith.subf %sub3A_310, %slice3A_309 : vector<8x4096xf32>
      %lt3A_312 = arith.cmpf olt, %sub3A_311, %min3A_307 : vector<8x4096xf32>
      %add3A_313 = arith.constant 2.400000e+01 : f32
      %add3A_314 = arith.addf %mul3A_71, %add3A_313 : f32
      %broadcast_in_dim3A_315 = vector.broadcast %add3A_314 : f32 to vector<8x4096xf32>
      %select_n3A_316 = arith.select %lt3A_312, %broadcast_in_dim3A_315, %select_n3A_306 : vector<8x4096xi1>, vector<8x4096xf32>
      %min3A_317 = arith.minimumf %sub3A_311, %min3A_307 : vector<8x4096xf32>
      %slice3A_318 = vector.extract_strided_slice %get3A_68 {offsets = [200, 0], sizes = [8, 1], strides = [1, 1]} : vector<2048x1xf32> to vector<8x1xf32>
      %slice3A_319 = vector.extract_strided_slice %dot_general3A_63 {offsets = [200, 0], sizes = [8, 4096], strides = [1, 1]} : vector<2048x4096xf32> to vector<8x4096xf32>
      %sub3A_320 = vector.broadcast %slice3A_318 : vector<8x1xf32> to vector<8x4096xf32>
      %sub3A_321 = arith.subf %sub3A_320, %slice3A_319 : vector<8x4096xf32>
      %lt3A_322 = arith.cmpf olt, %sub3A_321, %min3A_317 : vector<8x4096xf32>
      %add3A_323 = arith.constant 2.500000e+01 : f32
      %add3A_324 = arith.addf %mul3A_71, %add3A_323 : f32
      %broadcast_in_dim3A_325 = vector.broadcast %add3A_324 : f32 to vector<8x4096xf32>
      %select_n3A_326 = arith.select %lt3A_322, %broadcast_in_dim3A_325, %select_n3A_316 : vector<8x4096xi1>, vector<8x4096xf32>
      %min3A_327 = arith.minimumf %sub3A_321, %min3A_317 : vector<8x4096xf32>
      %slice3A_328 = vector.extract_strided_slice %get3A_68 {offsets = [208, 0], sizes = [8, 1], strides = [1, 1]} : vector<2048x1xf32> to vector<8x1xf32>
      %slice3A_329 = vector.extract_strided_slice %dot_general3A_63 {offsets = [208, 0], sizes = [8, 4096], strides = [1, 1]} : vector<2048x4096xf32> to vector<8x4096xf32>
      %sub3A_330 = vector.broadcast %slice3A_328 : vector<8x1xf32> to vector<8x4096xf32>
      %sub3A_331 = arith.subf %sub3A_330, %slice3A_329 : vector<8x4096xf32>
      %lt3A_332 = arith.cmpf olt, %sub3A_331, %min3A_327 : vector<8x4096xf32>
      %add3A_333 = arith.constant 2.600000e+01 : f32
      %add3A_334 = arith.addf %mul3A_71, %add3A_333 : f32
      %broadcast_in_dim3A_335 = vector.broadcast %add3A_334 : f32 to vector<8x4096xf32>
      %select_n3A_336 = arith.select %lt3A_332, %broadcast_in_dim3A_335, %select_n3A_326 : vector<8x4096xi1>, vector<8x4096xf32>
      %min3A_337 = arith.minimumf %sub3A_331, %min3A_327 : vector<8x4096xf32>
      %slice3A_338 = vector.extract_strided_slice %get3A_68 {offsets = [216, 0], sizes = [8, 1], strides = [1, 1]} : vector<2048x1xf32> to vector<8x1xf32>
      %slice3A_339 = vector.extract_strided_slice %dot_general3A_63 {offsets = [216, 0], sizes = [8, 4096], strides = [1, 1]} : vector<2048x4096xf32> to vector<8x4096xf32>
      %sub3A_340 = vector.broadcast %slice3A_338 : vector<8x1xf32> to vector<8x4096xf32>
      %sub3A_341 = arith.subf %sub3A_340, %slice3A_339 : vector<8x4096xf32>
      %lt3A_342 = arith.cmpf olt, %sub3A_341, %min3A_337 : vector<8x4096xf32>
      %add3A_343 = arith.constant 2.700000e+01 : f32
      %add3A_344 = arith.addf %mul3A_71, %add3A_343 : f32
      %broadcast_in_dim3A_345 = vector.broadcast %add3A_344 : f32 to vector<8x4096xf32>
      %select_n3A_346 = arith.select %lt3A_342, %broadcast_in_dim3A_345, %select_n3A_336 : vector<8x4096xi1>, vector<8x4096xf32>
      %min3A_347 = arith.minimumf %sub3A_341, %min3A_337 : vector<8x4096xf32>
      %slice3A_348 = vector.extract_strided_slice %get3A_68 {offsets = [224, 0], sizes = [8, 1], strides = [1, 1]} : vector<2048x1xf32> to vector<8x1xf32>
      %slice3A_349 = vector.extract_strided_slice %dot_general3A_63 {offsets = [224, 0], sizes = [8, 4096], strides = [1, 1]} : vector<2048x4096xf32> to vector<8x4096xf32>
      %sub3A_350 = vector.broadcast %slice3A_348 : vector<8x1xf32> to vector<8x4096xf32>
      %sub3A_351 = arith.subf %sub3A_350, %slice3A_349 : vector<8x4096xf32>
      %lt3A_352 = arith.cmpf olt, %sub3A_351, %min3A_347 : vector<8x4096xf32>
      %add3A_353 = arith.constant 2.800000e+01 : f32
      %add3A_354 = arith.addf %mul3A_71, %add3A_353 : f32
      %broadcast_in_dim3A_355 = vector.broadcast %add3A_354 : f32 to vector<8x4096xf32>
      %select_n3A_356 = arith.select %lt3A_352, %broadcast_in_dim3A_355, %select_n3A_346 : vector<8x4096xi1>, vector<8x4096xf32>
      %min3A_357 = arith.minimumf %sub3A_351, %min3A_347 : vector<8x4096xf32>
      %slice3A_358 = vector.extract_strided_slice %get3A_68 {offsets = [232, 0], sizes = [8, 1], strides = [1, 1]} : vector<2048x1xf32> to vector<8x1xf32>
      %slice3A_359 = vector.extract_strided_slice %dot_general3A_63 {offsets = [232, 0], sizes = [8, 4096], strides = [1, 1]} : vector<2048x4096xf32> to vector<8x4096xf32>
      %sub3A_360 = vector.broadcast %slice3A_358 : vector<8x1xf32> to vector<8x4096xf32>
      %sub3A_361 = arith.subf %sub3A_360, %slice3A_359 : vector<8x4096xf32>
      %lt3A_362 = arith.cmpf olt, %sub3A_361, %min3A_357 : vector<8x4096xf32>
      %add3A_363 = arith.constant 2.900000e+01 : f32
      %add3A_364 = arith.addf %mul3A_71, %add3A_363 : f32
      %broadcast_in_dim3A_365 = vector.broadcast %add3A_364 : f32 to vector<8x4096xf32>
      %select_n3A_366 = arith.select %lt3A_362, %broadcast_in_dim3A_365, %select_n3A_356 : vector<8x4096xi1>, vector<8x4096xf32>
      %min3A_367 = arith.minimumf %sub3A_361, %min3A_357 : vector<8x4096xf32>
      %slice3A_368 = vector.extract_strided_slice %get3A_68 {offsets = [240, 0], sizes = [8, 1], strides = [1, 1]} : vector<2048x1xf32> to vector<8x1xf32>
      %slice3A_369 = vector.extract_strided_slice %dot_general3A_63 {offsets = [240, 0], sizes = [8, 4096], strides = [1, 1]} : vector<2048x4096xf32> to vector<8x4096xf32>
      %sub3A_370 = vector.broadcast %slice3A_368 : vector<8x1xf32> to vector<8x4096xf32>
      %sub3A_371 = arith.subf %sub3A_370, %slice3A_369 : vector<8x4096xf32>
      %lt3A_372 = arith.cmpf olt, %sub3A_371, %min3A_367 : vector<8x4096xf32>
      %add3A_373 = arith.constant 3.000000e+01 : f32
      %add3A_374 = arith.addf %mul3A_71, %add3A_373 : f32
      %broadcast_in_dim3A_375 = vector.broadcast %add3A_374 : f32 to vector<8x4096xf32>
      %select_n3A_376 = arith.select %lt3A_372, %broadcast_in_dim3A_375, %select_n3A_366 : vector<8x4096xi1>, vector<8x4096xf32>
      %min3A_377 = arith.minimumf %sub3A_371, %min3A_367 : vector<8x4096xf32>
      %slice3A_378 = vector.extract_strided_slice %get3A_68 {offsets = [248, 0], sizes = [8, 1], strides = [1, 1]} : vector<2048x1xf32> to vector<8x1xf32>
      %slice3A_379 = vector.extract_strided_slice %dot_general3A_63 {offsets = [248, 0], sizes = [8, 4096], strides = [1, 1]} : vector<2048x4096xf32> to vector<8x4096xf32>
      %sub3A_380 = vector.broadcast %slice3A_378 : vector<8x1xf32> to vector<8x4096xf32>
      %sub3A_381 = arith.subf %sub3A_380, %slice3A_379 : vector<8x4096xf32>
      %lt3A_382 = arith.cmpf olt, %sub3A_381, %min3A_377 : vector<8x4096xf32>
      %add3A_383 = arith.constant 3.100000e+01 : f32
      %add3A_384 = arith.addf %mul3A_71, %add3A_383 : f32
      %broadcast_in_dim3A_385 = vector.broadcast %add3A_384 : f32 to vector<8x4096xf32>
      %select_n3A_386 = arith.select %lt3A_382, %broadcast_in_dim3A_385, %select_n3A_376 : vector<8x4096xi1>, vector<8x4096xf32>
      %min3A_387 = arith.minimumf %sub3A_381, %min3A_377 : vector<8x4096xf32>
      %slice3A_388 = vector.extract_strided_slice %get3A_68 {offsets = [256, 0], sizes = [8, 1], strides = [1, 1]} : vector<2048x1xf32> to vector<8x1xf32>
      %slice3A_389 = vector.extract_strided_slice %dot_general3A_63 {offsets = [256, 0], sizes = [8, 4096], strides = [1, 1]} : vector<2048x4096xf32> to vector<8x4096xf32>
      %sub3A_390 = vector.broadcast %slice3A_388 : vector<8x1xf32> to vector<8x4096xf32>
      %sub3A_391 = arith.subf %sub3A_390, %slice3A_389 : vector<8x4096xf32>
      %lt3A_392 = arith.cmpf olt, %sub3A_391, %min3A_387 : vector<8x4096xf32>
      %add3A_393 = arith.constant 3.200000e+01 : f32
      %add3A_394 = arith.addf %mul3A_71, %add3A_393 : f32
      %broadcast_in_dim3A_395 = vector.broadcast %add3A_394 : f32 to vector<8x4096xf32>
      %select_n3A_396 = arith.select %lt3A_392, %broadcast_in_dim3A_395, %select_n3A_386 : vector<8x4096xi1>, vector<8x4096xf32>
      %min3A_397 = arith.minimumf %sub3A_391, %min3A_387 : vector<8x4096xf32>
      %slice3A_398 = vector.extract_strided_slice %get3A_68 {offsets = [264, 0], sizes = [8, 1], strides = [1, 1]} : vector<2048x1xf32> to vector<8x1xf32>
      %slice3A_399 = vector.extract_strided_slice %dot_general3A_63 {offsets = [264, 0], sizes = [8, 4096], strides = [1, 1]} : vector<2048x4096xf32> to vector<8x4096xf32>
      %sub3A_400 = vector.broadcast %slice3A_398 : vector<8x1xf32> to vector<8x4096xf32>
      %sub3A_401 = arith.subf %sub3A_400, %slice3A_399 : vector<8x4096xf32>
      %lt3A_402 = arith.cmpf olt, %sub3A_401, %min3A_397 : vector<8x4096xf32>
      %add3A_403 = arith.constant 3.300000e+01 : f32
      %add3A_404 = arith.addf %mul3A_71, %add3A_403 : f32
      %broadcast_in_dim3A_405 = vector.broadcast %add3A_404 : f32 to vector<8x4096xf32>
      %select_n3A_406 = arith.select %lt3A_402, %broadcast_in_dim3A_405, %select_n3A_396 : vector<8x4096xi1>, vector<8x4096xf32>
      %min3A_407 = arith.minimumf %sub3A_401, %min3A_397 : vector<8x4096xf32>
      %slice3A_408 = vector.extract_strided_slice %get3A_68 {offsets = [272, 0], sizes = [8, 1], strides = [1, 1]} : vector<2048x1xf32> to vector<8x1xf32>
      %slice3A_409 = vector.extract_strided_slice %dot_general3A_63 {offsets = [272, 0], sizes = [8, 4096], strides = [1, 1]} : vector<2048x4096xf32> to vector<8x4096xf32>
      %sub3A_410 = vector.broadcast %slice3A_408 : vector<8x1xf32> to vector<8x4096xf32>
      %sub3A_411 = arith.subf %sub3A_410, %slice3A_409 : vector<8x4096xf32>
      %lt3A_412 = arith.cmpf olt, %sub3A_411, %min3A_407 : vector<8x4096xf32>
      %add3A_413 = arith.constant 3.400000e+01 : f32
      %add3A_414 = arith.addf %mul3A_71, %add3A_413 : f32
      %broadcast_in_dim3A_415 = vector.broadcast %add3A_414 : f32 to vector<8x4096xf32>
      %select_n3A_416 = arith.select %lt3A_412, %broadcast_in_dim3A_415, %select_n3A_406 : vector<8x4096xi1>, vector<8x4096xf32>
      %min3A_417 = arith.minimumf %sub3A_411, %min3A_407 : vector<8x4096xf32>
      %slice3A_418 = vector.extract_strided_slice %get3A_68 {offsets = [280, 0], sizes = [8, 1], strides = [1, 1]} : vector<2048x1xf32> to vector<8x1xf32>
      %slice3A_419 = vector.extract_strided_slice %dot_general3A_63 {offsets = [280, 0], sizes = [8, 4096], strides = [1, 1]} : vector<2048x4096xf32> to vector<8x4096xf32>
      %sub3A_420 = vector.broadcast %slice3A_418 : vector<8x1xf32> to vector<8x4096xf32>
      %sub3A_421 = arith.subf %sub3A_420, %slice3A_419 : vector<8x4096xf32>
      %lt3A_422 = arith.cmpf olt, %sub3A_421, %min3A_417 : vector<8x4096xf32>
      %add3A_423 = arith.constant 3.500000e+01 : f32
      %add3A_424 = arith.addf %mul3A_71, %add3A_423 : f32
      %broadcast_in_dim3A_425 = vector.broadcast %add3A_424 : f32 to vector<8x4096xf32>
      %select_n3A_426 = arith.select %lt3A_422, %broadcast_in_dim3A_425, %select_n3A_416 : vector<8x4096xi1>, vector<8x4096xf32>
      %min3A_427 = arith.minimumf %sub3A_421, %min3A_417 : vector<8x4096xf32>
      %slice3A_428 = vector.extract_strided_slice %get3A_68 {offsets = [288, 0], sizes = [8, 1], strides = [1, 1]} : vector<2048x1xf32> to vector<8x1xf32>
      %slice3A_429 = vector.extract_strided_slice %dot_general3A_63 {offsets = [288, 0], sizes = [8, 4096], strides = [1, 1]} : vector<2048x4096xf32> to vector<8x4096xf32>
      %sub3A_430 = vector.broadcast %slice3A_428 : vector<8x1xf32> to vector<8x4096xf32>
      %sub3A_431 = arith.subf %sub3A_430, %slice3A_429 : vector<8x4096xf32>
      %lt3A_432 = arith.cmpf olt, %sub3A_431, %min3A_427 : vector<8x4096xf32>
      %add3A_433 = arith.constant 3.600000e+01 : f32
      %add3A_434 = arith.addf %mul3A_71, %add3A_433 : f32
      %broadcast_in_dim3A_435 = vector.broadcast %add3A_434 : f32 to vector<8x4096xf32>
      %select_n3A_436 = arith.select %lt3A_432, %broadcast_in_dim3A_435, %select_n3A_426 : vector<8x4096xi1>, vector<8x4096xf32>
      %min3A_437 = arith.minimumf %sub3A_431, %min3A_427 : vector<8x4096xf32>
      %slice3A_438 = vector.extract_strided_slice %get3A_68 {offsets = [296, 0], sizes = [8, 1], strides = [1, 1]} : vector<2048x1xf32> to vector<8x1xf32>
      %slice3A_439 = vector.extract_strided_slice %dot_general3A_63 {offsets = [296, 0], sizes = [8, 4096], strides = [1, 1]} : vector<2048x4096xf32> to vector<8x4096xf32>
      %sub3A_440 = vector.broadcast %slice3A_438 : vector<8x1xf32> to vector<8x4096xf32>
      %sub3A_441 = arith.subf %sub3A_440, %slice3A_439 : vector<8x4096xf32>
      %lt3A_442 = arith.cmpf olt, %sub3A_441, %min3A_437 : vector<8x4096xf32>
      %add3A_443 = arith.constant 3.700000e+01 : f32
      %add3A_444 = arith.addf %mul3A_71, %add3A_443 : f32
      %broadcast_in_dim3A_445 = vector.broadcast %add3A_444 : f32 to vector<8x4096xf32>
      %select_n3A_446 = arith.select %lt3A_442, %broadcast_in_dim3A_445, %select_n3A_436 : vector<8x4096xi1>, vector<8x4096xf32>
      %min3A_447 = arith.minimumf %sub3A_441, %min3A_437 : vector<8x4096xf32>
      %slice3A_448 = vector.extract_strided_slice %get3A_68 {offsets = [304, 0], sizes = [8, 1], strides = [1, 1]} : vector<2048x1xf32> to vector<8x1xf32>
      %slice3A_449 = vector.extract_strided_slice %dot_general3A_63 {offsets = [304, 0], sizes = [8, 4096], strides = [1, 1]} : vector<2048x4096xf32> to vector<8x4096xf32>
      %sub3A_450 = vector.broadcast %slice3A_448 : vector<8x1xf32> to vector<8x4096xf32>
      %sub3A_451 = arith.subf %sub3A_450, %slice3A_449 : vector<8x4096xf32>
      %lt3A_452 = arith.cmpf olt, %sub3A_451, %min3A_447 : vector<8x4096xf32>
      %add3A_453 = arith.constant 3.800000e+01 : f32
      %add3A_454 = arith.addf %mul3A_71, %add3A_453 : f32
      %broadcast_in_dim3A_455 = vector.broadcast %add3A_454 : f32 to vector<8x4096xf32>
      %select_n3A_456 = arith.select %lt3A_452, %broadcast_in_dim3A_455, %select_n3A_446 : vector<8x4096xi1>, vector<8x4096xf32>
      %min3A_457 = arith.minimumf %sub3A_451, %min3A_447 : vector<8x4096xf32>
      %slice3A_458 = vector.extract_strided_slice %get3A_68 {offsets = [312, 0], sizes = [8, 1], strides = [1, 1]} : vector<2048x1xf32> to vector<8x1xf32>
      %slice3A_459 = vector.extract_strided_slice %dot_general3A_63 {offsets = [312, 0], sizes = [8, 4096], strides = [1, 1]} : vector<2048x4096xf32> to vector<8x4096xf32>
      %sub3A_460 = vector.broadcast %slice3A_458 : vector<8x1xf32> to vector<8x4096xf32>
      %sub3A_461 = arith.subf %sub3A_460, %slice3A_459 : vector<8x4096xf32>
      %lt3A_462 = arith.cmpf olt, %sub3A_461, %min3A_457 : vector<8x4096xf32>
      %add3A_463 = arith.constant 3.900000e+01 : f32
      %add3A_464 = arith.addf %mul3A_71, %add3A_463 : f32
      %broadcast_in_dim3A_465 = vector.broadcast %add3A_464 : f32 to vector<8x4096xf32>
      %select_n3A_466 = arith.select %lt3A_462, %broadcast_in_dim3A_465, %select_n3A_456 : vector<8x4096xi1>, vector<8x4096xf32>
      %min3A_467 = arith.minimumf %sub3A_461, %min3A_457 : vector<8x4096xf32>
      %slice3A_468 = vector.extract_strided_slice %get3A_68 {offsets = [320, 0], sizes = [8, 1], strides = [1, 1]} : vector<2048x1xf32> to vector<8x1xf32>
      %slice3A_469 = vector.extract_strided_slice %dot_general3A_63 {offsets = [320, 0], sizes = [8, 4096], strides = [1, 1]} : vector<2048x4096xf32> to vector<8x4096xf32>
      %sub3A_470 = vector.broadcast %slice3A_468 : vector<8x1xf32> to vector<8x4096xf32>
      %sub3A_471 = arith.subf %sub3A_470, %slice3A_469 : vector<8x4096xf32>
      %lt3A_472 = arith.cmpf olt, %sub3A_471, %min3A_467 : vector<8x4096xf32>
      %add3A_473 = arith.constant 4.000000e+01 : f32
      %add3A_474 = arith.addf %mul3A_71, %add3A_473 : f32
      %broadcast_in_dim3A_475 = vector.broadcast %add3A_474 : f32 to vector<8x4096xf32>
      %select_n3A_476 = arith.select %lt3A_472, %broadcast_in_dim3A_475, %select_n3A_466 : vector<8x4096xi1>, vector<8x4096xf32>
      %min3A_477 = arith.minimumf %sub3A_471, %min3A_467 : vector<8x4096xf32>
      %slice3A_478 = vector.extract_strided_slice %get3A_68 {offsets = [328, 0], sizes = [8, 1], strides = [1, 1]} : vector<2048x1xf32> to vector<8x1xf32>
      %slice3A_479 = vector.extract_strided_slice %dot_general3A_63 {offsets = [328, 0], sizes = [8, 4096], strides = [1, 1]} : vector<2048x4096xf32> to vector<8x4096xf32>
      %sub3A_480 = vector.broadcast %slice3A_478 : vector<8x1xf32> to vector<8x4096xf32>
      %sub3A_481 = arith.subf %sub3A_480, %slice3A_479 : vector<8x4096xf32>
      %lt3A_482 = arith.cmpf olt, %sub3A_481, %min3A_477 : vector<8x4096xf32>
      %add3A_483 = arith.constant 4.100000e+01 : f32
      %add3A_484 = arith.addf %mul3A_71, %add3A_483 : f32
      %broadcast_in_dim3A_485 = vector.broadcast %add3A_484 : f32 to vector<8x4096xf32>
      %select_n3A_486 = arith.select %lt3A_482, %broadcast_in_dim3A_485, %select_n3A_476 : vector<8x4096xi1>, vector<8x4096xf32>
      %min3A_487 = arith.minimumf %sub3A_481, %min3A_477 : vector<8x4096xf32>
      %slice3A_488 = vector.extract_strided_slice %get3A_68 {offsets = [336, 0], sizes = [8, 1], strides = [1, 1]} : vector<2048x1xf32> to vector<8x1xf32>
      %slice3A_489 = vector.extract_strided_slice %dot_general3A_63 {offsets = [336, 0], sizes = [8, 4096], strides = [1, 1]} : vector<2048x4096xf32> to vector<8x4096xf32>
      %sub3A_490 = vector.broadcast %slice3A_488 : vector<8x1xf32> to vector<8x4096xf32>
      %sub3A_491 = arith.subf %sub3A_490, %slice3A_489 : vector<8x4096xf32>
      %lt3A_492 = arith.cmpf olt, %sub3A_491, %min3A_487 : vector<8x4096xf32>
      %add3A_493 = arith.constant 4.200000e+01 : f32
      %add3A_494 = arith.addf %mul3A_71, %add3A_493 : f32
      %broadcast_in_dim3A_495 = vector.broadcast %add3A_494 : f32 to vector<8x4096xf32>
      %select_n3A_496 = arith.select %lt3A_492, %broadcast_in_dim3A_495, %select_n3A_486 : vector<8x4096xi1>, vector<8x4096xf32>
      %min3A_497 = arith.minimumf %sub3A_491, %min3A_487 : vector<8x4096xf32>
      %slice3A_498 = vector.extract_strided_slice %get3A_68 {offsets = [344, 0], sizes = [8, 1], strides = [1, 1]} : vector<2048x1xf32> to vector<8x1xf32>
      %slice3A_499 = vector.extract_strided_slice %dot_general3A_63 {offsets = [344, 0], sizes = [8, 4096], strides = [1, 1]} : vector<2048x4096xf32> to vector<8x4096xf32>
      %sub3A_500 = vector.broadcast %slice3A_498 : vector<8x1xf32> to vector<8x4096xf32>
      %sub3A_501 = arith.subf %sub3A_500, %slice3A_499 : vector<8x4096xf32>
      %lt3A_502 = arith.cmpf olt, %sub3A_501, %min3A_497 : vector<8x4096xf32>
      %add3A_503 = arith.constant 4.300000e+01 : f32
      %add3A_504 = arith.addf %mul3A_71, %add3A_503 : f32
      %broadcast_in_dim3A_505 = vector.broadcast %add3A_504 : f32 to vector<8x4096xf32>
      %select_n3A_506 = arith.select %lt3A_502, %broadcast_in_dim3A_505, %select_n3A_496 : vector<8x4096xi1>, vector<8x4096xf32>
      %min3A_507 = arith.minimumf %sub3A_501, %min3A_497 : vector<8x4096xf32>
      %slice3A_508 = vector.extract_strided_slice %get3A_68 {offsets = [352, 0], sizes = [8, 1], strides = [1, 1]} : vector<2048x1xf32> to vector<8x1xf32>
      %slice3A_509 = vector.extract_strided_slice %dot_general3A_63 {offsets = [352, 0], sizes = [8, 4096], strides = [1, 1]} : vector<2048x4096xf32> to vector<8x4096xf32>
      %sub3A_510 = vector.broadcast %slice3A_508 : vector<8x1xf32> to vector<8x4096xf32>
      %sub3A_511 = arith.subf %sub3A_510, %slice3A_509 : vector<8x4096xf32>
      %lt3A_512 = arith.cmpf olt, %sub3A_511, %min3A_507 : vector<8x4096xf32>
      %add3A_513 = arith.constant 4.400000e+01 : f32
      %add3A_514 = arith.addf %mul3A_71, %add3A_513 : f32
      %broadcast_in_dim3A_515 = vector.broadcast %add3A_514 : f32 to vector<8x4096xf32>
      %select_n3A_516 = arith.select %lt3A_512, %broadcast_in_dim3A_515, %select_n3A_506 : vector<8x4096xi1>, vector<8x4096xf32>
      %min3A_517 = arith.minimumf %sub3A_511, %min3A_507 : vector<8x4096xf32>
      %slice3A_518 = vector.extract_strided_slice %get3A_68 {offsets = [360, 0], sizes = [8, 1], strides = [1, 1]} : vector<2048x1xf32> to vector<8x1xf32>
      %slice3A_519 = vector.extract_strided_slice %dot_general3A_63 {offsets = [360, 0], sizes = [8, 4096], strides = [1, 1]} : vector<2048x4096xf32> to vector<8x4096xf32>
      %sub3A_520 = vector.broadcast %slice3A_518 : vector<8x1xf32> to vector<8x4096xf32>
      %sub3A_521 = arith.subf %sub3A_520, %slice3A_519 : vector<8x4096xf32>
      %lt3A_522 = arith.cmpf olt, %sub3A_521, %min3A_517 : vector<8x4096xf32>
      %add3A_523 = arith.constant 4.500000e+01 : f32
      %add3A_524 = arith.addf %mul3A_71, %add3A_523 : f32
      %broadcast_in_dim3A_525 = vector.broadcast %add3A_524 : f32 to vector<8x4096xf32>
      %select_n3A_526 = arith.select %lt3A_522, %broadcast_in_dim3A_525, %select_n3A_516 : vector<8x4096xi1>, vector<8x4096xf32>
      %min3A_527 = arith.minimumf %sub3A_521, %min3A_517 : vector<8x4096xf32>
      %slice3A_528 = vector.extract_strided_slice %get3A_68 {offsets = [368, 0], sizes = [8, 1], strides = [1, 1]} : vector<2048x1xf32> to vector<8x1xf32>
      %slice3A_529 = vector.extract_strided_slice %dot_general3A_63 {offsets = [368, 0], sizes = [8, 4096], strides = [1, 1]} : vector<2048x4096xf32> to vector<8x4096xf32>
      %sub3A_530 = vector.broadcast %slice3A_528 : vector<8x1xf32> to vector<8x4096xf32>
      %sub3A_531 = arith.subf %sub3A_530, %slice3A_529 : vector<8x4096xf32>
      %lt3A_532 = arith.cmpf olt, %sub3A_531, %min3A_527 : vector<8x4096xf32>
      %add3A_533 = arith.constant 4.600000e+01 : f32
      %add3A_534 = arith.addf %mul3A_71, %add3A_533 : f32
      %broadcast_in_dim3A_535 = vector.broadcast %add3A_534 : f32 to vector<8x4096xf32>
      %select_n3A_536 = arith.select %lt3A_532, %broadcast_in_dim3A_535, %select_n3A_526 : vector<8x4096xi1>, vector<8x4096xf32>
      %min3A_537 = arith.minimumf %sub3A_531, %min3A_527 : vector<8x4096xf32>
      %slice3A_538 = vector.extract_strided_slice %get3A_68 {offsets = [376, 0], sizes = [8, 1], strides = [1, 1]} : vector<2048x1xf32> to vector<8x1xf32>
      %slice3A_539 = vector.extract_strided_slice %dot_general3A_63 {offsets = [376, 0], sizes = [8, 4096], strides = [1, 1]} : vector<2048x4096xf32> to vector<8x4096xf32>
      %sub3A_540 = vector.broadcast %slice3A_538 : vector<8x1xf32> to vector<8x4096xf32>
      %sub3A_541 = arith.subf %sub3A_540, %slice3A_539 : vector<8x4096xf32>
      %lt3A_542 = arith.cmpf olt, %sub3A_541, %min3A_537 : vector<8x4096xf32>
      %add3A_543 = arith.constant 4.700000e+01 : f32
      %add3A_544 = arith.addf %mul3A_71, %add3A_543 : f32
      %broadcast_in_dim3A_545 = vector.broadcast %add3A_544 : f32 to vector<8x4096xf32>
      %select_n3A_546 = arith.select %lt3A_542, %broadcast_in_dim3A_545, %select_n3A_536 : vector<8x4096xi1>, vector<8x4096xf32>
      %min3A_547 = arith.minimumf %sub3A_541, %min3A_537 : vector<8x4096xf32>
      %slice3A_548 = vector.extract_strided_slice %get3A_68 {offsets = [384, 0], sizes = [8, 1], strides = [1, 1]} : vector<2048x1xf32> to vector<8x1xf32>
      %slice3A_549 = vector.extract_strided_slice %dot_general3A_63 {offsets = [384, 0], sizes = [8, 4096], strides = [1, 1]} : vector<2048x4096xf32> to vector<8x4096xf32>
      %sub3A_550 = vector.broadcast %slice3A_548 : vector<8x1xf32> to vector<8x4096xf32>
      %sub3A_551 = arith.subf %sub3A_550, %slice3A_549 : vector<8x4096xf32>
      %lt3A_552 = arith.cmpf olt, %sub3A_551, %min3A_547 : vector<8x4096xf32>
      %add3A_553 = arith.constant 4.800000e+01 : f32
      %add3A_554 = arith.addf %mul3A_71, %add3A_553 : f32
      %broadcast_in_dim3A_555 = vector.broadcast %add3A_554 : f32 to vector<8x4096xf32>
      %select_n3A_556 = arith.select %lt3A_552, %broadcast_in_dim3A_555, %select_n3A_546 : vector<8x4096xi1>, vector<8x4096xf32>
      %min3A_557 = arith.minimumf %sub3A_551, %min3A_547 : vector<8x4096xf32>
      %slice3A_558 = vector.extract_strided_slice %get3A_68 {offsets = [392, 0], sizes = [8, 1], strides = [1, 1]} : vector<2048x1xf32> to vector<8x1xf32>
      %slice3A_559 = vector.extract_strided_slice %dot_general3A_63 {offsets = [392, 0], sizes = [8, 4096], strides = [1, 1]} : vector<2048x4096xf32> to vector<8x4096xf32>
      %sub3A_560 = vector.broadcast %slice3A_558 : vector<8x1xf32> to vector<8x4096xf32>
      %sub3A_561 = arith.subf %sub3A_560, %slice3A_559 : vector<8x4096xf32>
      %lt3A_562 = arith.cmpf olt, %sub3A_561, %min3A_557 : vector<8x4096xf32>
      %add3A_563 = arith.constant 4.900000e+01 : f32
      %add3A_564 = arith.addf %mul3A_71, %add3A_563 : f32
      %broadcast_in_dim3A_565 = vector.broadcast %add3A_564 : f32 to vector<8x4096xf32>
      %select_n3A_566 = arith.select %lt3A_562, %broadcast_in_dim3A_565, %select_n3A_556 : vector<8x4096xi1>, vector<8x4096xf32>
      %min3A_567 = arith.minimumf %sub3A_561, %min3A_557 : vector<8x4096xf32>
      %slice3A_568 = vector.extract_strided_slice %get3A_68 {offsets = [400, 0], sizes = [8, 1], strides = [1, 1]} : vector<2048x1xf32> to vector<8x1xf32>
      %slice3A_569 = vector.extract_strided_slice %dot_general3A_63 {offsets = [400, 0], sizes = [8, 4096], strides = [1, 1]} : vector<2048x4096xf32> to vector<8x4096xf32>
      %sub3A_570 = vector.broadcast %slice3A_568 : vector<8x1xf32> to vector<8x4096xf32>
      %sub3A_571 = arith.subf %sub3A_570, %slice3A_569 : vector<8x4096xf32>
      %lt3A_572 = arith.cmpf olt, %sub3A_571, %min3A_567 : vector<8x4096xf32>
      %add3A_573 = arith.constant 5.000000e+01 : f32
      %add3A_574 = arith.addf %mul3A_71, %add3A_573 : f32
      %broadcast_in_dim3A_575 = vector.broadcast %add3A_574 : f32 to vector<8x4096xf32>
      %select_n3A_576 = arith.select %lt3A_572, %broadcast_in_dim3A_575, %select_n3A_566 : vector<8x4096xi1>, vector<8x4096xf32>
      %min3A_577 = arith.minimumf %sub3A_571, %min3A_567 : vector<8x4096xf32>
      %slice3A_578 = vector.extract_strided_slice %get3A_68 {offsets = [408, 0], sizes = [8, 1], strides = [1, 1]} : vector<2048x1xf32> to vector<8x1xf32>
      %slice3A_579 = vector.extract_strided_slice %dot_general3A_63 {offsets = [408, 0], sizes = [8, 4096], strides = [1, 1]} : vector<2048x4096xf32> to vector<8x4096xf32>
      %sub3A_580 = vector.broadcast %slice3A_578 : vector<8x1xf32> to vector<8x4096xf32>
      %sub3A_581 = arith.subf %sub3A_580, %slice3A_579 : vector<8x4096xf32>
      %lt3A_582 = arith.cmpf olt, %sub3A_581, %min3A_577 : vector<8x4096xf32>
      %add3A_583 = arith.constant 5.100000e+01 : f32
      %add3A_584 = arith.addf %mul3A_71, %add3A_583 : f32
      %broadcast_in_dim3A_585 = vector.broadcast %add3A_584 : f32 to vector<8x4096xf32>
      %select_n3A_586 = arith.select %lt3A_582, %broadcast_in_dim3A_585, %select_n3A_576 : vector<8x4096xi1>, vector<8x4096xf32>
      %min3A_587 = arith.minimumf %sub3A_581, %min3A_577 : vector<8x4096xf32>
      %slice3A_588 = vector.extract_strided_slice %get3A_68 {offsets = [416, 0], sizes = [8, 1], strides = [1, 1]} : vector<2048x1xf32> to vector<8x1xf32>
      %slice3A_589 = vector.extract_strided_slice %dot_general3A_63 {offsets = [416, 0], sizes = [8, 4096], strides = [1, 1]} : vector<2048x4096xf32> to vector<8x4096xf32>
      %sub3A_590 = vector.broadcast %slice3A_588 : vector<8x1xf32> to vector<8x4096xf32>
      %sub3A_591 = arith.subf %sub3A_590, %slice3A_589 : vector<8x4096xf32>
      %lt3A_592 = arith.cmpf olt, %sub3A_591, %min3A_587 : vector<8x4096xf32>
      %add3A_593 = arith.constant 5.200000e+01 : f32
      %add3A_594 = arith.addf %mul3A_71, %add3A_593 : f32
      %broadcast_in_dim3A_595 = vector.broadcast %add3A_594 : f32 to vector<8x4096xf32>
      %select_n3A_596 = arith.select %lt3A_592, %broadcast_in_dim3A_595, %select_n3A_586 : vector<8x4096xi1>, vector<8x4096xf32>
      %min3A_597 = arith.minimumf %sub3A_591, %min3A_587 : vector<8x4096xf32>
      %slice3A_598 = vector.extract_strided_slice %get3A_68 {offsets = [424, 0], sizes = [8, 1], strides = [1, 1]} : vector<2048x1xf32> to vector<8x1xf32>
      %slice3A_599 = vector.extract_strided_slice %dot_general3A_63 {offsets = [424, 0], sizes = [8, 4096], strides = [1, 1]} : vector<2048x4096xf32> to vector<8x4096xf32>
      %sub3A_600 = vector.broadcast %slice3A_598 : vector<8x1xf32> to vector<8x4096xf32>
      %sub3A_601 = arith.subf %sub3A_600, %slice3A_599 : vector<8x4096xf32>
      %lt3A_602 = arith.cmpf olt, %sub3A_601, %min3A_597 : vector<8x4096xf32>
      %add3A_603 = arith.constant 5.300000e+01 : f32
      %add3A_604 = arith.addf %mul3A_71, %add3A_603 : f32
      %broadcast_in_dim3A_605 = vector.broadcast %add3A_604 : f32 to vector<8x4096xf32>
      %select_n3A_606 = arith.select %lt3A_602, %broadcast_in_dim3A_605, %select_n3A_596 : vector<8x4096xi1>, vector<8x4096xf32>
      %min3A_607 = arith.minimumf %sub3A_601, %min3A_597 : vector<8x4096xf32>
      %slice3A_608 = vector.extract_strided_slice %get3A_68 {offsets = [432, 0], sizes = [8, 1], strides = [1, 1]} : vector<2048x1xf32> to vector<8x1xf32>
      %slice3A_609 = vector.extract_strided_slice %dot_general3A_63 {offsets = [432, 0], sizes = [8, 4096], strides = [1, 1]} : vector<2048x4096xf32> to vector<8x4096xf32>
      %sub3A_610 = vector.broadcast %slice3A_608 : vector<8x1xf32> to vector<8x4096xf32>
      %sub3A_611 = arith.subf %sub3A_610, %slice3A_609 : vector<8x4096xf32>
      %lt3A_612 = arith.cmpf olt, %sub3A_611, %min3A_607 : vector<8x4096xf32>
      %add3A_613 = arith.constant 5.400000e+01 : f32
      %add3A_614 = arith.addf %mul3A_71, %add3A_613 : f32
      %broadcast_in_dim3A_615 = vector.broadcast %add3A_614 : f32 to vector<8x4096xf32>
      %select_n3A_616 = arith.select %lt3A_612, %broadcast_in_dim3A_615, %select_n3A_606 : vector<8x4096xi1>, vector<8x4096xf32>
      %min3A_617 = arith.minimumf %sub3A_611, %min3A_607 : vector<8x4096xf32>
      %slice3A_618 = vector.extract_strided_slice %get3A_68 {offsets = [440, 0], sizes = [8, 1], strides = [1, 1]} : vector<2048x1xf32> to vector<8x1xf32>
      %slice3A_619 = vector.extract_strided_slice %dot_general3A_63 {offsets = [440, 0], sizes = [8, 4096], strides = [1, 1]} : vector<2048x4096xf32> to vector<8x4096xf32>
      %sub3A_620 = vector.broadcast %slice3A_618 : vector<8x1xf32> to vector<8x4096xf32>
      %sub3A_621 = arith.subf %sub3A_620, %slice3A_619 : vector<8x4096xf32>
      %lt3A_622 = arith.cmpf olt, %sub3A_621, %min3A_617 : vector<8x4096xf32>
      %add3A_623 = arith.constant 5.500000e+01 : f32
      %add3A_624 = arith.addf %mul3A_71, %add3A_623 : f32
      %broadcast_in_dim3A_625 = vector.broadcast %add3A_624 : f32 to vector<8x4096xf32>
      %select_n3A_626 = arith.select %lt3A_622, %broadcast_in_dim3A_625, %select_n3A_616 : vector<8x4096xi1>, vector<8x4096xf32>
      %min3A_627 = arith.minimumf %sub3A_621, %min3A_617 : vector<8x4096xf32>
      %slice3A_628 = vector.extract_strided_slice %get3A_68 {offsets = [448, 0], sizes = [8, 1], strides = [1, 1]} : vector<2048x1xf32> to vector<8x1xf32>
      %slice3A_629 = vector.extract_strided_slice %dot_general3A_63 {offsets = [448, 0], sizes = [8, 4096], strides = [1, 1]} : vector<2048x4096xf32> to vector<8x4096xf32>
      %sub3A_630 = vector.broadcast %slice3A_628 : vector<8x1xf32> to vector<8x4096xf32>
      %sub3A_631 = arith.subf %sub3A_630, %slice3A_629 : vector<8x4096xf32>
      %lt3A_632 = arith.cmpf olt, %sub3A_631, %min3A_627 : vector<8x4096xf32>
      %add3A_633 = arith.constant 5.600000e+01 : f32
      %add3A_634 = arith.addf %mul3A_71, %add3A_633 : f32
      %broadcast_in_dim3A_635 = vector.broadcast %add3A_634 : f32 to vector<8x4096xf32>
      %select_n3A_636 = arith.select %lt3A_632, %broadcast_in_dim3A_635, %select_n3A_626 : vector<8x4096xi1>, vector<8x4096xf32>
      %min3A_637 = arith.minimumf %sub3A_631, %min3A_627 : vector<8x4096xf32>
      %slice3A_638 = vector.extract_strided_slice %get3A_68 {offsets = [456, 0], sizes = [8, 1], strides = [1, 1]} : vector<2048x1xf32> to vector<8x1xf32>
      %slice3A_639 = vector.extract_strided_slice %dot_general3A_63 {offsets = [456, 0], sizes = [8, 4096], strides = [1, 1]} : vector<2048x4096xf32> to vector<8x4096xf32>
      %sub3A_640 = vector.broadcast %slice3A_638 : vector<8x1xf32> to vector<8x4096xf32>
      %sub3A_641 = arith.subf %sub3A_640, %slice3A_639 : vector<8x4096xf32>
      %lt3A_642 = arith.cmpf olt, %sub3A_641, %min3A_637 : vector<8x4096xf32>
      %add3A_643 = arith.constant 5.700000e+01 : f32
      %add3A_644 = arith.addf %mul3A_71, %add3A_643 : f32
      %broadcast_in_dim3A_645 = vector.broadcast %add3A_644 : f32 to vector<8x4096xf32>
      %select_n3A_646 = arith.select %lt3A_642, %broadcast_in_dim3A_645, %select_n3A_636 : vector<8x4096xi1>, vector<8x4096xf32>
      %min3A_647 = arith.minimumf %sub3A_641, %min3A_637 : vector<8x4096xf32>
      %slice3A_648 = vector.extract_strided_slice %get3A_68 {offsets = [464, 0], sizes = [8, 1], strides = [1, 1]} : vector<2048x1xf32> to vector<8x1xf32>
      %slice3A_649 = vector.extract_strided_slice %dot_general3A_63 {offsets = [464, 0], sizes = [8, 4096], strides = [1, 1]} : vector<2048x4096xf32> to vector<8x4096xf32>
      %sub3A_650 = vector.broadcast %slice3A_648 : vector<8x1xf32> to vector<8x4096xf32>
      %sub3A_651 = arith.subf %sub3A_650, %slice3A_649 : vector<8x4096xf32>
      %lt3A_652 = arith.cmpf olt, %sub3A_651, %min3A_647 : vector<8x4096xf32>
      %add3A_653 = arith.constant 5.800000e+01 : f32
      %add3A_654 = arith.addf %mul3A_71, %add3A_653 : f32
      %broadcast_in_dim3A_655 = vector.broadcast %add3A_654 : f32 to vector<8x4096xf32>
      %select_n3A_656 = arith.select %lt3A_652, %broadcast_in_dim3A_655, %select_n3A_646 : vector<8x4096xi1>, vector<8x4096xf32>
      %min3A_657 = arith.minimumf %sub3A_651, %min3A_647 : vector<8x4096xf32>
      %slice3A_658 = vector.extract_strided_slice %get3A_68 {offsets = [472, 0], sizes = [8, 1], strides = [1, 1]} : vector<2048x1xf32> to vector<8x1xf32>
      %slice3A_659 = vector.extract_strided_slice %dot_general3A_63 {offsets = [472, 0], sizes = [8, 4096], strides = [1, 1]} : vector<2048x4096xf32> to vector<8x4096xf32>
      %sub3A_660 = vector.broadcast %slice3A_658 : vector<8x1xf32> to vector<8x4096xf32>
      %sub3A_661 = arith.subf %sub3A_660, %slice3A_659 : vector<8x4096xf32>
      %lt3A_662 = arith.cmpf olt, %sub3A_661, %min3A_657 : vector<8x4096xf32>
      %add3A_663 = arith.constant 5.900000e+01 : f32
      %add3A_664 = arith.addf %mul3A_71, %add3A_663 : f32
      %broadcast_in_dim3A_665 = vector.broadcast %add3A_664 : f32 to vector<8x4096xf32>
      %select_n3A_666 = arith.select %lt3A_662, %broadcast_in_dim3A_665, %select_n3A_656 : vector<8x4096xi1>, vector<8x4096xf32>
      %min3A_667 = arith.minimumf %sub3A_661, %min3A_657 : vector<8x4096xf32>
      %slice3A_668 = vector.extract_strided_slice %get3A_68 {offsets = [480, 0], sizes = [8, 1], strides = [1, 1]} : vector<2048x1xf32> to vector<8x1xf32>
      %slice3A_669 = vector.extract_strided_slice %dot_general3A_63 {offsets = [480, 0], sizes = [8, 4096], strides = [1, 1]} : vector<2048x4096xf32> to vector<8x4096xf32>
      %sub3A_670 = vector.broadcast %slice3A_668 : vector<8x1xf32> to vector<8x4096xf32>
      %sub3A_671 = arith.subf %sub3A_670, %slice3A_669 : vector<8x4096xf32>
      %lt3A_672 = arith.cmpf olt, %sub3A_671, %min3A_667 : vector<8x4096xf32>
      %add3A_673 = arith.constant 6.000000e+01 : f32
      %add3A_674 = arith.addf %mul3A_71, %add3A_673 : f32
      %broadcast_in_dim3A_675 = vector.broadcast %add3A_674 : f32 to vector<8x4096xf32>
      %select_n3A_676 = arith.select %lt3A_672, %broadcast_in_dim3A_675, %select_n3A_666 : vector<8x4096xi1>, vector<8x4096xf32>
      %min3A_677 = arith.minimumf %sub3A_671, %min3A_667 : vector<8x4096xf32>
      %slice3A_678 = vector.extract_strided_slice %get3A_68 {offsets = [488, 0], sizes = [8, 1], strides = [1, 1]} : vector<2048x1xf32> to vector<8x1xf32>
      %slice3A_679 = vector.extract_strided_slice %dot_general3A_63 {offsets = [488, 0], sizes = [8, 4096], strides = [1, 1]} : vector<2048x4096xf32> to vector<8x4096xf32>
      %sub3A_680 = vector.broadcast %slice3A_678 : vector<8x1xf32> to vector<8x4096xf32>
      %sub3A_681 = arith.subf %sub3A_680, %slice3A_679 : vector<8x4096xf32>
      %lt3A_682 = arith.cmpf olt, %sub3A_681, %min3A_677 : vector<8x4096xf32>
      %add3A_683 = arith.constant 6.100000e+01 : f32
      %add3A_684 = arith.addf %mul3A_71, %add3A_683 : f32
      %broadcast_in_dim3A_685 = vector.broadcast %add3A_684 : f32 to vector<8x4096xf32>
      %select_n3A_686 = arith.select %lt3A_682, %broadcast_in_dim3A_685, %select_n3A_676 : vector<8x4096xi1>, vector<8x4096xf32>
      %min3A_687 = arith.minimumf %sub3A_681, %min3A_677 : vector<8x4096xf32>
      %slice3A_688 = vector.extract_strided_slice %get3A_68 {offsets = [496, 0], sizes = [8, 1], strides = [1, 1]} : vector<2048x1xf32> to vector<8x1xf32>
      %slice3A_689 = vector.extract_strided_slice %dot_general3A_63 {offsets = [496, 0], sizes = [8, 4096], strides = [1, 1]} : vector<2048x4096xf32> to vector<8x4096xf32>
      %sub3A_690 = vector.broadcast %slice3A_688 : vector<8x1xf32> to vector<8x4096xf32>
      %sub3A_691 = arith.subf %sub3A_690, %slice3A_689 : vector<8x4096xf32>
      %lt3A_692 = arith.cmpf olt, %sub3A_691, %min3A_687 : vector<8x4096xf32>
      %add3A_693 = arith.constant 6.200000e+01 : f32
      %add3A_694 = arith.addf %mul3A_71, %add3A_693 : f32
      %broadcast_in_dim3A_695 = vector.broadcast %add3A_694 : f32 to vector<8x4096xf32>
      %select_n3A_696 = arith.select %lt3A_692, %broadcast_in_dim3A_695, %select_n3A_686 : vector<8x4096xi1>, vector<8x4096xf32>
      %min3A_697 = arith.minimumf %sub3A_691, %min3A_687 : vector<8x4096xf32>
      %slice3A_698 = vector.extract_strided_slice %get3A_68 {offsets = [504, 0], sizes = [8, 1], strides = [1, 1]} : vector<2048x1xf32> to vector<8x1xf32>
      %slice3A_699 = vector.extract_strided_slice %dot_general3A_63 {offsets = [504, 0], sizes = [8, 4096], strides = [1, 1]} : vector<2048x4096xf32> to vector<8x4096xf32>
      %sub3A_700 = vector.broadcast %slice3A_698 : vector<8x1xf32> to vector<8x4096xf32>
      %sub3A_701 = arith.subf %sub3A_700, %slice3A_699 : vector<8x4096xf32>
      %lt3A_702 = arith.cmpf olt, %sub3A_701, %min3A_697 : vector<8x4096xf32>
      %add3A_703 = arith.constant 6.300000e+01 : f32
      %add3A_704 = arith.addf %mul3A_71, %add3A_703 : f32
      %broadcast_in_dim3A_705 = vector.broadcast %add3A_704 : f32 to vector<8x4096xf32>
      %select_n3A_706 = arith.select %lt3A_702, %broadcast_in_dim3A_705, %select_n3A_696 : vector<8x4096xi1>, vector<8x4096xf32>
      %min3A_707 = arith.minimumf %sub3A_701, %min3A_697 : vector<8x4096xf32>
      %slice3A_708 = vector.extract_strided_slice %get3A_68 {offsets = [512, 0], sizes = [8, 1], strides = [1, 1]} : vector<2048x1xf32> to vector<8x1xf32>
      %slice3A_709 = vector.extract_strided_slice %dot_general3A_63 {offsets = [512, 0], sizes = [8, 4096], strides = [1, 1]} : vector<2048x4096xf32> to vector<8x4096xf32>
      %sub3A_710 = vector.broadcast %slice3A_708 : vector<8x1xf32> to vector<8x4096xf32>
      %sub3A_711 = arith.subf %sub3A_710, %slice3A_709 : vector<8x4096xf32>
      %lt3A_712 = arith.cmpf olt, %sub3A_711, %min3A_707 : vector<8x4096xf32>
      %add3A_713 = arith.constant 6.400000e+01 : f32
      %add3A_714 = arith.addf %mul3A_71, %add3A_713 : f32
      %broadcast_in_dim3A_715 = vector.broadcast %add3A_714 : f32 to vector<8x4096xf32>
      %select_n3A_716 = arith.select %lt3A_712, %broadcast_in_dim3A_715, %select_n3A_706 : vector<8x4096xi1>, vector<8x4096xf32>
      %min3A_717 = arith.minimumf %sub3A_711, %min3A_707 : vector<8x4096xf32>
      %slice3A_718 = vector.extract_strided_slice %get3A_68 {offsets = [520, 0], sizes = [8, 1], strides = [1, 1]} : vector<2048x1xf32> to vector<8x1xf32>
      %slice3A_719 = vector.extract_strided_slice %dot_general3A_63 {offsets = [520, 0], sizes = [8, 4096], strides = [1, 1]} : vector<2048x4096xf32> to vector<8x4096xf32>
      %sub3A_720 = vector.broadcast %slice3A_718 : vector<8x1xf32> to vector<8x4096xf32>
      %sub3A_721 = arith.subf %sub3A_720, %slice3A_719 : vector<8x4096xf32>
      %lt3A_722 = arith.cmpf olt, %sub3A_721, %min3A_717 : vector<8x4096xf32>
      %add3A_723 = arith.constant 6.500000e+01 : f32
      %add3A_724 = arith.addf %mul3A_71, %add3A_723 : f32
      %broadcast_in_dim3A_725 = vector.broadcast %add3A_724 : f32 to vector<8x4096xf32>
      %select_n3A_726 = arith.select %lt3A_722, %broadcast_in_dim3A_725, %select_n3A_716 : vector<8x4096xi1>, vector<8x4096xf32>
      %min3A_727 = arith.minimumf %sub3A_721, %min3A_717 : vector<8x4096xf32>
      %slice3A_728 = vector.extract_strided_slice %get3A_68 {offsets = [528, 0], sizes = [8, 1], strides = [1, 1]} : vector<2048x1xf32> to vector<8x1xf32>
      %slice3A_729 = vector.extract_strided_slice %dot_general3A_63 {offsets = [528, 0], sizes = [8, 4096], strides = [1, 1]} : vector<2048x4096xf32> to vector<8x4096xf32>
      %sub3A_730 = vector.broadcast %slice3A_728 : vector<8x1xf32> to vector<8x4096xf32>
      %sub3A_731 = arith.subf %sub3A_730, %slice3A_729 : vector<8x4096xf32>
      %lt3A_732 = arith.cmpf olt, %sub3A_731, %min3A_727 : vector<8x4096xf32>
      %add3A_733 = arith.constant 6.600000e+01 : f32
      %add3A_734 = arith.addf %mul3A_71, %add3A_733 : f32
      %broadcast_in_dim3A_735 = vector.broadcast %add3A_734 : f32 to vector<8x4096xf32>
      %select_n3A_736 = arith.select %lt3A_732, %broadcast_in_dim3A_735, %select_n3A_726 : vector<8x4096xi1>, vector<8x4096xf32>
      %min3A_737 = arith.minimumf %sub3A_731, %min3A_727 : vector<8x4096xf32>
      %slice3A_738 = vector.extract_strided_slice %get3A_68 {offsets = [536, 0], sizes = [8, 1], strides = [1, 1]} : vector<2048x1xf32> to vector<8x1xf32>
      %slice3A_739 = vector.extract_strided_slice %dot_general3A_63 {offsets = [536, 0], sizes = [8, 4096], strides = [1, 1]} : vector<2048x4096xf32> to vector<8x4096xf32>
      %sub3A_740 = vector.broadcast %slice3A_738 : vector<8x1xf32> to vector<8x4096xf32>
      %sub3A_741 = arith.subf %sub3A_740, %slice3A_739 : vector<8x4096xf32>
      %lt3A_742 = arith.cmpf olt, %sub3A_741, %min3A_737 : vector<8x4096xf32>
      %add3A_743 = arith.constant 6.700000e+01 : f32
      %add3A_744 = arith.addf %mul3A_71, %add3A_743 : f32
      %broadcast_in_dim3A_745 = vector.broadcast %add3A_744 : f32 to vector<8x4096xf32>
      %select_n3A_746 = arith.select %lt3A_742, %broadcast_in_dim3A_745, %select_n3A_736 : vector<8x4096xi1>, vector<8x4096xf32>
      %min3A_747 = arith.minimumf %sub3A_741, %min3A_737 : vector<8x4096xf32>
      %slice3A_748 = vector.extract_strided_slice %get3A_68 {offsets = [544, 0], sizes = [8, 1], strides = [1, 1]} : vector<2048x1xf32> to vector<8x1xf32>
      %slice3A_749 = vector.extract_strided_slice %dot_general3A_63 {offsets = [544, 0], sizes = [8, 4096], strides = [1, 1]} : vector<2048x4096xf32> to vector<8x4096xf32>
      %sub3A_750 = vector.broadcast %slice3A_748 : vector<8x1xf32> to vector<8x4096xf32>
      %sub3A_751 = arith.subf %sub3A_750, %slice3A_749 : vector<8x4096xf32>
      %lt3A_752 = arith.cmpf olt, %sub3A_751, %min3A_747 : vector<8x4096xf32>
      %add3A_753 = arith.constant 6.800000e+01 : f32
      %add3A_754 = arith.addf %mul3A_71, %add3A_753 : f32
      %broadcast_in_dim3A_755 = vector.broadcast %add3A_754 : f32 to vector<8x4096xf32>
      %select_n3A_756 = arith.select %lt3A_752, %broadcast_in_dim3A_755, %select_n3A_746 : vector<8x4096xi1>, vector<8x4096xf32>
      %min3A_757 = arith.minimumf %sub3A_751, %min3A_747 : vector<8x4096xf32>
      %slice3A_758 = vector.extract_strided_slice %get3A_68 {offsets = [552, 0], sizes = [8, 1], strides = [1, 1]} : vector<2048x1xf32> to vector<8x1xf32>
      %slice3A_759 = vector.extract_strided_slice %dot_general3A_63 {offsets = [552, 0], sizes = [8, 4096], strides = [1, 1]} : vector<2048x4096xf32> to vector<8x4096xf32>
      %sub3A_760 = vector.broadcast %slice3A_758 : vector<8x1xf32> to vector<8x4096xf32>
      %sub3A_761 = arith.subf %sub3A_760, %slice3A_759 : vector<8x4096xf32>
      %lt3A_762 = arith.cmpf olt, %sub3A_761, %min3A_757 : vector<8x4096xf32>
      %add3A_763 = arith.constant 6.900000e+01 : f32
      %add3A_764 = arith.addf %mul3A_71, %add3A_763 : f32
      %broadcast_in_dim3A_765 = vector.broadcast %add3A_764 : f32 to vector<8x4096xf32>
      %select_n3A_766 = arith.select %lt3A_762, %broadcast_in_dim3A_765, %select_n3A_756 : vector<8x4096xi1>, vector<8x4096xf32>
      %min3A_767 = arith.minimumf %sub3A_761, %min3A_757 : vector<8x4096xf32>
      %slice3A_768 = vector.extract_strided_slice %get3A_68 {offsets = [560, 0], sizes = [8, 1], strides = [1, 1]} : vector<2048x1xf32> to vector<8x1xf32>
      %slice3A_769 = vector.extract_strided_slice %dot_general3A_63 {offsets = [560, 0], sizes = [8, 4096], strides = [1, 1]} : vector<2048x4096xf32> to vector<8x4096xf32>
      %sub3A_770 = vector.broadcast %slice3A_768 : vector<8x1xf32> to vector<8x4096xf32>
      %sub3A_771 = arith.subf %sub3A_770, %slice3A_769 : vector<8x4096xf32>
      %lt3A_772 = arith.cmpf olt, %sub3A_771, %min3A_767 : vector<8x4096xf32>
      %add3A_773 = arith.constant 7.000000e+01 : f32
      %add3A_774 = arith.addf %mul3A_71, %add3A_773 : f32
      %broadcast_in_dim3A_775 = vector.broadcast %add3A_774 : f32 to vector<8x4096xf32>
      %select_n3A_776 = arith.select %lt3A_772, %broadcast_in_dim3A_775, %select_n3A_766 : vector<8x4096xi1>, vector<8x4096xf32>
      %min3A_777 = arith.minimumf %sub3A_771, %min3A_767 : vector<8x4096xf32>
      %slice3A_778 = vector.extract_strided_slice %get3A_68 {offsets = [568, 0], sizes = [8, 1], strides = [1, 1]} : vector<2048x1xf32> to vector<8x1xf32>
      %slice3A_779 = vector.extract_strided_slice %dot_general3A_63 {offsets = [568, 0], sizes = [8, 4096], strides = [1, 1]} : vector<2048x4096xf32> to vector<8x4096xf32>
      %sub3A_780 = vector.broadcast %slice3A_778 : vector<8x1xf32> to vector<8x4096xf32>
      %sub3A_781 = arith.subf %sub3A_780, %slice3A_779 : vector<8x4096xf32>
      %lt3A_782 = arith.cmpf olt, %sub3A_781, %min3A_777 : vector<8x4096xf32>
      %add3A_783 = arith.constant 7.100000e+01 : f32
      %add3A_784 = arith.addf %mul3A_71, %add3A_783 : f32
      %broadcast_in_dim3A_785 = vector.broadcast %add3A_784 : f32 to vector<8x4096xf32>
      %select_n3A_786 = arith.select %lt3A_782, %broadcast_in_dim3A_785, %select_n3A_776 : vector<8x4096xi1>, vector<8x4096xf32>
      %min3A_787 = arith.minimumf %sub3A_781, %min3A_777 : vector<8x4096xf32>
      %slice3A_788 = vector.extract_strided_slice %get3A_68 {offsets = [576, 0], sizes = [8, 1], strides = [1, 1]} : vector<2048x1xf32> to vector<8x1xf32>
      %slice3A_789 = vector.extract_strided_slice %dot_general3A_63 {offsets = [576, 0], sizes = [8, 4096], strides = [1, 1]} : vector<2048x4096xf32> to vector<8x4096xf32>
      %sub3A_790 = vector.broadcast %slice3A_788 : vector<8x1xf32> to vector<8x4096xf32>
      %sub3A_791 = arith.subf %sub3A_790, %slice3A_789 : vector<8x4096xf32>
      %lt3A_792 = arith.cmpf olt, %sub3A_791, %min3A_787 : vector<8x4096xf32>
      %add3A_793 = arith.constant 7.200000e+01 : f32
      %add3A_794 = arith.addf %mul3A_71, %add3A_793 : f32
      %broadcast_in_dim3A_795 = vector.broadcast %add3A_794 : f32 to vector<8x4096xf32>
      %select_n3A_796 = arith.select %lt3A_792, %broadcast_in_dim3A_795, %select_n3A_786 : vector<8x4096xi1>, vector<8x4096xf32>
      %min3A_797 = arith.minimumf %sub3A_791, %min3A_787 : vector<8x4096xf32>
      %slice3A_798 = vector.extract_strided_slice %get3A_68 {offsets = [584, 0], sizes = [8, 1], strides = [1, 1]} : vector<2048x1xf32> to vector<8x1xf32>
      %slice3A_799 = vector.extract_strided_slice %dot_general3A_63 {offsets = [584, 0], sizes = [8, 4096], strides = [1, 1]} : vector<2048x4096xf32> to vector<8x4096xf32>
      %sub3A_800 = vector.broadcast %slice3A_798 : vector<8x1xf32> to vector<8x4096xf32>
      %sub3A_801 = arith.subf %sub3A_800, %slice3A_799 : vector<8x4096xf32>
      %lt3A_802 = arith.cmpf olt, %sub3A_801, %min3A_797 : vector<8x4096xf32>
      %add3A_803 = arith.constant 7.300000e+01 : f32
      %add3A_804 = arith.addf %mul3A_71, %add3A_803 : f32
      %broadcast_in_dim3A_805 = vector.broadcast %add3A_804 : f32 to vector<8x4096xf32>
      %select_n3A_806 = arith.select %lt3A_802, %broadcast_in_dim3A_805, %select_n3A_796 : vector<8x4096xi1>, vector<8x4096xf32>
      %min3A_807 = arith.minimumf %sub3A_801, %min3A_797 : vector<8x4096xf32>
      %slice3A_808 = vector.extract_strided_slice %get3A_68 {offsets = [592, 0], sizes = [8, 1], strides = [1, 1]} : vector<2048x1xf32> to vector<8x1xf32>
      %slice3A_809 = vector.extract_strided_slice %dot_general3A_63 {offsets = [592, 0], sizes = [8, 4096], strides = [1, 1]} : vector<2048x4096xf32> to vector<8x4096xf32>
      %sub3A_810 = vector.broadcast %slice3A_808 : vector<8x1xf32> to vector<8x4096xf32>
      %sub3A_811 = arith.subf %sub3A_810, %slice3A_809 : vector<8x4096xf32>
      %lt3A_812 = arith.cmpf olt, %sub3A_811, %min3A_807 : vector<8x4096xf32>
      %add3A_813 = arith.constant 7.400000e+01 : f32
      %add3A_814 = arith.addf %mul3A_71, %add3A_813 : f32
      %broadcast_in_dim3A_815 = vector.broadcast %add3A_814 : f32 to vector<8x4096xf32>
      %select_n3A_816 = arith.select %lt3A_812, %broadcast_in_dim3A_815, %select_n3A_806 : vector<8x4096xi1>, vector<8x4096xf32>
      %min3A_817 = arith.minimumf %sub3A_811, %min3A_807 : vector<8x4096xf32>
      %slice3A_818 = vector.extract_strided_slice %get3A_68 {offsets = [600, 0], sizes = [8, 1], strides = [1, 1]} : vector<2048x1xf32> to vector<8x1xf32>
      %slice3A_819 = vector.extract_strided_slice %dot_general3A_63 {offsets = [600, 0], sizes = [8, 4096], strides = [1, 1]} : vector<2048x4096xf32> to vector<8x4096xf32>
      %sub3A_820 = vector.broadcast %slice3A_818 : vector<8x1xf32> to vector<8x4096xf32>
      %sub3A_821 = arith.subf %sub3A_820, %slice3A_819 : vector<8x4096xf32>
      %lt3A_822 = arith.cmpf olt, %sub3A_821, %min3A_817 : vector<8x4096xf32>
      %add3A_823 = arith.constant 7.500000e+01 : f32
      %add3A_824 = arith.addf %mul3A_71, %add3A_823 : f32
      %broadcast_in_dim3A_825 = vector.broadcast %add3A_824 : f32 to vector<8x4096xf32>
      %select_n3A_826 = arith.select %lt3A_822, %broadcast_in_dim3A_825, %select_n3A_816 : vector<8x4096xi1>, vector<8x4096xf32>
      %min3A_827 = arith.minimumf %sub3A_821, %min3A_817 : vector<8x4096xf32>
      %slice3A_828 = vector.extract_strided_slice %get3A_68 {offsets = [608, 0], sizes = [8, 1], strides = [1, 1]} : vector<2048x1xf32> to vector<8x1xf32>
      %slice3A_829 = vector.extract_strided_slice %dot_general3A_63 {offsets = [608, 0], sizes = [8, 4096], strides = [1, 1]} : vector<2048x4096xf32> to vector<8x4096xf32>
      %sub3A_830 = vector.broadcast %slice3A_828 : vector<8x1xf32> to vector<8x4096xf32>
      %sub3A_831 = arith.subf %sub3A_830, %slice3A_829 : vector<8x4096xf32>
      %lt3A_832 = arith.cmpf olt, %sub3A_831, %min3A_827 : vector<8x4096xf32>
      %add3A_833 = arith.constant 7.600000e+01 : f32
      %add3A_834 = arith.addf %mul3A_71, %add3A_833 : f32
      %broadcast_in_dim3A_835 = vector.broadcast %add3A_834 : f32 to vector<8x4096xf32>
      %select_n3A_836 = arith.select %lt3A_832, %broadcast_in_dim3A_835, %select_n3A_826 : vector<8x4096xi1>, vector<8x4096xf32>
      %min3A_837 = arith.minimumf %sub3A_831, %min3A_827 : vector<8x4096xf32>
      %slice3A_838 = vector.extract_strided_slice %get3A_68 {offsets = [616, 0], sizes = [8, 1], strides = [1, 1]} : vector<2048x1xf32> to vector<8x1xf32>
      %slice3A_839 = vector.extract_strided_slice %dot_general3A_63 {offsets = [616, 0], sizes = [8, 4096], strides = [1, 1]} : vector<2048x4096xf32> to vector<8x4096xf32>
      %sub3A_840 = vector.broadcast %slice3A_838 : vector<8x1xf32> to vector<8x4096xf32>
      %sub3A_841 = arith.subf %sub3A_840, %slice3A_839 : vector<8x4096xf32>
      %lt3A_842 = arith.cmpf olt, %sub3A_841, %min3A_837 : vector<8x4096xf32>
      %add3A_843 = arith.constant 7.700000e+01 : f32
      %add3A_844 = arith.addf %mul3A_71, %add3A_843 : f32
      %broadcast_in_dim3A_845 = vector.broadcast %add3A_844 : f32 to vector<8x4096xf32>
      %select_n3A_846 = arith.select %lt3A_842, %broadcast_in_dim3A_845, %select_n3A_836 : vector<8x4096xi1>, vector<8x4096xf32>
      %min3A_847 = arith.minimumf %sub3A_841, %min3A_837 : vector<8x4096xf32>
      %slice3A_848 = vector.extract_strided_slice %get3A_68 {offsets = [624, 0], sizes = [8, 1], strides = [1, 1]} : vector<2048x1xf32> to vector<8x1xf32>
      %slice3A_849 = vector.extract_strided_slice %dot_general3A_63 {offsets = [624, 0], sizes = [8, 4096], strides = [1, 1]} : vector<2048x4096xf32> to vector<8x4096xf32>
      %sub3A_850 = vector.broadcast %slice3A_848 : vector<8x1xf32> to vector<8x4096xf32>
      %sub3A_851 = arith.subf %sub3A_850, %slice3A_849 : vector<8x4096xf32>
      %lt3A_852 = arith.cmpf olt, %sub3A_851, %min3A_847 : vector<8x4096xf32>
      %add3A_853 = arith.constant 7.800000e+01 : f32
      %add3A_854 = arith.addf %mul3A_71, %add3A_853 : f32
      %broadcast_in_dim3A_855 = vector.broadcast %add3A_854 : f32 to vector<8x4096xf32>
      %select_n3A_856 = arith.select %lt3A_852, %broadcast_in_dim3A_855, %select_n3A_846 : vector<8x4096xi1>, vector<8x4096xf32>
      %min3A_857 = arith.minimumf %sub3A_851, %min3A_847 : vector<8x4096xf32>
      %slice3A_858 = vector.extract_strided_slice %get3A_68 {offsets = [632, 0], sizes = [8, 1], strides = [1, 1]} : vector<2048x1xf32> to vector<8x1xf32>
      %slice3A_859 = vector.extract_strided_slice %dot_general3A_63 {offsets = [632, 0], sizes = [8, 4096], strides = [1, 1]} : vector<2048x4096xf32> to vector<8x4096xf32>
      %sub3A_860 = vector.broadcast %slice3A_858 : vector<8x1xf32> to vector<8x4096xf32>
      %sub3A_861 = arith.subf %sub3A_860, %slice3A_859 : vector<8x4096xf32>
      %lt3A_862 = arith.cmpf olt, %sub3A_861, %min3A_857 : vector<8x4096xf32>
      %add3A_863 = arith.constant 7.900000e+01 : f32
      %add3A_864 = arith.addf %mul3A_71, %add3A_863 : f32
      %broadcast_in_dim3A_865 = vector.broadcast %add3A_864 : f32 to vector<8x4096xf32>
      %select_n3A_866 = arith.select %lt3A_862, %broadcast_in_dim3A_865, %select_n3A_856 : vector<8x4096xi1>, vector<8x4096xf32>
      %min3A_867 = arith.minimumf %sub3A_861, %min3A_857 : vector<8x4096xf32>
      %slice3A_868 = vector.extract_strided_slice %get3A_68 {offsets = [640, 0], sizes = [8, 1], strides = [1, 1]} : vector<2048x1xf32> to vector<8x1xf32>
      %slice3A_869 = vector.extract_strided_slice %dot_general3A_63 {offsets = [640, 0], sizes = [8, 4096], strides = [1, 1]} : vector<2048x4096xf32> to vector<8x4096xf32>
      %sub3A_870 = vector.broadcast %slice3A_868 : vector<8x1xf32> to vector<8x4096xf32>
      %sub3A_871 = arith.subf %sub3A_870, %slice3A_869 : vector<8x4096xf32>
      %lt3A_872 = arith.cmpf olt, %sub3A_871, %min3A_867 : vector<8x4096xf32>
      %add3A_873 = arith.constant 8.000000e+01 : f32
      %add3A_874 = arith.addf %mul3A_71, %add3A_873 : f32
      %broadcast_in_dim3A_875 = vector.broadcast %add3A_874 : f32 to vector<8x4096xf32>
      %select_n3A_876 = arith.select %lt3A_872, %broadcast_in_dim3A_875, %select_n3A_866 : vector<8x4096xi1>, vector<8x4096xf32>
      %min3A_877 = arith.minimumf %sub3A_871, %min3A_867 : vector<8x4096xf32>
      %slice3A_878 = vector.extract_strided_slice %get3A_68 {offsets = [648, 0], sizes = [8, 1], strides = [1, 1]} : vector<2048x1xf32> to vector<8x1xf32>
      %slice3A_879 = vector.extract_strided_slice %dot_general3A_63 {offsets = [648, 0], sizes = [8, 4096], strides = [1, 1]} : vector<2048x4096xf32> to vector<8x4096xf32>
      %sub3A_880 = vector.broadcast %slice3A_878 : vector<8x1xf32> to vector<8x4096xf32>
      %sub3A_881 = arith.subf %sub3A_880, %slice3A_879 : vector<8x4096xf32>
      %lt3A_882 = arith.cmpf olt, %sub3A_881, %min3A_877 : vector<8x4096xf32>
      %add3A_883 = arith.constant 8.100000e+01 : f32
      %add3A_884 = arith.addf %mul3A_71, %add3A_883 : f32
      %broadcast_in_dim3A_885 = vector.broadcast %add3A_884 : f32 to vector<8x4096xf32>
      %select_n3A_886 = arith.select %lt3A_882, %broadcast_in_dim3A_885, %select_n3A_876 : vector<8x4096xi1>, vector<8x4096xf32>
      %min3A_887 = arith.minimumf %sub3A_881, %min3A_877 : vector<8x4096xf32>
      %slice3A_888 = vector.extract_strided_slice %get3A_68 {offsets = [656, 0], sizes = [8, 1], strides = [1, 1]} : vector<2048x1xf32> to vector<8x1xf32>
      %slice3A_889 = vector.extract_strided_slice %dot_general3A_63 {offsets = [656, 0], sizes = [8, 4096], strides = [1, 1]} : vector<2048x4096xf32> to vector<8x4096xf32>
      %sub3A_890 = vector.broadcast %slice3A_888 : vector<8x1xf32> to vector<8x4096xf32>
      %sub3A_891 = arith.subf %sub3A_890, %slice3A_889 : vector<8x4096xf32>
      %lt3A_892 = arith.cmpf olt, %sub3A_891, %min3A_887 : vector<8x4096xf32>
      %add3A_893 = arith.constant 8.200000e+01 : f32
      %add3A_894 = arith.addf %mul3A_71, %add3A_893 : f32
      %broadcast_in_dim3A_895 = vector.broadcast %add3A_894 : f32 to vector<8x4096xf32>
      %select_n3A_896 = arith.select %lt3A_892, %broadcast_in_dim3A_895, %select_n3A_886 : vector<8x4096xi1>, vector<8x4096xf32>
      %min3A_897 = arith.minimumf %sub3A_891, %min3A_887 : vector<8x4096xf32>
      %slice3A_898 = vector.extract_strided_slice %get3A_68 {offsets = [664, 0], sizes = [8, 1], strides = [1, 1]} : vector<2048x1xf32> to vector<8x1xf32>
      %slice3A_899 = vector.extract_strided_slice %dot_general3A_63 {offsets = [664, 0], sizes = [8, 4096], strides = [1, 1]} : vector<2048x4096xf32> to vector<8x4096xf32>
      %sub3A_900 = vector.broadcast %slice3A_898 : vector<8x1xf32> to vector<8x4096xf32>
      %sub3A_901 = arith.subf %sub3A_900, %slice3A_899 : vector<8x4096xf32>
      %lt3A_902 = arith.cmpf olt, %sub3A_901, %min3A_897 : vector<8x4096xf32>
      %add3A_903 = arith.constant 8.300000e+01 : f32
      %add3A_904 = arith.addf %mul3A_71, %add3A_903 : f32
      %broadcast_in_dim3A_905 = vector.broadcast %add3A_904 : f32 to vector<8x4096xf32>
      %select_n3A_906 = arith.select %lt3A_902, %broadcast_in_dim3A_905, %select_n3A_896 : vector<8x4096xi1>, vector<8x4096xf32>
      %min3A_907 = arith.minimumf %sub3A_901, %min3A_897 : vector<8x4096xf32>
      %slice3A_908 = vector.extract_strided_slice %get3A_68 {offsets = [672, 0], sizes = [8, 1], strides = [1, 1]} : vector<2048x1xf32> to vector<8x1xf32>
      %slice3A_909 = vector.extract_strided_slice %dot_general3A_63 {offsets = [672, 0], sizes = [8, 4096], strides = [1, 1]} : vector<2048x4096xf32> to vector<8x4096xf32>
      %sub3A_910 = vector.broadcast %slice3A_908 : vector<8x1xf32> to vector<8x4096xf32>
      %sub3A_911 = arith.subf %sub3A_910, %slice3A_909 : vector<8x4096xf32>
      %lt3A_912 = arith.cmpf olt, %sub3A_911, %min3A_907 : vector<8x4096xf32>
      %add3A_913 = arith.constant 8.400000e+01 : f32
      %add3A_914 = arith.addf %mul3A_71, %add3A_913 : f32
      %broadcast_in_dim3A_915 = vector.broadcast %add3A_914 : f32 to vector<8x4096xf32>
      %select_n3A_916 = arith.select %lt3A_912, %broadcast_in_dim3A_915, %select_n3A_906 : vector<8x4096xi1>, vector<8x4096xf32>
      %min3A_917 = arith.minimumf %sub3A_911, %min3A_907 : vector<8x4096xf32>
      %slice3A_918 = vector.extract_strided_slice %get3A_68 {offsets = [680, 0], sizes = [8, 1], strides = [1, 1]} : vector<2048x1xf32> to vector<8x1xf32>
      %slice3A_919 = vector.extract_strided_slice %dot_general3A_63 {offsets = [680, 0], sizes = [8, 4096], strides = [1, 1]} : vector<2048x4096xf32> to vector<8x4096xf32>
      %sub3A_920 = vector.broadcast %slice3A_918 : vector<8x1xf32> to vector<8x4096xf32>
      %sub3A_921 = arith.subf %sub3A_920, %slice3A_919 : vector<8x4096xf32>
      %lt3A_922 = arith.cmpf olt, %sub3A_921, %min3A_917 : vector<8x4096xf32>
      %add3A_923 = arith.constant 8.500000e+01 : f32
      %add3A_924 = arith.addf %mul3A_71, %add3A_923 : f32
      %broadcast_in_dim3A_925 = vector.broadcast %add3A_924 : f32 to vector<8x4096xf32>
      %select_n3A_926 = arith.select %lt3A_922, %broadcast_in_dim3A_925, %select_n3A_916 : vector<8x4096xi1>, vector<8x4096xf32>
      %min3A_927 = arith.minimumf %sub3A_921, %min3A_917 : vector<8x4096xf32>
      %slice3A_928 = vector.extract_strided_slice %get3A_68 {offsets = [688, 0], sizes = [8, 1], strides = [1, 1]} : vector<2048x1xf32> to vector<8x1xf32>
      %slice3A_929 = vector.extract_strided_slice %dot_general3A_63 {offsets = [688, 0], sizes = [8, 4096], strides = [1, 1]} : vector<2048x4096xf32> to vector<8x4096xf32>
      %sub3A_930 = vector.broadcast %slice3A_928 : vector<8x1xf32> to vector<8x4096xf32>
      %sub3A_931 = arith.subf %sub3A_930, %slice3A_929 : vector<8x4096xf32>
      %lt3A_932 = arith.cmpf olt, %sub3A_931, %min3A_927 : vector<8x4096xf32>
      %add3A_933 = arith.constant 8.600000e+01 : f32
      %add3A_934 = arith.addf %mul3A_71, %add3A_933 : f32
      %broadcast_in_dim3A_935 = vector.broadcast %add3A_934 : f32 to vector<8x4096xf32>
      %select_n3A_936 = arith.select %lt3A_932, %broadcast_in_dim3A_935, %select_n3A_926 : vector<8x4096xi1>, vector<8x4096xf32>
      %min3A_937 = arith.minimumf %sub3A_931, %min3A_927 : vector<8x4096xf32>
      %slice3A_938 = vector.extract_strided_slice %get3A_68 {offsets = [696, 0], sizes = [8, 1], strides = [1, 1]} : vector<2048x1xf32> to vector<8x1xf32>
      %slice3A_939 = vector.extract_strided_slice %dot_general3A_63 {offsets = [696, 0], sizes = [8, 4096], strides = [1, 1]} : vector<2048x4096xf32> to vector<8x4096xf32>
      %sub3A_940 = vector.broadcast %slice3A_938 : vector<8x1xf32> to vector<8x4096xf32>
      %sub3A_941 = arith.subf %sub3A_940, %slice3A_939 : vector<8x4096xf32>
      %lt3A_942 = arith.cmpf olt, %sub3A_941, %min3A_937 : vector<8x4096xf32>
      %add3A_943 = arith.constant 8.700000e+01 : f32
      %add3A_944 = arith.addf %mul3A_71, %add3A_943 : f32
      %broadcast_in_dim3A_945 = vector.broadcast %add3A_944 : f32 to vector<8x4096xf32>
      %select_n3A_946 = arith.select %lt3A_942, %broadcast_in_dim3A_945, %select_n3A_936 : vector<8x4096xi1>, vector<8x4096xf32>
      %min3A_947 = arith.minimumf %sub3A_941, %min3A_937 : vector<8x4096xf32>
      %slice3A_948 = vector.extract_strided_slice %get3A_68 {offsets = [704, 0], sizes = [8, 1], strides = [1, 1]} : vector<2048x1xf32> to vector<8x1xf32>
      %slice3A_949 = vector.extract_strided_slice %dot_general3A_63 {offsets = [704, 0], sizes = [8, 4096], strides = [1, 1]} : vector<2048x4096xf32> to vector<8x4096xf32>
      %sub3A_950 = vector.broadcast %slice3A_948 : vector<8x1xf32> to vector<8x4096xf32>
      %sub3A_951 = arith.subf %sub3A_950, %slice3A_949 : vector<8x4096xf32>
      %lt3A_952 = arith.cmpf olt, %sub3A_951, %min3A_947 : vector<8x4096xf32>
      %add3A_953 = arith.constant 8.800000e+01 : f32
      %add3A_954 = arith.addf %mul3A_71, %add3A_953 : f32
      %broadcast_in_dim3A_955 = vector.broadcast %add3A_954 : f32 to vector<8x4096xf32>
      %select_n3A_956 = arith.select %lt3A_952, %broadcast_in_dim3A_955, %select_n3A_946 : vector<8x4096xi1>, vector<8x4096xf32>
      %min3A_957 = arith.minimumf %sub3A_951, %min3A_947 : vector<8x4096xf32>
      %slice3A_958 = vector.extract_strided_slice %get3A_68 {offsets = [712, 0], sizes = [8, 1], strides = [1, 1]} : vector<2048x1xf32> to vector<8x1xf32>
      %slice3A_959 = vector.extract_strided_slice %dot_general3A_63 {offsets = [712, 0], sizes = [8, 4096], strides = [1, 1]} : vector<2048x4096xf32> to vector<8x4096xf32>
      %sub3A_960 = vector.broadcast %slice3A_958 : vector<8x1xf32> to vector<8x4096xf32>
      %sub3A_961 = arith.subf %sub3A_960, %slice3A_959 : vector<8x4096xf32>
      %lt3A_962 = arith.cmpf olt, %sub3A_961, %min3A_957 : vector<8x4096xf32>
      %add3A_963 = arith.constant 8.900000e+01 : f32
      %add3A_964 = arith.addf %mul3A_71, %add3A_963 : f32
      %broadcast_in_dim3A_965 = vector.broadcast %add3A_964 : f32 to vector<8x4096xf32>
      %select_n3A_966 = arith.select %lt3A_962, %broadcast_in_dim3A_965, %select_n3A_956 : vector<8x4096xi1>, vector<8x4096xf32>
      %min3A_967 = arith.minimumf %sub3A_961, %min3A_957 : vector<8x4096xf32>
      %slice3A_968 = vector.extract_strided_slice %get3A_68 {offsets = [720, 0], sizes = [8, 1], strides = [1, 1]} : vector<2048x1xf32> to vector<8x1xf32>
      %slice3A_969 = vector.extract_strided_slice %dot_general3A_63 {offsets = [720, 0], sizes = [8, 4096], strides = [1, 1]} : vector<2048x4096xf32> to vector<8x4096xf32>
      %sub3A_970 = vector.broadcast %slice3A_968 : vector<8x1xf32> to vector<8x4096xf32>
      %sub3A_971 = arith.subf %sub3A_970, %slice3A_969 : vector<8x4096xf32>
      %lt3A_972 = arith.cmpf olt, %sub3A_971, %min3A_967 : vector<8x4096xf32>
      %add3A_973 = arith.constant 9.000000e+01 : f32
      %add3A_974 = arith.addf %mul3A_71, %add3A_973 : f32
      %broadcast_in_dim3A_975 = vector.broadcast %add3A_974 : f32 to vector<8x4096xf32>
      %select_n3A_976 = arith.select %lt3A_972, %broadcast_in_dim3A_975, %select_n3A_966 : vector<8x4096xi1>, vector<8x4096xf32>
      %min3A_977 = arith.minimumf %sub3A_971, %min3A_967 : vector<8x4096xf32>
      %slice3A_978 = vector.extract_strided_slice %get3A_68 {offsets = [728, 0], sizes = [8, 1], strides = [1, 1]} : vector<2048x1xf32> to vector<8x1xf32>
      %slice3A_979 = vector.extract_strided_slice %dot_general3A_63 {offsets = [728, 0], sizes = [8, 4096], strides = [1, 1]} : vector<2048x4096xf32> to vector<8x4096xf32>
      %sub3A_980 = vector.broadcast %slice3A_978 : vector<8x1xf32> to vector<8x4096xf32>
      %sub3A_981 = arith.subf %sub3A_980, %slice3A_979 : vector<8x4096xf32>
      %lt3A_982 = arith.cmpf olt, %sub3A_981, %min3A_977 : vector<8x4096xf32>
      %add3A_983 = arith.constant 9.100000e+01 : f32
      %add3A_984 = arith.addf %mul3A_71, %add3A_983 : f32
      %broadcast_in_dim3A_985 = vector.broadcast %add3A_984 : f32 to vector<8x4096xf32>
      %select_n3A_986 = arith.select %lt3A_982, %broadcast_in_dim3A_985, %select_n3A_976 : vector<8x4096xi1>, vector<8x4096xf32>
      %min3A_987 = arith.minimumf %sub3A_981, %min3A_977 : vector<8x4096xf32>
      %slice3A_988 = vector.extract_strided_slice %get3A_68 {offsets = [736, 0], sizes = [8, 1], strides = [1, 1]} : vector<2048x1xf32> to vector<8x1xf32>
      %slice3A_989 = vector.extract_strided_slice %dot_general3A_63 {offsets = [736, 0], sizes = [8, 4096], strides = [1, 1]} : vector<2048x4096xf32> to vector<8x4096xf32>
      %sub3A_990 = vector.broadcast %slice3A_988 : vector<8x1xf32> to vector<8x4096xf32>
      %sub3A_991 = arith.subf %sub3A_990, %slice3A_989 : vector<8x4096xf32>
      %lt3A_992 = arith.cmpf olt, %sub3A_991, %min3A_987 : vector<8x4096xf32>
      %add3A_993 = arith.constant 9.200000e+01 : f32
      %add3A_994 = arith.addf %mul3A_71, %add3A_993 : f32
      %broadcast_in_dim3A_995 = vector.broadcast %add3A_994 : f32 to vector<8x4096xf32>
      %select_n3A_996 = arith.select %lt3A_992, %broadcast_in_dim3A_995, %select_n3A_986 : vector<8x4096xi1>, vector<8x4096xf32>
      %min3A_997 = arith.minimumf %sub3A_991, %min3A_987 : vector<8x4096xf32>
      %slice3A_998 = vector.extract_strided_slice %get3A_68 {offsets = [744, 0], sizes = [8, 1], strides = [1, 1]} : vector<2048x1xf32> to vector<8x1xf32>
      %slice3A_999 = vector.extract_strided_slice %dot_general3A_63 {offsets = [744, 0], sizes = [8, 4096], strides = [1, 1]} : vector<2048x4096xf32> to vector<8x4096xf32>
      %sub3A_1000 = vector.broadcast %slice3A_998 : vector<8x1xf32> to vector<8x4096xf32>
      %sub3A_1001 = arith.subf %sub3A_1000, %slice3A_999 : vector<8x4096xf32>
      %lt3A_1002 = arith.cmpf olt, %sub3A_1001, %min3A_997 : vector<8x4096xf32>
      %add3A_1003 = arith.constant 9.300000e+01 : f32
      %add3A_1004 = arith.addf %mul3A_71, %add3A_1003 : f32
      %broadcast_in_dim3A_1005 = vector.broadcast %add3A_1004 : f32 to vector<8x4096xf32>
      %select_n3A_1006 = arith.select %lt3A_1002, %broadcast_in_dim3A_1005, %select_n3A_996 : vector<8x4096xi1>, vector<8x4096xf32>
      %min3A_1007 = arith.minimumf %sub3A_1001, %min3A_997 : vector<8x4096xf32>
      %slice3A_1008 = vector.extract_strided_slice %get3A_68 {offsets = [752, 0], sizes = [8, 1], strides = [1, 1]} : vector<2048x1xf32> to vector<8x1xf32>
      %slice3A_1009 = vector.extract_strided_slice %dot_general3A_63 {offsets = [752, 0], sizes = [8, 4096], strides = [1, 1]} : vector<2048x4096xf32> to vector<8x4096xf32>
      %sub3A_1010 = vector.broadcast %slice3A_1008 : vector<8x1xf32> to vector<8x4096xf32>
      %sub3A_1011 = arith.subf %sub3A_1010, %slice3A_1009 : vector<8x4096xf32>
      %lt3A_1012 = arith.cmpf olt, %sub3A_1011, %min3A_1007 : vector<8x4096xf32>
      %add3A_1013 = arith.constant 9.400000e+01 : f32
      %add3A_1014 = arith.addf %mul3A_71, %add3A_1013 : f32
      %broadcast_in_dim3A_1015 = vector.broadcast %add3A_1014 : f32 to vector<8x4096xf32>
      %select_n3A_1016 = arith.select %lt3A_1012, %broadcast_in_dim3A_1015, %select_n3A_1006 : vector<8x4096xi1>, vector<8x4096xf32>
      %min3A_1017 = arith.minimumf %sub3A_1011, %min3A_1007 : vector<8x4096xf32>
      %slice3A_1018 = vector.extract_strided_slice %get3A_68 {offsets = [760, 0], sizes = [8, 1], strides = [1, 1]} : vector<2048x1xf32> to vector<8x1xf32>
      %slice3A_1019 = vector.extract_strided_slice %dot_general3A_63 {offsets = [760, 0], sizes = [8, 4096], strides = [1, 1]} : vector<2048x4096xf32> to vector<8x4096xf32>
      %sub3A_1020 = vector.broadcast %slice3A_1018 : vector<8x1xf32> to vector<8x4096xf32>
      %sub3A_1021 = arith.subf %sub3A_1020, %slice3A_1019 : vector<8x4096xf32>
      %lt3A_1022 = arith.cmpf olt, %sub3A_1021, %min3A_1017 : vector<8x4096xf32>
      %add3A_1023 = arith.constant 9.500000e+01 : f32
      %add3A_1024 = arith.addf %mul3A_71, %add3A_1023 : f32
      %broadcast_in_dim3A_1025 = vector.broadcast %add3A_1024 : f32 to vector<8x4096xf32>
      %select_n3A_1026 = arith.select %lt3A_1022, %broadcast_in_dim3A_1025, %select_n3A_1016 : vector<8x4096xi1>, vector<8x4096xf32>
      %min3A_1027 = arith.minimumf %sub3A_1021, %min3A_1017 : vector<8x4096xf32>
      %slice3A_1028 = vector.extract_strided_slice %get3A_68 {offsets = [768, 0], sizes = [8, 1], strides = [1, 1]} : vector<2048x1xf32> to vector<8x1xf32>
      %slice3A_1029 = vector.extract_strided_slice %dot_general3A_63 {offsets = [768, 0], sizes = [8, 4096], strides = [1, 1]} : vector<2048x4096xf32> to vector<8x4096xf32>
      %sub3A_1030 = vector.broadcast %slice3A_1028 : vector<8x1xf32> to vector<8x4096xf32>
      %sub3A_1031 = arith.subf %sub3A_1030, %slice3A_1029 : vector<8x4096xf32>
      %lt3A_1032 = arith.cmpf olt, %sub3A_1031, %min3A_1027 : vector<8x4096xf32>
      %add3A_1033 = arith.constant 9.600000e+01 : f32
      %add3A_1034 = arith.addf %mul3A_71, %add3A_1033 : f32
      %broadcast_in_dim3A_1035 = vector.broadcast %add3A_1034 : f32 to vector<8x4096xf32>
      %select_n3A_1036 = arith.select %lt3A_1032, %broadcast_in_dim3A_1035, %select_n3A_1026 : vector<8x4096xi1>, vector<8x4096xf32>
      %min3A_1037 = arith.minimumf %sub3A_1031, %min3A_1027 : vector<8x4096xf32>
      %slice3A_1038 = vector.extract_strided_slice %get3A_68 {offsets = [776, 0], sizes = [8, 1], strides = [1, 1]} : vector<2048x1xf32> to vector<8x1xf32>
      %slice3A_1039 = vector.extract_strided_slice %dot_general3A_63 {offsets = [776, 0], sizes = [8, 4096], strides = [1, 1]} : vector<2048x4096xf32> to vector<8x4096xf32>
      %sub3A_1040 = vector.broadcast %slice3A_1038 : vector<8x1xf32> to vector<8x4096xf32>
      %sub3A_1041 = arith.subf %sub3A_1040, %slice3A_1039 : vector<8x4096xf32>
      %lt3A_1042 = arith.cmpf olt, %sub3A_1041, %min3A_1037 : vector<8x4096xf32>
      %add3A_1043 = arith.constant 9.700000e+01 : f32
      %add3A_1044 = arith.addf %mul3A_71, %add3A_1043 : f32
      %broadcast_in_dim3A_1045 = vector.broadcast %add3A_1044 : f32 to vector<8x4096xf32>
      %select_n3A_1046 = arith.select %lt3A_1042, %broadcast_in_dim3A_1045, %select_n3A_1036 : vector<8x4096xi1>, vector<8x4096xf32>
      %min3A_1047 = arith.minimumf %sub3A_1041, %min3A_1037 : vector<8x4096xf32>
      %slice3A_1048 = vector.extract_strided_slice %get3A_68 {offsets = [784, 0], sizes = [8, 1], strides = [1, 1]} : vector<2048x1xf32> to vector<8x1xf32>
      %slice3A_1049 = vector.extract_strided_slice %dot_general3A_63 {offsets = [784, 0], sizes = [8, 4096], strides = [1, 1]} : vector<2048x4096xf32> to vector<8x4096xf32>
      %sub3A_1050 = vector.broadcast %slice3A_1048 : vector<8x1xf32> to vector<8x4096xf32>
      %sub3A_1051 = arith.subf %sub3A_1050, %slice3A_1049 : vector<8x4096xf32>
      %lt3A_1052 = arith.cmpf olt, %sub3A_1051, %min3A_1047 : vector<8x4096xf32>
      %add3A_1053 = arith.constant 9.800000e+01 : f32
      %add3A_1054 = arith.addf %mul3A_71, %add3A_1053 : f32
      %broadcast_in_dim3A_1055 = vector.broadcast %add3A_1054 : f32 to vector<8x4096xf32>
      %select_n3A_1056 = arith.select %lt3A_1052, %broadcast_in_dim3A_1055, %select_n3A_1046 : vector<8x4096xi1>, vector<8x4096xf32>
      %min3A_1057 = arith.minimumf %sub3A_1051, %min3A_1047 : vector<8x4096xf32>
      %slice3A_1058 = vector.extract_strided_slice %get3A_68 {offsets = [792, 0], sizes = [8, 1], strides = [1, 1]} : vector<2048x1xf32> to vector<8x1xf32>
      %slice3A_1059 = vector.extract_strided_slice %dot_general3A_63 {offsets = [792, 0], sizes = [8, 4096], strides = [1, 1]} : vector<2048x4096xf32> to vector<8x4096xf32>
      %sub3A_1060 = vector.broadcast %slice3A_1058 : vector<8x1xf32> to vector<8x4096xf32>
      %sub3A_1061 = arith.subf %sub3A_1060, %slice3A_1059 : vector<8x4096xf32>
      %lt3A_1062 = arith.cmpf olt, %sub3A_1061, %min3A_1057 : vector<8x4096xf32>
      %add3A_1063 = arith.constant 9.900000e+01 : f32
      %add3A_1064 = arith.addf %mul3A_71, %add3A_1063 : f32
      %broadcast_in_dim3A_1065 = vector.broadcast %add3A_1064 : f32 to vector<8x4096xf32>
      %select_n3A_1066 = arith.select %lt3A_1062, %broadcast_in_dim3A_1065, %select_n3A_1056 : vector<8x4096xi1>, vector<8x4096xf32>
      %min3A_1067 = arith.minimumf %sub3A_1061, %min3A_1057 : vector<8x4096xf32>
      %slice3A_1068 = vector.extract_strided_slice %get3A_68 {offsets = [800, 0], sizes = [8, 1], strides = [1, 1]} : vector<2048x1xf32> to vector<8x1xf32>
      %slice3A_1069 = vector.extract_strided_slice %dot_general3A_63 {offsets = [800, 0], sizes = [8, 4096], strides = [1, 1]} : vector<2048x4096xf32> to vector<8x4096xf32>
      %sub3A_1070 = vector.broadcast %slice3A_1068 : vector<8x1xf32> to vector<8x4096xf32>
      %sub3A_1071 = arith.subf %sub3A_1070, %slice3A_1069 : vector<8x4096xf32>
      %lt3A_1072 = arith.cmpf olt, %sub3A_1071, %min3A_1067 : vector<8x4096xf32>
      %add3A_1073 = arith.constant 1.000000e+02 : f32
      %add3A_1074 = arith.addf %mul3A_71, %add3A_1073 : f32
      %broadcast_in_dim3A_1075 = vector.broadcast %add3A_1074 : f32 to vector<8x4096xf32>
      %select_n3A_1076 = arith.select %lt3A_1072, %broadcast_in_dim3A_1075, %select_n3A_1066 : vector<8x4096xi1>, vector<8x4096xf32>
      %min3A_1077 = arith.minimumf %sub3A_1071, %min3A_1067 : vector<8x4096xf32>
      %slice3A_1078 = vector.extract_strided_slice %get3A_68 {offsets = [808, 0], sizes = [8, 1], strides = [1, 1]} : vector<2048x1xf32> to vector<8x1xf32>
      %slice3A_1079 = vector.extract_strided_slice %dot_general3A_63 {offsets = [808, 0], sizes = [8, 4096], strides = [1, 1]} : vector<2048x4096xf32> to vector<8x4096xf32>
      %sub3A_1080 = vector.broadcast %slice3A_1078 : vector<8x1xf32> to vector<8x4096xf32>
      %sub3A_1081 = arith.subf %sub3A_1080, %slice3A_1079 : vector<8x4096xf32>
      %lt3A_1082 = arith.cmpf olt, %sub3A_1081, %min3A_1077 : vector<8x4096xf32>
      %add3A_1083 = arith.constant 1.010000e+02 : f32
      %add3A_1084 = arith.addf %mul3A_71, %add3A_1083 : f32
      %broadcast_in_dim3A_1085 = vector.broadcast %add3A_1084 : f32 to vector<8x4096xf32>
      %select_n3A_1086 = arith.select %lt3A_1082, %broadcast_in_dim3A_1085, %select_n3A_1076 : vector<8x4096xi1>, vector<8x4096xf32>
      %min3A_1087 = arith.minimumf %sub3A_1081, %min3A_1077 : vector<8x4096xf32>
      %slice3A_1088 = vector.extract_strided_slice %get3A_68 {offsets = [816, 0], sizes = [8, 1], strides = [1, 1]} : vector<2048x1xf32> to vector<8x1xf32>
      %slice3A_1089 = vector.extract_strided_slice %dot_general3A_63 {offsets = [816, 0], sizes = [8, 4096], strides = [1, 1]} : vector<2048x4096xf32> to vector<8x4096xf32>
      %sub3A_1090 = vector.broadcast %slice3A_1088 : vector<8x1xf32> to vector<8x4096xf32>
      %sub3A_1091 = arith.subf %sub3A_1090, %slice3A_1089 : vector<8x4096xf32>
      %lt3A_1092 = arith.cmpf olt, %sub3A_1091, %min3A_1087 : vector<8x4096xf32>
      %add3A_1093 = arith.constant 1.020000e+02 : f32
      %add3A_1094 = arith.addf %mul3A_71, %add3A_1093 : f32
      %broadcast_in_dim3A_1095 = vector.broadcast %add3A_1094 : f32 to vector<8x4096xf32>
      %select_n3A_1096 = arith.select %lt3A_1092, %broadcast_in_dim3A_1095, %select_n3A_1086 : vector<8x4096xi1>, vector<8x4096xf32>
      %min3A_1097 = arith.minimumf %sub3A_1091, %min3A_1087 : vector<8x4096xf32>
      %slice3A_1098 = vector.extract_strided_slice %get3A_68 {offsets = [824, 0], sizes = [8, 1], strides = [1, 1]} : vector<2048x1xf32> to vector<8x1xf32>
      %slice3A_1099 = vector.extract_strided_slice %dot_general3A_63 {offsets = [824, 0], sizes = [8, 4096], strides = [1, 1]} : vector<2048x4096xf32> to vector<8x4096xf32>
      %sub3A_1100 = vector.broadcast %slice3A_1098 : vector<8x1xf32> to vector<8x4096xf32>
      %sub3A_1101 = arith.subf %sub3A_1100, %slice3A_1099 : vector<8x4096xf32>
      %lt3A_1102 = arith.cmpf olt, %sub3A_1101, %min3A_1097 : vector<8x4096xf32>
      %add3A_1103 = arith.constant 1.030000e+02 : f32
      %add3A_1104 = arith.addf %mul3A_71, %add3A_1103 : f32
      %broadcast_in_dim3A_1105 = vector.broadcast %add3A_1104 : f32 to vector<8x4096xf32>
      %select_n3A_1106 = arith.select %lt3A_1102, %broadcast_in_dim3A_1105, %select_n3A_1096 : vector<8x4096xi1>, vector<8x4096xf32>
      %min3A_1107 = arith.minimumf %sub3A_1101, %min3A_1097 : vector<8x4096xf32>
      %slice3A_1108 = vector.extract_strided_slice %get3A_68 {offsets = [832, 0], sizes = [8, 1], strides = [1, 1]} : vector<2048x1xf32> to vector<8x1xf32>
      %slice3A_1109 = vector.extract_strided_slice %dot_general3A_63 {offsets = [832, 0], sizes = [8, 4096], strides = [1, 1]} : vector<2048x4096xf32> to vector<8x4096xf32>
      %sub3A_1110 = vector.broadcast %slice3A_1108 : vector<8x1xf32> to vector<8x4096xf32>
      %sub3A_1111 = arith.subf %sub3A_1110, %slice3A_1109 : vector<8x4096xf32>
      %lt3A_1112 = arith.cmpf olt, %sub3A_1111, %min3A_1107 : vector<8x4096xf32>
      %add3A_1113 = arith.constant 1.040000e+02 : f32
      %add3A_1114 = arith.addf %mul3A_71, %add3A_1113 : f32
      %broadcast_in_dim3A_1115 = vector.broadcast %add3A_1114 : f32 to vector<8x4096xf32>
      %select_n3A_1116 = arith.select %lt3A_1112, %broadcast_in_dim3A_1115, %select_n3A_1106 : vector<8x4096xi1>, vector<8x4096xf32>
      %min3A_1117 = arith.minimumf %sub3A_1111, %min3A_1107 : vector<8x4096xf32>
      %slice3A_1118 = vector.extract_strided_slice %get3A_68 {offsets = [840, 0], sizes = [8, 1], strides = [1, 1]} : vector<2048x1xf32> to vector<8x1xf32>
      %slice3A_1119 = vector.extract_strided_slice %dot_general3A_63 {offsets = [840, 0], sizes = [8, 4096], strides = [1, 1]} : vector<2048x4096xf32> to vector<8x4096xf32>
      %sub3A_1120 = vector.broadcast %slice3A_1118 : vector<8x1xf32> to vector<8x4096xf32>
      %sub3A_1121 = arith.subf %sub3A_1120, %slice3A_1119 : vector<8x4096xf32>
      %lt3A_1122 = arith.cmpf olt, %sub3A_1121, %min3A_1117 : vector<8x4096xf32>
      %add3A_1123 = arith.constant 1.050000e+02 : f32
      %add3A_1124 = arith.addf %mul3A_71, %add3A_1123 : f32
      %broadcast_in_dim3A_1125 = vector.broadcast %add3A_1124 : f32 to vector<8x4096xf32>
      %select_n3A_1126 = arith.select %lt3A_1122, %broadcast_in_dim3A_1125, %select_n3A_1116 : vector<8x4096xi1>, vector<8x4096xf32>
      %min3A_1127 = arith.minimumf %sub3A_1121, %min3A_1117 : vector<8x4096xf32>
      %slice3A_1128 = vector.extract_strided_slice %get3A_68 {offsets = [848, 0], sizes = [8, 1], strides = [1, 1]} : vector<2048x1xf32> to vector<8x1xf32>
      %slice3A_1129 = vector.extract_strided_slice %dot_general3A_63 {offsets = [848, 0], sizes = [8, 4096], strides = [1, 1]} : vector<2048x4096xf32> to vector<8x4096xf32>
      %sub3A_1130 = vector.broadcast %slice3A_1128 : vector<8x1xf32> to vector<8x4096xf32>
      %sub3A_1131 = arith.subf %sub3A_1130, %slice3A_1129 : vector<8x4096xf32>
      %lt3A_1132 = arith.cmpf olt, %sub3A_1131, %min3A_1127 : vector<8x4096xf32>
      %add3A_1133 = arith.constant 1.060000e+02 : f32
      %add3A_1134 = arith.addf %mul3A_71, %add3A_1133 : f32
      %broadcast_in_dim3A_1135 = vector.broadcast %add3A_1134 : f32 to vector<8x4096xf32>
      %select_n3A_1136 = arith.select %lt3A_1132, %broadcast_in_dim3A_1135, %select_n3A_1126 : vector<8x4096xi1>, vector<8x4096xf32>
      %min3A_1137 = arith.minimumf %sub3A_1131, %min3A_1127 : vector<8x4096xf32>
      %slice3A_1138 = vector.extract_strided_slice %get3A_68 {offsets = [856, 0], sizes = [8, 1], strides = [1, 1]} : vector<2048x1xf32> to vector<8x1xf32>
      %slice3A_1139 = vector.extract_strided_slice %dot_general3A_63 {offsets = [856, 0], sizes = [8, 4096], strides = [1, 1]} : vector<2048x4096xf32> to vector<8x4096xf32>
      %sub3A_1140 = vector.broadcast %slice3A_1138 : vector<8x1xf32> to vector<8x4096xf32>
      %sub3A_1141 = arith.subf %sub3A_1140, %slice3A_1139 : vector<8x4096xf32>
      %lt3A_1142 = arith.cmpf olt, %sub3A_1141, %min3A_1137 : vector<8x4096xf32>
      %add3A_1143 = arith.constant 1.070000e+02 : f32
      %add3A_1144 = arith.addf %mul3A_71, %add3A_1143 : f32
      %broadcast_in_dim3A_1145 = vector.broadcast %add3A_1144 : f32 to vector<8x4096xf32>
      %select_n3A_1146 = arith.select %lt3A_1142, %broadcast_in_dim3A_1145, %select_n3A_1136 : vector<8x4096xi1>, vector<8x4096xf32>
      %min3A_1147 = arith.minimumf %sub3A_1141, %min3A_1137 : vector<8x4096xf32>
      %slice3A_1148 = vector.extract_strided_slice %get3A_68 {offsets = [864, 0], sizes = [8, 1], strides = [1, 1]} : vector<2048x1xf32> to vector<8x1xf32>
      %slice3A_1149 = vector.extract_strided_slice %dot_general3A_63 {offsets = [864, 0], sizes = [8, 4096], strides = [1, 1]} : vector<2048x4096xf32> to vector<8x4096xf32>
      %sub3A_1150 = vector.broadcast %slice3A_1148 : vector<8x1xf32> to vector<8x4096xf32>
      %sub3A_1151 = arith.subf %sub3A_1150, %slice3A_1149 : vector<8x4096xf32>
      %lt3A_1152 = arith.cmpf olt, %sub3A_1151, %min3A_1147 : vector<8x4096xf32>
      %add3A_1153 = arith.constant 1.080000e+02 : f32
      %add3A_1154 = arith.addf %mul3A_71, %add3A_1153 : f32
      %broadcast_in_dim3A_1155 = vector.broadcast %add3A_1154 : f32 to vector<8x4096xf32>
      %select_n3A_1156 = arith.select %lt3A_1152, %broadcast_in_dim3A_1155, %select_n3A_1146 : vector<8x4096xi1>, vector<8x4096xf32>
      %min3A_1157 = arith.minimumf %sub3A_1151, %min3A_1147 : vector<8x4096xf32>
      %slice3A_1158 = vector.extract_strided_slice %get3A_68 {offsets = [872, 0], sizes = [8, 1], strides = [1, 1]} : vector<2048x1xf32> to vector<8x1xf32>
      %slice3A_1159 = vector.extract_strided_slice %dot_general3A_63 {offsets = [872, 0], sizes = [8, 4096], strides = [1, 1]} : vector<2048x4096xf32> to vector<8x4096xf32>
      %sub3A_1160 = vector.broadcast %slice3A_1158 : vector<8x1xf32> to vector<8x4096xf32>
      %sub3A_1161 = arith.subf %sub3A_1160, %slice3A_1159 : vector<8x4096xf32>
      %lt3A_1162 = arith.cmpf olt, %sub3A_1161, %min3A_1157 : vector<8x4096xf32>
      %add3A_1163 = arith.constant 1.090000e+02 : f32
      %add3A_1164 = arith.addf %mul3A_71, %add3A_1163 : f32
      %broadcast_in_dim3A_1165 = vector.broadcast %add3A_1164 : f32 to vector<8x4096xf32>
      %select_n3A_1166 = arith.select %lt3A_1162, %broadcast_in_dim3A_1165, %select_n3A_1156 : vector<8x4096xi1>, vector<8x4096xf32>
      %min3A_1167 = arith.minimumf %sub3A_1161, %min3A_1157 : vector<8x4096xf32>
      %slice3A_1168 = vector.extract_strided_slice %get3A_68 {offsets = [880, 0], sizes = [8, 1], strides = [1, 1]} : vector<2048x1xf32> to vector<8x1xf32>
      %slice3A_1169 = vector.extract_strided_slice %dot_general3A_63 {offsets = [880, 0], sizes = [8, 4096], strides = [1, 1]} : vector<2048x4096xf32> to vector<8x4096xf32>
      %sub3A_1170 = vector.broadcast %slice3A_1168 : vector<8x1xf32> to vector<8x4096xf32>
      %sub3A_1171 = arith.subf %sub3A_1170, %slice3A_1169 : vector<8x4096xf32>
      %lt3A_1172 = arith.cmpf olt, %sub3A_1171, %min3A_1167 : vector<8x4096xf32>
      %add3A_1173 = arith.constant 1.100000e+02 : f32
      %add3A_1174 = arith.addf %mul3A_71, %add3A_1173 : f32
      %broadcast_in_dim3A_1175 = vector.broadcast %add3A_1174 : f32 to vector<8x4096xf32>
      %select_n3A_1176 = arith.select %lt3A_1172, %broadcast_in_dim3A_1175, %select_n3A_1166 : vector<8x4096xi1>, vector<8x4096xf32>
      %min3A_1177 = arith.minimumf %sub3A_1171, %min3A_1167 : vector<8x4096xf32>
      %slice3A_1178 = vector.extract_strided_slice %get3A_68 {offsets = [888, 0], sizes = [8, 1], strides = [1, 1]} : vector<2048x1xf32> to vector<8x1xf32>
      %slice3A_1179 = vector.extract_strided_slice %dot_general3A_63 {offsets = [888, 0], sizes = [8, 4096], strides = [1, 1]} : vector<2048x4096xf32> to vector<8x4096xf32>
      %sub3A_1180 = vector.broadcast %slice3A_1178 : vector<8x1xf32> to vector<8x4096xf32>
      %sub3A_1181 = arith.subf %sub3A_1180, %slice3A_1179 : vector<8x4096xf32>
      %lt3A_1182 = arith.cmpf olt, %sub3A_1181, %min3A_1177 : vector<8x4096xf32>
      %add3A_1183 = arith.constant 1.110000e+02 : f32
      %add3A_1184 = arith.addf %mul3A_71, %add3A_1183 : f32
      %broadcast_in_dim3A_1185 = vector.broadcast %add3A_1184 : f32 to vector<8x4096xf32>
      %select_n3A_1186 = arith.select %lt3A_1182, %broadcast_in_dim3A_1185, %select_n3A_1176 : vector<8x4096xi1>, vector<8x4096xf32>
      %min3A_1187 = arith.minimumf %sub3A_1181, %min3A_1177 : vector<8x4096xf32>
      %slice3A_1188 = vector.extract_strided_slice %get3A_68 {offsets = [896, 0], sizes = [8, 1], strides = [1, 1]} : vector<2048x1xf32> to vector<8x1xf32>
      %slice3A_1189 = vector.extract_strided_slice %dot_general3A_63 {offsets = [896, 0], sizes = [8, 4096], strides = [1, 1]} : vector<2048x4096xf32> to vector<8x4096xf32>
      %sub3A_1190 = vector.broadcast %slice3A_1188 : vector<8x1xf32> to vector<8x4096xf32>
      %sub3A_1191 = arith.subf %sub3A_1190, %slice3A_1189 : vector<8x4096xf32>
      %lt3A_1192 = arith.cmpf olt, %sub3A_1191, %min3A_1187 : vector<8x4096xf32>
      %add3A_1193 = arith.constant 1.120000e+02 : f32
      %add3A_1194 = arith.addf %mul3A_71, %add3A_1193 : f32
      %broadcast_in_dim3A_1195 = vector.broadcast %add3A_1194 : f32 to vector<8x4096xf32>
      %select_n3A_1196 = arith.select %lt3A_1192, %broadcast_in_dim3A_1195, %select_n3A_1186 : vector<8x4096xi1>, vector<8x4096xf32>
      %min3A_1197 = arith.minimumf %sub3A_1191, %min3A_1187 : vector<8x4096xf32>
      %slice3A_1198 = vector.extract_strided_slice %get3A_68 {offsets = [904, 0], sizes = [8, 1], strides = [1, 1]} : vector<2048x1xf32> to vector<8x1xf32>
      %slice3A_1199 = vector.extract_strided_slice %dot_general3A_63 {offsets = [904, 0], sizes = [8, 4096], strides = [1, 1]} : vector<2048x4096xf32> to vector<8x4096xf32>
      %sub3A_1200 = vector.broadcast %slice3A_1198 : vector<8x1xf32> to vector<8x4096xf32>
      %sub3A_1201 = arith.subf %sub3A_1200, %slice3A_1199 : vector<8x4096xf32>
      %lt3A_1202 = arith.cmpf olt, %sub3A_1201, %min3A_1197 : vector<8x4096xf32>
      %add3A_1203 = arith.constant 1.130000e+02 : f32
      %add3A_1204 = arith.addf %mul3A_71, %add3A_1203 : f32
      %broadcast_in_dim3A_1205 = vector.broadcast %add3A_1204 : f32 to vector<8x4096xf32>
      %select_n3A_1206 = arith.select %lt3A_1202, %broadcast_in_dim3A_1205, %select_n3A_1196 : vector<8x4096xi1>, vector<8x4096xf32>
      %min3A_1207 = arith.minimumf %sub3A_1201, %min3A_1197 : vector<8x4096xf32>
      %slice3A_1208 = vector.extract_strided_slice %get3A_68 {offsets = [912, 0], sizes = [8, 1], strides = [1, 1]} : vector<2048x1xf32> to vector<8x1xf32>
      %slice3A_1209 = vector.extract_strided_slice %dot_general3A_63 {offsets = [912, 0], sizes = [8, 4096], strides = [1, 1]} : vector<2048x4096xf32> to vector<8x4096xf32>
      %sub3A_1210 = vector.broadcast %slice3A_1208 : vector<8x1xf32> to vector<8x4096xf32>
      %sub3A_1211 = arith.subf %sub3A_1210, %slice3A_1209 : vector<8x4096xf32>
      %lt3A_1212 = arith.cmpf olt, %sub3A_1211, %min3A_1207 : vector<8x4096xf32>
      %add3A_1213 = arith.constant 1.140000e+02 : f32
      %add3A_1214 = arith.addf %mul3A_71, %add3A_1213 : f32
      %broadcast_in_dim3A_1215 = vector.broadcast %add3A_1214 : f32 to vector<8x4096xf32>
      %select_n3A_1216 = arith.select %lt3A_1212, %broadcast_in_dim3A_1215, %select_n3A_1206 : vector<8x4096xi1>, vector<8x4096xf32>
      %min3A_1217 = arith.minimumf %sub3A_1211, %min3A_1207 : vector<8x4096xf32>
      %slice3A_1218 = vector.extract_strided_slice %get3A_68 {offsets = [920, 0], sizes = [8, 1], strides = [1, 1]} : vector<2048x1xf32> to vector<8x1xf32>
      %slice3A_1219 = vector.extract_strided_slice %dot_general3A_63 {offsets = [920, 0], sizes = [8, 4096], strides = [1, 1]} : vector<2048x4096xf32> to vector<8x4096xf32>
      %sub3A_1220 = vector.broadcast %slice3A_1218 : vector<8x1xf32> to vector<8x4096xf32>
      %sub3A_1221 = arith.subf %sub3A_1220, %slice3A_1219 : vector<8x4096xf32>
      %lt3A_1222 = arith.cmpf olt, %sub3A_1221, %min3A_1217 : vector<8x4096xf32>
      %add3A_1223 = arith.constant 1.150000e+02 : f32
      %add3A_1224 = arith.addf %mul3A_71, %add3A_1223 : f32
      %broadcast_in_dim3A_1225 = vector.broadcast %add3A_1224 : f32 to vector<8x4096xf32>
      %select_n3A_1226 = arith.select %lt3A_1222, %broadcast_in_dim3A_1225, %select_n3A_1216 : vector<8x4096xi1>, vector<8x4096xf32>
      %min3A_1227 = arith.minimumf %sub3A_1221, %min3A_1217 : vector<8x4096xf32>
      %slice3A_1228 = vector.extract_strided_slice %get3A_68 {offsets = [928, 0], sizes = [8, 1], strides = [1, 1]} : vector<2048x1xf32> to vector<8x1xf32>
      %slice3A_1229 = vector.extract_strided_slice %dot_general3A_63 {offsets = [928, 0], sizes = [8, 4096], strides = [1, 1]} : vector<2048x4096xf32> to vector<8x4096xf32>
      %sub3A_1230 = vector.broadcast %slice3A_1228 : vector<8x1xf32> to vector<8x4096xf32>
      %sub3A_1231 = arith.subf %sub3A_1230, %slice3A_1229 : vector<8x4096xf32>
      %lt3A_1232 = arith.cmpf olt, %sub3A_1231, %min3A_1227 : vector<8x4096xf32>
      %add3A_1233 = arith.constant 1.160000e+02 : f32
      %add3A_1234 = arith.addf %mul3A_71, %add3A_1233 : f32
      %broadcast_in_dim3A_1235 = vector.broadcast %add3A_1234 : f32 to vector<8x4096xf32>
      %select_n3A_1236 = arith.select %lt3A_1232, %broadcast_in_dim3A_1235, %select_n3A_1226 : vector<8x4096xi1>, vector<8x4096xf32>
      %min3A_1237 = arith.minimumf %sub3A_1231, %min3A_1227 : vector<8x4096xf32>
      %slice3A_1238 = vector.extract_strided_slice %get3A_68 {offsets = [936, 0], sizes = [8, 1], strides = [1, 1]} : vector<2048x1xf32> to vector<8x1xf32>
      %slice3A_1239 = vector.extract_strided_slice %dot_general3A_63 {offsets = [936, 0], sizes = [8, 4096], strides = [1, 1]} : vector<2048x4096xf32> to vector<8x4096xf32>
      %sub3A_1240 = vector.broadcast %slice3A_1238 : vector<8x1xf32> to vector<8x4096xf32>
      %sub3A_1241 = arith.subf %sub3A_1240, %slice3A_1239 : vector<8x4096xf32>
      %lt3A_1242 = arith.cmpf olt, %sub3A_1241, %min3A_1237 : vector<8x4096xf32>
      %add3A_1243 = arith.constant 1.170000e+02 : f32
      %add3A_1244 = arith.addf %mul3A_71, %add3A_1243 : f32
      %broadcast_in_dim3A_1245 = vector.broadcast %add3A_1244 : f32 to vector<8x4096xf32>
      %select_n3A_1246 = arith.select %lt3A_1242, %broadcast_in_dim3A_1245, %select_n3A_1236 : vector<8x4096xi1>, vector<8x4096xf32>
      %min3A_1247 = arith.minimumf %sub3A_1241, %min3A_1237 : vector<8x4096xf32>
      %slice3A_1248 = vector.extract_strided_slice %get3A_68 {offsets = [944, 0], sizes = [8, 1], strides = [1, 1]} : vector<2048x1xf32> to vector<8x1xf32>
      %slice3A_1249 = vector.extract_strided_slice %dot_general3A_63 {offsets = [944, 0], sizes = [8, 4096], strides = [1, 1]} : vector<2048x4096xf32> to vector<8x4096xf32>
      %sub3A_1250 = vector.broadcast %slice3A_1248 : vector<8x1xf32> to vector<8x4096xf32>
      %sub3A_1251 = arith.subf %sub3A_1250, %slice3A_1249 : vector<8x4096xf32>
      %lt3A_1252 = arith.cmpf olt, %sub3A_1251, %min3A_1247 : vector<8x4096xf32>
      %add3A_1253 = arith.constant 1.180000e+02 : f32
      %add3A_1254 = arith.addf %mul3A_71, %add3A_1253 : f32
      %broadcast_in_dim3A_1255 = vector.broadcast %add3A_1254 : f32 to vector<8x4096xf32>
      %select_n3A_1256 = arith.select %lt3A_1252, %broadcast_in_dim3A_1255, %select_n3A_1246 : vector<8x4096xi1>, vector<8x4096xf32>
      %min3A_1257 = arith.minimumf %sub3A_1251, %min3A_1247 : vector<8x4096xf32>
      %slice3A_1258 = vector.extract_strided_slice %get3A_68 {offsets = [952, 0], sizes = [8, 1], strides = [1, 1]} : vector<2048x1xf32> to vector<8x1xf32>
      %slice3A_1259 = vector.extract_strided_slice %dot_general3A_63 {offsets = [952, 0], sizes = [8, 4096], strides = [1, 1]} : vector<2048x4096xf32> to vector<8x4096xf32>
      %sub3A_1260 = vector.broadcast %slice3A_1258 : vector<8x1xf32> to vector<8x4096xf32>
      %sub3A_1261 = arith.subf %sub3A_1260, %slice3A_1259 : vector<8x4096xf32>
      %lt3A_1262 = arith.cmpf olt, %sub3A_1261, %min3A_1257 : vector<8x4096xf32>
      %add3A_1263 = arith.constant 1.190000e+02 : f32
      %add3A_1264 = arith.addf %mul3A_71, %add3A_1263 : f32
      %broadcast_in_dim3A_1265 = vector.broadcast %add3A_1264 : f32 to vector<8x4096xf32>
      %select_n3A_1266 = arith.select %lt3A_1262, %broadcast_in_dim3A_1265, %select_n3A_1256 : vector<8x4096xi1>, vector<8x4096xf32>
      %min3A_1267 = arith.minimumf %sub3A_1261, %min3A_1257 : vector<8x4096xf32>
      %slice3A_1268 = vector.extract_strided_slice %get3A_68 {offsets = [960, 0], sizes = [8, 1], strides = [1, 1]} : vector<2048x1xf32> to vector<8x1xf32>
      %slice3A_1269 = vector.extract_strided_slice %dot_general3A_63 {offsets = [960, 0], sizes = [8, 4096], strides = [1, 1]} : vector<2048x4096xf32> to vector<8x4096xf32>
      %sub3A_1270 = vector.broadcast %slice3A_1268 : vector<8x1xf32> to vector<8x4096xf32>
      %sub3A_1271 = arith.subf %sub3A_1270, %slice3A_1269 : vector<8x4096xf32>
      %lt3A_1272 = arith.cmpf olt, %sub3A_1271, %min3A_1267 : vector<8x4096xf32>
      %add3A_1273 = arith.constant 1.200000e+02 : f32
      %add3A_1274 = arith.addf %mul3A_71, %add3A_1273 : f32
      %broadcast_in_dim3A_1275 = vector.broadcast %add3A_1274 : f32 to vector<8x4096xf32>
      %select_n3A_1276 = arith.select %lt3A_1272, %broadcast_in_dim3A_1275, %select_n3A_1266 : vector<8x4096xi1>, vector<8x4096xf32>
      %min3A_1277 = arith.minimumf %sub3A_1271, %min3A_1267 : vector<8x4096xf32>
      %slice3A_1278 = vector.extract_strided_slice %get3A_68 {offsets = [968, 0], sizes = [8, 1], strides = [1, 1]} : vector<2048x1xf32> to vector<8x1xf32>
      %slice3A_1279 = vector.extract_strided_slice %dot_general3A_63 {offsets = [968, 0], sizes = [8, 4096], strides = [1, 1]} : vector<2048x4096xf32> to vector<8x4096xf32>
      %sub3A_1280 = vector.broadcast %slice3A_1278 : vector<8x1xf32> to vector<8x4096xf32>
      %sub3A_1281 = arith.subf %sub3A_1280, %slice3A_1279 : vector<8x4096xf32>
      %lt3A_1282 = arith.cmpf olt, %sub3A_1281, %min3A_1277 : vector<8x4096xf32>
      %add3A_1283 = arith.constant 1.210000e+02 : f32
      %add3A_1284 = arith.addf %mul3A_71, %add3A_1283 : f32
      %broadcast_in_dim3A_1285 = vector.broadcast %add3A_1284 : f32 to vector<8x4096xf32>
      %select_n3A_1286 = arith.select %lt3A_1282, %broadcast_in_dim3A_1285, %select_n3A_1276 : vector<8x4096xi1>, vector<8x4096xf32>
      %min3A_1287 = arith.minimumf %sub3A_1281, %min3A_1277 : vector<8x4096xf32>
      %slice3A_1288 = vector.extract_strided_slice %get3A_68 {offsets = [976, 0], sizes = [8, 1], strides = [1, 1]} : vector<2048x1xf32> to vector<8x1xf32>
      %slice3A_1289 = vector.extract_strided_slice %dot_general3A_63 {offsets = [976, 0], sizes = [8, 4096], strides = [1, 1]} : vector<2048x4096xf32> to vector<8x4096xf32>
      %sub3A_1290 = vector.broadcast %slice3A_1288 : vector<8x1xf32> to vector<8x4096xf32>
      %sub3A_1291 = arith.subf %sub3A_1290, %slice3A_1289 : vector<8x4096xf32>
      %lt3A_1292 = arith.cmpf olt, %sub3A_1291, %min3A_1287 : vector<8x4096xf32>
      %add3A_1293 = arith.constant 1.220000e+02 : f32
      %add3A_1294 = arith.addf %mul3A_71, %add3A_1293 : f32
      %broadcast_in_dim3A_1295 = vector.broadcast %add3A_1294 : f32 to vector<8x4096xf32>
      %select_n3A_1296 = arith.select %lt3A_1292, %broadcast_in_dim3A_1295, %select_n3A_1286 : vector<8x4096xi1>, vector<8x4096xf32>
      %min3A_1297 = arith.minimumf %sub3A_1291, %min3A_1287 : vector<8x4096xf32>
      %slice3A_1298 = vector.extract_strided_slice %get3A_68 {offsets = [984, 0], sizes = [8, 1], strides = [1, 1]} : vector<2048x1xf32> to vector<8x1xf32>
      %slice3A_1299 = vector.extract_strided_slice %dot_general3A_63 {offsets = [984, 0], sizes = [8, 4096], strides = [1, 1]} : vector<2048x4096xf32> to vector<8x4096xf32>
      %sub3A_1300 = vector.broadcast %slice3A_1298 : vector<8x1xf32> to vector<8x4096xf32>
      %sub3A_1301 = arith.subf %sub3A_1300, %slice3A_1299 : vector<8x4096xf32>
      %lt3A_1302 = arith.cmpf olt, %sub3A_1301, %min3A_1297 : vector<8x4096xf32>
      %add3A_1303 = arith.constant 1.230000e+02 : f32
      %add3A_1304 = arith.addf %mul3A_71, %add3A_1303 : f32
      %broadcast_in_dim3A_1305 = vector.broadcast %add3A_1304 : f32 to vector<8x4096xf32>
      %select_n3A_1306 = arith.select %lt3A_1302, %broadcast_in_dim3A_1305, %select_n3A_1296 : vector<8x4096xi1>, vector<8x4096xf32>
      %min3A_1307 = arith.minimumf %sub3A_1301, %min3A_1297 : vector<8x4096xf32>
      %slice3A_1308 = vector.extract_strided_slice %get3A_68 {offsets = [992, 0], sizes = [8, 1], strides = [1, 1]} : vector<2048x1xf32> to vector<8x1xf32>
      %slice3A_1309 = vector.extract_strided_slice %dot_general3A_63 {offsets = [992, 0], sizes = [8, 4096], strides = [1, 1]} : vector<2048x4096xf32> to vector<8x4096xf32>
      %sub3A_1310 = vector.broadcast %slice3A_1308 : vector<8x1xf32> to vector<8x4096xf32>
      %sub3A_1311 = arith.subf %sub3A_1310, %slice3A_1309 : vector<8x4096xf32>
      %lt3A_1312 = arith.cmpf olt, %sub3A_1311, %min3A_1307 : vector<8x4096xf32>
      %add3A_1313 = arith.constant 1.240000e+02 : f32
      %add3A_1314 = arith.addf %mul3A_71, %add3A_1313 : f32
      %broadcast_in_dim3A_1315 = vector.broadcast %add3A_1314 : f32 to vector<8x4096xf32>
      %select_n3A_1316 = arith.select %lt3A_1312, %broadcast_in_dim3A_1315, %select_n3A_1306 : vector<8x4096xi1>, vector<8x4096xf32>
      %min3A_1317 = arith.minimumf %sub3A_1311, %min3A_1307 : vector<8x4096xf32>
      %slice3A_1318 = vector.extract_strided_slice %get3A_68 {offsets = [1000, 0], sizes = [8, 1], strides = [1, 1]} : vector<2048x1xf32> to vector<8x1xf32>
      %slice3A_1319 = vector.extract_strided_slice %dot_general3A_63 {offsets = [1000, 0], sizes = [8, 4096], strides = [1, 1]} : vector<2048x4096xf32> to vector<8x4096xf32>
      %sub3A_1320 = vector.broadcast %slice3A_1318 : vector<8x1xf32> to vector<8x4096xf32>
      %sub3A_1321 = arith.subf %sub3A_1320, %slice3A_1319 : vector<8x4096xf32>
      %lt3A_1322 = arith.cmpf olt, %sub3A_1321, %min3A_1317 : vector<8x4096xf32>
      %add3A_1323 = arith.constant 1.250000e+02 : f32
      %add3A_1324 = arith.addf %mul3A_71, %add3A_1323 : f32
      %broadcast_in_dim3A_1325 = vector.broadcast %add3A_1324 : f32 to vector<8x4096xf32>
      %select_n3A_1326 = arith.select %lt3A_1322, %broadcast_in_dim3A_1325, %select_n3A_1316 : vector<8x4096xi1>, vector<8x4096xf32>
      %min3A_1327 = arith.minimumf %sub3A_1321, %min3A_1317 : vector<8x4096xf32>
      %slice3A_1328 = vector.extract_strided_slice %get3A_68 {offsets = [1008, 0], sizes = [8, 1], strides = [1, 1]} : vector<2048x1xf32> to vector<8x1xf32>
      %slice3A_1329 = vector.extract_strided_slice %dot_general3A_63 {offsets = [1008, 0], sizes = [8, 4096], strides = [1, 1]} : vector<2048x4096xf32> to vector<8x4096xf32>
      %sub3A_1330 = vector.broadcast %slice3A_1328 : vector<8x1xf32> to vector<8x4096xf32>
      %sub3A_1331 = arith.subf %sub3A_1330, %slice3A_1329 : vector<8x4096xf32>
      %lt3A_1332 = arith.cmpf olt, %sub3A_1331, %min3A_1327 : vector<8x4096xf32>
      %add3A_1333 = arith.constant 1.260000e+02 : f32
      %add3A_1334 = arith.addf %mul3A_71, %add3A_1333 : f32
      %broadcast_in_dim3A_1335 = vector.broadcast %add3A_1334 : f32 to vector<8x4096xf32>
      %select_n3A_1336 = arith.select %lt3A_1332, %broadcast_in_dim3A_1335, %select_n3A_1326 : vector<8x4096xi1>, vector<8x4096xf32>
      %min3A_1337 = arith.minimumf %sub3A_1331, %min3A_1327 : vector<8x4096xf32>
      %slice3A_1338 = vector.extract_strided_slice %get3A_68 {offsets = [1016, 0], sizes = [8, 1], strides = [1, 1]} : vector<2048x1xf32> to vector<8x1xf32>
      %slice3A_1339 = vector.extract_strided_slice %dot_general3A_63 {offsets = [1016, 0], sizes = [8, 4096], strides = [1, 1]} : vector<2048x4096xf32> to vector<8x4096xf32>
      %sub3A_1340 = vector.broadcast %slice3A_1338 : vector<8x1xf32> to vector<8x4096xf32>
      %sub3A_1341 = arith.subf %sub3A_1340, %slice3A_1339 : vector<8x4096xf32>
      %lt3A_1342 = arith.cmpf olt, %sub3A_1341, %min3A_1337 : vector<8x4096xf32>
      %add3A_1343 = arith.constant 1.270000e+02 : f32
      %add3A_1344 = arith.addf %mul3A_71, %add3A_1343 : f32
      %broadcast_in_dim3A_1345 = vector.broadcast %add3A_1344 : f32 to vector<8x4096xf32>
      %select_n3A_1346 = arith.select %lt3A_1342, %broadcast_in_dim3A_1345, %select_n3A_1336 : vector<8x4096xi1>, vector<8x4096xf32>
      %min3A_1347 = arith.minimumf %sub3A_1341, %min3A_1337 : vector<8x4096xf32>
      %slice3A_1348 = vector.extract_strided_slice %get3A_68 {offsets = [1024, 0], sizes = [8, 1], strides = [1, 1]} : vector<2048x1xf32> to vector<8x1xf32>
      %slice3A_1349 = vector.extract_strided_slice %dot_general3A_63 {offsets = [1024, 0], sizes = [8, 4096], strides = [1, 1]} : vector<2048x4096xf32> to vector<8x4096xf32>
      %sub3A_1350 = vector.broadcast %slice3A_1348 : vector<8x1xf32> to vector<8x4096xf32>
      %sub3A_1351 = arith.subf %sub3A_1350, %slice3A_1349 : vector<8x4096xf32>
      %lt3A_1352 = arith.cmpf olt, %sub3A_1351, %min3A_1347 : vector<8x4096xf32>
      %add3A_1353 = arith.constant 1.280000e+02 : f32
      %add3A_1354 = arith.addf %mul3A_71, %add3A_1353 : f32
      %broadcast_in_dim3A_1355 = vector.broadcast %add3A_1354 : f32 to vector<8x4096xf32>
      %select_n3A_1356 = arith.select %lt3A_1352, %broadcast_in_dim3A_1355, %select_n3A_1346 : vector<8x4096xi1>, vector<8x4096xf32>
      %min3A_1357 = arith.minimumf %sub3A_1351, %min3A_1347 : vector<8x4096xf32>
      %slice3A_1358 = vector.extract_strided_slice %get3A_68 {offsets = [1032, 0], sizes = [8, 1], strides = [1, 1]} : vector<2048x1xf32> to vector<8x1xf32>
      %slice3A_1359 = vector.extract_strided_slice %dot_general3A_63 {offsets = [1032, 0], sizes = [8, 4096], strides = [1, 1]} : vector<2048x4096xf32> to vector<8x4096xf32>
      %sub3A_1360 = vector.broadcast %slice3A_1358 : vector<8x1xf32> to vector<8x4096xf32>
      %sub3A_1361 = arith.subf %sub3A_1360, %slice3A_1359 : vector<8x4096xf32>
      %lt3A_1362 = arith.cmpf olt, %sub3A_1361, %min3A_1357 : vector<8x4096xf32>
      %add3A_1363 = arith.constant 1.290000e+02 : f32
      %add3A_1364 = arith.addf %mul3A_71, %add3A_1363 : f32
      %broadcast_in_dim3A_1365 = vector.broadcast %add3A_1364 : f32 to vector<8x4096xf32>
      %select_n3A_1366 = arith.select %lt3A_1362, %broadcast_in_dim3A_1365, %select_n3A_1356 : vector<8x4096xi1>, vector<8x4096xf32>
      %min3A_1367 = arith.minimumf %sub3A_1361, %min3A_1357 : vector<8x4096xf32>
      %slice3A_1368 = vector.extract_strided_slice %get3A_68 {offsets = [1040, 0], sizes = [8, 1], strides = [1, 1]} : vector<2048x1xf32> to vector<8x1xf32>
      %slice3A_1369 = vector.extract_strided_slice %dot_general3A_63 {offsets = [1040, 0], sizes = [8, 4096], strides = [1, 1]} : vector<2048x4096xf32> to vector<8x4096xf32>
      %sub3A_1370 = vector.broadcast %slice3A_1368 : vector<8x1xf32> to vector<8x4096xf32>
      %sub3A_1371 = arith.subf %sub3A_1370, %slice3A_1369 : vector<8x4096xf32>
      %lt3A_1372 = arith.cmpf olt, %sub3A_1371, %min3A_1367 : vector<8x4096xf32>
      %add3A_1373 = arith.constant 1.300000e+02 : f32
      %add3A_1374 = arith.addf %mul3A_71, %add3A_1373 : f32
      %broadcast_in_dim3A_1375 = vector.broadcast %add3A_1374 : f32 to vector<8x4096xf32>
      %select_n3A_1376 = arith.select %lt3A_1372, %broadcast_in_dim3A_1375, %select_n3A_1366 : vector<8x4096xi1>, vector<8x4096xf32>
      %min3A_1377 = arith.minimumf %sub3A_1371, %min3A_1367 : vector<8x4096xf32>
      %slice3A_1378 = vector.extract_strided_slice %get3A_68 {offsets = [1048, 0], sizes = [8, 1], strides = [1, 1]} : vector<2048x1xf32> to vector<8x1xf32>
      %slice3A_1379 = vector.extract_strided_slice %dot_general3A_63 {offsets = [1048, 0], sizes = [8, 4096], strides = [1, 1]} : vector<2048x4096xf32> to vector<8x4096xf32>
      %sub3A_1380 = vector.broadcast %slice3A_1378 : vector<8x1xf32> to vector<8x4096xf32>
      %sub3A_1381 = arith.subf %sub3A_1380, %slice3A_1379 : vector<8x4096xf32>
      %lt3A_1382 = arith.cmpf olt, %sub3A_1381, %min3A_1377 : vector<8x4096xf32>
      %add3A_1383 = arith.constant 1.310000e+02 : f32
      %add3A_1384 = arith.addf %mul3A_71, %add3A_1383 : f32
      %broadcast_in_dim3A_1385 = vector.broadcast %add3A_1384 : f32 to vector<8x4096xf32>
      %select_n3A_1386 = arith.select %lt3A_1382, %broadcast_in_dim3A_1385, %select_n3A_1376 : vector<8x4096xi1>, vector<8x4096xf32>
      %min3A_1387 = arith.minimumf %sub3A_1381, %min3A_1377 : vector<8x4096xf32>
      %slice3A_1388 = vector.extract_strided_slice %get3A_68 {offsets = [1056, 0], sizes = [8, 1], strides = [1, 1]} : vector<2048x1xf32> to vector<8x1xf32>
      %slice3A_1389 = vector.extract_strided_slice %dot_general3A_63 {offsets = [1056, 0], sizes = [8, 4096], strides = [1, 1]} : vector<2048x4096xf32> to vector<8x4096xf32>
      %sub3A_1390 = vector.broadcast %slice3A_1388 : vector<8x1xf32> to vector<8x4096xf32>
      %sub3A_1391 = arith.subf %sub3A_1390, %slice3A_1389 : vector<8x4096xf32>
      %lt3A_1392 = arith.cmpf olt, %sub3A_1391, %min3A_1387 : vector<8x4096xf32>
      %add3A_1393 = arith.constant 1.320000e+02 : f32
      %add3A_1394 = arith.addf %mul3A_71, %add3A_1393 : f32
      %broadcast_in_dim3A_1395 = vector.broadcast %add3A_1394 : f32 to vector<8x4096xf32>
      %select_n3A_1396 = arith.select %lt3A_1392, %broadcast_in_dim3A_1395, %select_n3A_1386 : vector<8x4096xi1>, vector<8x4096xf32>
      %min3A_1397 = arith.minimumf %sub3A_1391, %min3A_1387 : vector<8x4096xf32>
      %slice3A_1398 = vector.extract_strided_slice %get3A_68 {offsets = [1064, 0], sizes = [8, 1], strides = [1, 1]} : vector<2048x1xf32> to vector<8x1xf32>
      %slice3A_1399 = vector.extract_strided_slice %dot_general3A_63 {offsets = [1064, 0], sizes = [8, 4096], strides = [1, 1]} : vector<2048x4096xf32> to vector<8x4096xf32>
      %sub3A_1400 = vector.broadcast %slice3A_1398 : vector<8x1xf32> to vector<8x4096xf32>
      %sub3A_1401 = arith.subf %sub3A_1400, %slice3A_1399 : vector<8x4096xf32>
      %lt3A_1402 = arith.cmpf olt, %sub3A_1401, %min3A_1397 : vector<8x4096xf32>
      %add3A_1403 = arith.constant 1.330000e+02 : f32
      %add3A_1404 = arith.addf %mul3A_71, %add3A_1403 : f32
      %broadcast_in_dim3A_1405 = vector.broadcast %add3A_1404 : f32 to vector<8x4096xf32>
      %select_n3A_1406 = arith.select %lt3A_1402, %broadcast_in_dim3A_1405, %select_n3A_1396 : vector<8x4096xi1>, vector<8x4096xf32>
      %min3A_1407 = arith.minimumf %sub3A_1401, %min3A_1397 : vector<8x4096xf32>
      %slice3A_1408 = vector.extract_strided_slice %get3A_68 {offsets = [1072, 0], sizes = [8, 1], strides = [1, 1]} : vector<2048x1xf32> to vector<8x1xf32>
      %slice3A_1409 = vector.extract_strided_slice %dot_general3A_63 {offsets = [1072, 0], sizes = [8, 4096], strides = [1, 1]} : vector<2048x4096xf32> to vector<8x4096xf32>
      %sub3A_1410 = vector.broadcast %slice3A_1408 : vector<8x1xf32> to vector<8x4096xf32>
      %sub3A_1411 = arith.subf %sub3A_1410, %slice3A_1409 : vector<8x4096xf32>
      %lt3A_1412 = arith.cmpf olt, %sub3A_1411, %min3A_1407 : vector<8x4096xf32>
      %add3A_1413 = arith.constant 1.340000e+02 : f32
      %add3A_1414 = arith.addf %mul3A_71, %add3A_1413 : f32
      %broadcast_in_dim3A_1415 = vector.broadcast %add3A_1414 : f32 to vector<8x4096xf32>
      %select_n3A_1416 = arith.select %lt3A_1412, %broadcast_in_dim3A_1415, %select_n3A_1406 : vector<8x4096xi1>, vector<8x4096xf32>
      %min3A_1417 = arith.minimumf %sub3A_1411, %min3A_1407 : vector<8x4096xf32>
      %slice3A_1418 = vector.extract_strided_slice %get3A_68 {offsets = [1080, 0], sizes = [8, 1], strides = [1, 1]} : vector<2048x1xf32> to vector<8x1xf32>
      %slice3A_1419 = vector.extract_strided_slice %dot_general3A_63 {offsets = [1080, 0], sizes = [8, 4096], strides = [1, 1]} : vector<2048x4096xf32> to vector<8x4096xf32>
      %sub3A_1420 = vector.broadcast %slice3A_1418 : vector<8x1xf32> to vector<8x4096xf32>
      %sub3A_1421 = arith.subf %sub3A_1420, %slice3A_1419 : vector<8x4096xf32>
      %lt3A_1422 = arith.cmpf olt, %sub3A_1421, %min3A_1417 : vector<8x4096xf32>
      %add3A_1423 = arith.constant 1.350000e+02 : f32
      %add3A_1424 = arith.addf %mul3A_71, %add3A_1423 : f32
      %broadcast_in_dim3A_1425 = vector.broadcast %add3A_1424 : f32 to vector<8x4096xf32>
      %select_n3A_1426 = arith.select %lt3A_1422, %broadcast_in_dim3A_1425, %select_n3A_1416 : vector<8x4096xi1>, vector<8x4096xf32>
      %min3A_1427 = arith.minimumf %sub3A_1421, %min3A_1417 : vector<8x4096xf32>
      %slice3A_1428 = vector.extract_strided_slice %get3A_68 {offsets = [1088, 0], sizes = [8, 1], strides = [1, 1]} : vector<2048x1xf32> to vector<8x1xf32>
      %slice3A_1429 = vector.extract_strided_slice %dot_general3A_63 {offsets = [1088, 0], sizes = [8, 4096], strides = [1, 1]} : vector<2048x4096xf32> to vector<8x4096xf32>
      %sub3A_1430 = vector.broadcast %slice3A_1428 : vector<8x1xf32> to vector<8x4096xf32>
      %sub3A_1431 = arith.subf %sub3A_1430, %slice3A_1429 : vector<8x4096xf32>
      %lt3A_1432 = arith.cmpf olt, %sub3A_1431, %min3A_1427 : vector<8x4096xf32>
      %add3A_1433 = arith.constant 1.360000e+02 : f32
      %add3A_1434 = arith.addf %mul3A_71, %add3A_1433 : f32
      %broadcast_in_dim3A_1435 = vector.broadcast %add3A_1434 : f32 to vector<8x4096xf32>
      %select_n3A_1436 = arith.select %lt3A_1432, %broadcast_in_dim3A_1435, %select_n3A_1426 : vector<8x4096xi1>, vector<8x4096xf32>
      %min3A_1437 = arith.minimumf %sub3A_1431, %min3A_1427 : vector<8x4096xf32>
      %slice3A_1438 = vector.extract_strided_slice %get3A_68 {offsets = [1096, 0], sizes = [8, 1], strides = [1, 1]} : vector<2048x1xf32> to vector<8x1xf32>
      %slice3A_1439 = vector.extract_strided_slice %dot_general3A_63 {offsets = [1096, 0], sizes = [8, 4096], strides = [1, 1]} : vector<2048x4096xf32> to vector<8x4096xf32>
      %sub3A_1440 = vector.broadcast %slice3A_1438 : vector<8x1xf32> to vector<8x4096xf32>
      %sub3A_1441 = arith.subf %sub3A_1440, %slice3A_1439 : vector<8x4096xf32>
      %lt3A_1442 = arith.cmpf olt, %sub3A_1441, %min3A_1437 : vector<8x4096xf32>
      %add3A_1443 = arith.constant 1.370000e+02 : f32
      %add3A_1444 = arith.addf %mul3A_71, %add3A_1443 : f32
      %broadcast_in_dim3A_1445 = vector.broadcast %add3A_1444 : f32 to vector<8x4096xf32>
      %select_n3A_1446 = arith.select %lt3A_1442, %broadcast_in_dim3A_1445, %select_n3A_1436 : vector<8x4096xi1>, vector<8x4096xf32>
      %min3A_1447 = arith.minimumf %sub3A_1441, %min3A_1437 : vector<8x4096xf32>
      %slice3A_1448 = vector.extract_strided_slice %get3A_68 {offsets = [1104, 0], sizes = [8, 1], strides = [1, 1]} : vector<2048x1xf32> to vector<8x1xf32>
      %slice3A_1449 = vector.extract_strided_slice %dot_general3A_63 {offsets = [1104, 0], sizes = [8, 4096], strides = [1, 1]} : vector<2048x4096xf32> to vector<8x4096xf32>
      %sub3A_1450 = vector.broadcast %slice3A_1448 : vector<8x1xf32> to vector<8x4096xf32>
      %sub3A_1451 = arith.subf %sub3A_1450, %slice3A_1449 : vector<8x4096xf32>
      %lt3A_1452 = arith.cmpf olt, %sub3A_1451, %min3A_1447 : vector<8x4096xf32>
      %add3A_1453 = arith.constant 1.380000e+02 : f32
      %add3A_1454 = arith.addf %mul3A_71, %add3A_1453 : f32
      %broadcast_in_dim3A_1455 = vector.broadcast %add3A_1454 : f32 to vector<8x4096xf32>
      %select_n3A_1456 = arith.select %lt3A_1452, %broadcast_in_dim3A_1455, %select_n3A_1446 : vector<8x4096xi1>, vector<8x4096xf32>
      %min3A_1457 = arith.minimumf %sub3A_1451, %min3A_1447 : vector<8x4096xf32>
      %slice3A_1458 = vector.extract_strided_slice %get3A_68 {offsets = [1112, 0], sizes = [8, 1], strides = [1, 1]} : vector<2048x1xf32> to vector<8x1xf32>
      %slice3A_1459 = vector.extract_strided_slice %dot_general3A_63 {offsets = [1112, 0], sizes = [8, 4096], strides = [1, 1]} : vector<2048x4096xf32> to vector<8x4096xf32>
      %sub3A_1460 = vector.broadcast %slice3A_1458 : vector<8x1xf32> to vector<8x4096xf32>
      %sub3A_1461 = arith.subf %sub3A_1460, %slice3A_1459 : vector<8x4096xf32>
      %lt3A_1462 = arith.cmpf olt, %sub3A_1461, %min3A_1457 : vector<8x4096xf32>
      %add3A_1463 = arith.constant 1.390000e+02 : f32
      %add3A_1464 = arith.addf %mul3A_71, %add3A_1463 : f32
      %broadcast_in_dim3A_1465 = vector.broadcast %add3A_1464 : f32 to vector<8x4096xf32>
      %select_n3A_1466 = arith.select %lt3A_1462, %broadcast_in_dim3A_1465, %select_n3A_1456 : vector<8x4096xi1>, vector<8x4096xf32>
      %min3A_1467 = arith.minimumf %sub3A_1461, %min3A_1457 : vector<8x4096xf32>
      %slice3A_1468 = vector.extract_strided_slice %get3A_68 {offsets = [1120, 0], sizes = [8, 1], strides = [1, 1]} : vector<2048x1xf32> to vector<8x1xf32>
      %slice3A_1469 = vector.extract_strided_slice %dot_general3A_63 {offsets = [1120, 0], sizes = [8, 4096], strides = [1, 1]} : vector<2048x4096xf32> to vector<8x4096xf32>
      %sub3A_1470 = vector.broadcast %slice3A_1468 : vector<8x1xf32> to vector<8x4096xf32>
      %sub3A_1471 = arith.subf %sub3A_1470, %slice3A_1469 : vector<8x4096xf32>
      %lt3A_1472 = arith.cmpf olt, %sub3A_1471, %min3A_1467 : vector<8x4096xf32>
      %add3A_1473 = arith.constant 1.400000e+02 : f32
      %add3A_1474 = arith.addf %mul3A_71, %add3A_1473 : f32
      %broadcast_in_dim3A_1475 = vector.broadcast %add3A_1474 : f32 to vector<8x4096xf32>
      %select_n3A_1476 = arith.select %lt3A_1472, %broadcast_in_dim3A_1475, %select_n3A_1466 : vector<8x4096xi1>, vector<8x4096xf32>
      %min3A_1477 = arith.minimumf %sub3A_1471, %min3A_1467 : vector<8x4096xf32>
      %slice3A_1478 = vector.extract_strided_slice %get3A_68 {offsets = [1128, 0], sizes = [8, 1], strides = [1, 1]} : vector<2048x1xf32> to vector<8x1xf32>
      %slice3A_1479 = vector.extract_strided_slice %dot_general3A_63 {offsets = [1128, 0], sizes = [8, 4096], strides = [1, 1]} : vector<2048x4096xf32> to vector<8x4096xf32>
      %sub3A_1480 = vector.broadcast %slice3A_1478 : vector<8x1xf32> to vector<8x4096xf32>
      %sub3A_1481 = arith.subf %sub3A_1480, %slice3A_1479 : vector<8x4096xf32>
      %lt3A_1482 = arith.cmpf olt, %sub3A_1481, %min3A_1477 : vector<8x4096xf32>
      %add3A_1483 = arith.constant 1.410000e+02 : f32
      %add3A_1484 = arith.addf %mul3A_71, %add3A_1483 : f32
      %broadcast_in_dim3A_1485 = vector.broadcast %add3A_1484 : f32 to vector<8x4096xf32>
      %select_n3A_1486 = arith.select %lt3A_1482, %broadcast_in_dim3A_1485, %select_n3A_1476 : vector<8x4096xi1>, vector<8x4096xf32>
      %min3A_1487 = arith.minimumf %sub3A_1481, %min3A_1477 : vector<8x4096xf32>
      %slice3A_1488 = vector.extract_strided_slice %get3A_68 {offsets = [1136, 0], sizes = [8, 1], strides = [1, 1]} : vector<2048x1xf32> to vector<8x1xf32>
      %slice3A_1489 = vector.extract_strided_slice %dot_general3A_63 {offsets = [1136, 0], sizes = [8, 4096], strides = [1, 1]} : vector<2048x4096xf32> to vector<8x4096xf32>
      %sub3A_1490 = vector.broadcast %slice3A_1488 : vector<8x1xf32> to vector<8x4096xf32>
      %sub3A_1491 = arith.subf %sub3A_1490, %slice3A_1489 : vector<8x4096xf32>
      %lt3A_1492 = arith.cmpf olt, %sub3A_1491, %min3A_1487 : vector<8x4096xf32>
      %add3A_1493 = arith.constant 1.420000e+02 : f32
      %add3A_1494 = arith.addf %mul3A_71, %add3A_1493 : f32
      %broadcast_in_dim3A_1495 = vector.broadcast %add3A_1494 : f32 to vector<8x4096xf32>
      %select_n3A_1496 = arith.select %lt3A_1492, %broadcast_in_dim3A_1495, %select_n3A_1486 : vector<8x4096xi1>, vector<8x4096xf32>
      %min3A_1497 = arith.minimumf %sub3A_1491, %min3A_1487 : vector<8x4096xf32>
      %slice3A_1498 = vector.extract_strided_slice %get3A_68 {offsets = [1144, 0], sizes = [8, 1], strides = [1, 1]} : vector<2048x1xf32> to vector<8x1xf32>
      %slice3A_1499 = vector.extract_strided_slice %dot_general3A_63 {offsets = [1144, 0], sizes = [8, 4096], strides = [1, 1]} : vector<2048x4096xf32> to vector<8x4096xf32>
      %sub3A_1500 = vector.broadcast %slice3A_1498 : vector<8x1xf32> to vector<8x4096xf32>
      %sub3A_1501 = arith.subf %sub3A_1500, %slice3A_1499 : vector<8x4096xf32>
      %lt3A_1502 = arith.cmpf olt, %sub3A_1501, %min3A_1497 : vector<8x4096xf32>
      %add3A_1503 = arith.constant 1.430000e+02 : f32
      %add3A_1504 = arith.addf %mul3A_71, %add3A_1503 : f32
      %broadcast_in_dim3A_1505 = vector.broadcast %add3A_1504 : f32 to vector<8x4096xf32>
      %select_n3A_1506 = arith.select %lt3A_1502, %broadcast_in_dim3A_1505, %select_n3A_1496 : vector<8x4096xi1>, vector<8x4096xf32>
      %min3A_1507 = arith.minimumf %sub3A_1501, %min3A_1497 : vector<8x4096xf32>
      %slice3A_1508 = vector.extract_strided_slice %get3A_68 {offsets = [1152, 0], sizes = [8, 1], strides = [1, 1]} : vector<2048x1xf32> to vector<8x1xf32>
      %slice3A_1509 = vector.extract_strided_slice %dot_general3A_63 {offsets = [1152, 0], sizes = [8, 4096], strides = [1, 1]} : vector<2048x4096xf32> to vector<8x4096xf32>
      %sub3A_1510 = vector.broadcast %slice3A_1508 : vector<8x1xf32> to vector<8x4096xf32>
      %sub3A_1511 = arith.subf %sub3A_1510, %slice3A_1509 : vector<8x4096xf32>
      %lt3A_1512 = arith.cmpf olt, %sub3A_1511, %min3A_1507 : vector<8x4096xf32>
      %add3A_1513 = arith.constant 1.440000e+02 : f32
      %add3A_1514 = arith.addf %mul3A_71, %add3A_1513 : f32
      %broadcast_in_dim3A_1515 = vector.broadcast %add3A_1514 : f32 to vector<8x4096xf32>
      %select_n3A_1516 = arith.select %lt3A_1512, %broadcast_in_dim3A_1515, %select_n3A_1506 : vector<8x4096xi1>, vector<8x4096xf32>
      %min3A_1517 = arith.minimumf %sub3A_1511, %min3A_1507 : vector<8x4096xf32>
      %slice3A_1518 = vector.extract_strided_slice %get3A_68 {offsets = [1160, 0], sizes = [8, 1], strides = [1, 1]} : vector<2048x1xf32> to vector<8x1xf32>
      %slice3A_1519 = vector.extract_strided_slice %dot_general3A_63 {offsets = [1160, 0], sizes = [8, 4096], strides = [1, 1]} : vector<2048x4096xf32> to vector<8x4096xf32>
      %sub3A_1520 = vector.broadcast %slice3A_1518 : vector<8x1xf32> to vector<8x4096xf32>
      %sub3A_1521 = arith.subf %sub3A_1520, %slice3A_1519 : vector<8x4096xf32>
      %lt3A_1522 = arith.cmpf olt, %sub3A_1521, %min3A_1517 : vector<8x4096xf32>
      %add3A_1523 = arith.constant 1.450000e+02 : f32
      %add3A_1524 = arith.addf %mul3A_71, %add3A_1523 : f32
      %broadcast_in_dim3A_1525 = vector.broadcast %add3A_1524 : f32 to vector<8x4096xf32>
      %select_n3A_1526 = arith.select %lt3A_1522, %broadcast_in_dim3A_1525, %select_n3A_1516 : vector<8x4096xi1>, vector<8x4096xf32>
      %min3A_1527 = arith.minimumf %sub3A_1521, %min3A_1517 : vector<8x4096xf32>
      %slice3A_1528 = vector.extract_strided_slice %get3A_68 {offsets = [1168, 0], sizes = [8, 1], strides = [1, 1]} : vector<2048x1xf32> to vector<8x1xf32>
      %slice3A_1529 = vector.extract_strided_slice %dot_general3A_63 {offsets = [1168, 0], sizes = [8, 4096], strides = [1, 1]} : vector<2048x4096xf32> to vector<8x4096xf32>
      %sub3A_1530 = vector.broadcast %slice3A_1528 : vector<8x1xf32> to vector<8x4096xf32>
      %sub3A_1531 = arith.subf %sub3A_1530, %slice3A_1529 : vector<8x4096xf32>
      %lt3A_1532 = arith.cmpf olt, %sub3A_1531, %min3A_1527 : vector<8x4096xf32>
      %add3A_1533 = arith.constant 1.460000e+02 : f32
      %add3A_1534 = arith.addf %mul3A_71, %add3A_1533 : f32
      %broadcast_in_dim3A_1535 = vector.broadcast %add3A_1534 : f32 to vector<8x4096xf32>
      %select_n3A_1536 = arith.select %lt3A_1532, %broadcast_in_dim3A_1535, %select_n3A_1526 : vector<8x4096xi1>, vector<8x4096xf32>
      %min3A_1537 = arith.minimumf %sub3A_1531, %min3A_1527 : vector<8x4096xf32>
      %slice3A_1538 = vector.extract_strided_slice %get3A_68 {offsets = [1176, 0], sizes = [8, 1], strides = [1, 1]} : vector<2048x1xf32> to vector<8x1xf32>
      %slice3A_1539 = vector.extract_strided_slice %dot_general3A_63 {offsets = [1176, 0], sizes = [8, 4096], strides = [1, 1]} : vector<2048x4096xf32> to vector<8x4096xf32>
      %sub3A_1540 = vector.broadcast %slice3A_1538 : vector<8x1xf32> to vector<8x4096xf32>
      %sub3A_1541 = arith.subf %sub3A_1540, %slice3A_1539 : vector<8x4096xf32>
      %lt3A_1542 = arith.cmpf olt, %sub3A_1541, %min3A_1537 : vector<8x4096xf32>
      %add3A_1543 = arith.constant 1.470000e+02 : f32
      %add3A_1544 = arith.addf %mul3A_71, %add3A_1543 : f32
      %broadcast_in_dim3A_1545 = vector.broadcast %add3A_1544 : f32 to vector<8x4096xf32>
      %select_n3A_1546 = arith.select %lt3A_1542, %broadcast_in_dim3A_1545, %select_n3A_1536 : vector<8x4096xi1>, vector<8x4096xf32>
      %min3A_1547 = arith.minimumf %sub3A_1541, %min3A_1537 : vector<8x4096xf32>
      %slice3A_1548 = vector.extract_strided_slice %get3A_68 {offsets = [1184, 0], sizes = [8, 1], strides = [1, 1]} : vector<2048x1xf32> to vector<8x1xf32>
      %slice3A_1549 = vector.extract_strided_slice %dot_general3A_63 {offsets = [1184, 0], sizes = [8, 4096], strides = [1, 1]} : vector<2048x4096xf32> to vector<8x4096xf32>
      %sub3A_1550 = vector.broadcast %slice3A_1548 : vector<8x1xf32> to vector<8x4096xf32>
      %sub3A_1551 = arith.subf %sub3A_1550, %slice3A_1549 : vector<8x4096xf32>
      %lt3A_1552 = arith.cmpf olt, %sub3A_1551, %min3A_1547 : vector<8x4096xf32>
      %add3A_1553 = arith.constant 1.480000e+02 : f32
      %add3A_1554 = arith.addf %mul3A_71, %add3A_1553 : f32
      %broadcast_in_dim3A_1555 = vector.broadcast %add3A_1554 : f32 to vector<8x4096xf32>
      %select_n3A_1556 = arith.select %lt3A_1552, %broadcast_in_dim3A_1555, %select_n3A_1546 : vector<8x4096xi1>, vector<8x4096xf32>
      %min3A_1557 = arith.minimumf %sub3A_1551, %min3A_1547 : vector<8x4096xf32>
      %slice3A_1558 = vector.extract_strided_slice %get3A_68 {offsets = [1192, 0], sizes = [8, 1], strides = [1, 1]} : vector<2048x1xf32> to vector<8x1xf32>
      %slice3A_1559 = vector.extract_strided_slice %dot_general3A_63 {offsets = [1192, 0], sizes = [8, 4096], strides = [1, 1]} : vector<2048x4096xf32> to vector<8x4096xf32>
      %sub3A_1560 = vector.broadcast %slice3A_1558 : vector<8x1xf32> to vector<8x4096xf32>
      %sub3A_1561 = arith.subf %sub3A_1560, %slice3A_1559 : vector<8x4096xf32>
      %lt3A_1562 = arith.cmpf olt, %sub3A_1561, %min3A_1557 : vector<8x4096xf32>
      %add3A_1563 = arith.constant 1.490000e+02 : f32
      %add3A_1564 = arith.addf %mul3A_71, %add3A_1563 : f32
      %broadcast_in_dim3A_1565 = vector.broadcast %add3A_1564 : f32 to vector<8x4096xf32>
      %select_n3A_1566 = arith.select %lt3A_1562, %broadcast_in_dim3A_1565, %select_n3A_1556 : vector<8x4096xi1>, vector<8x4096xf32>
      %min3A_1567 = arith.minimumf %sub3A_1561, %min3A_1557 : vector<8x4096xf32>
      %slice3A_1568 = vector.extract_strided_slice %get3A_68 {offsets = [1200, 0], sizes = [8, 1], strides = [1, 1]} : vector<2048x1xf32> to vector<8x1xf32>
      %slice3A_1569 = vector.extract_strided_slice %dot_general3A_63 {offsets = [1200, 0], sizes = [8, 4096], strides = [1, 1]} : vector<2048x4096xf32> to vector<8x4096xf32>
      %sub3A_1570 = vector.broadcast %slice3A_1568 : vector<8x1xf32> to vector<8x4096xf32>
      %sub3A_1571 = arith.subf %sub3A_1570, %slice3A_1569 : vector<8x4096xf32>
      %lt3A_1572 = arith.cmpf olt, %sub3A_1571, %min3A_1567 : vector<8x4096xf32>
      %add3A_1573 = arith.constant 1.500000e+02 : f32
      %add3A_1574 = arith.addf %mul3A_71, %add3A_1573 : f32
      %broadcast_in_dim3A_1575 = vector.broadcast %add3A_1574 : f32 to vector<8x4096xf32>
      %select_n3A_1576 = arith.select %lt3A_1572, %broadcast_in_dim3A_1575, %select_n3A_1566 : vector<8x4096xi1>, vector<8x4096xf32>
      %min3A_1577 = arith.minimumf %sub3A_1571, %min3A_1567 : vector<8x4096xf32>
      %slice3A_1578 = vector.extract_strided_slice %get3A_68 {offsets = [1208, 0], sizes = [8, 1], strides = [1, 1]} : vector<2048x1xf32> to vector<8x1xf32>
      %slice3A_1579 = vector.extract_strided_slice %dot_general3A_63 {offsets = [1208, 0], sizes = [8, 4096], strides = [1, 1]} : vector<2048x4096xf32> to vector<8x4096xf32>
      %sub3A_1580 = vector.broadcast %slice3A_1578 : vector<8x1xf32> to vector<8x4096xf32>
      %sub3A_1581 = arith.subf %sub3A_1580, %slice3A_1579 : vector<8x4096xf32>
      %lt3A_1582 = arith.cmpf olt, %sub3A_1581, %min3A_1577 : vector<8x4096xf32>
      %add3A_1583 = arith.constant 1.510000e+02 : f32
      %add3A_1584 = arith.addf %mul3A_71, %add3A_1583 : f32
      %broadcast_in_dim3A_1585 = vector.broadcast %add3A_1584 : f32 to vector<8x4096xf32>
      %select_n3A_1586 = arith.select %lt3A_1582, %broadcast_in_dim3A_1585, %select_n3A_1576 : vector<8x4096xi1>, vector<8x4096xf32>
      %min3A_1587 = arith.minimumf %sub3A_1581, %min3A_1577 : vector<8x4096xf32>
      %slice3A_1588 = vector.extract_strided_slice %get3A_68 {offsets = [1216, 0], sizes = [8, 1], strides = [1, 1]} : vector<2048x1xf32> to vector<8x1xf32>
      %slice3A_1589 = vector.extract_strided_slice %dot_general3A_63 {offsets = [1216, 0], sizes = [8, 4096], strides = [1, 1]} : vector<2048x4096xf32> to vector<8x4096xf32>
      %sub3A_1590 = vector.broadcast %slice3A_1588 : vector<8x1xf32> to vector<8x4096xf32>
      %sub3A_1591 = arith.subf %sub3A_1590, %slice3A_1589 : vector<8x4096xf32>
      %lt3A_1592 = arith.cmpf olt, %sub3A_1591, %min3A_1587 : vector<8x4096xf32>
      %add3A_1593 = arith.constant 1.520000e+02 : f32
      %add3A_1594 = arith.addf %mul3A_71, %add3A_1593 : f32
      %broadcast_in_dim3A_1595 = vector.broadcast %add3A_1594 : f32 to vector<8x4096xf32>
      %select_n3A_1596 = arith.select %lt3A_1592, %broadcast_in_dim3A_1595, %select_n3A_1586 : vector<8x4096xi1>, vector<8x4096xf32>
      %min3A_1597 = arith.minimumf %sub3A_1591, %min3A_1587 : vector<8x4096xf32>
      %slice3A_1598 = vector.extract_strided_slice %get3A_68 {offsets = [1224, 0], sizes = [8, 1], strides = [1, 1]} : vector<2048x1xf32> to vector<8x1xf32>
      %slice3A_1599 = vector.extract_strided_slice %dot_general3A_63 {offsets = [1224, 0], sizes = [8, 4096], strides = [1, 1]} : vector<2048x4096xf32> to vector<8x4096xf32>
      %sub3A_1600 = vector.broadcast %slice3A_1598 : vector<8x1xf32> to vector<8x4096xf32>
      %sub3A_1601 = arith.subf %sub3A_1600, %slice3A_1599 : vector<8x4096xf32>
      %lt3A_1602 = arith.cmpf olt, %sub3A_1601, %min3A_1597 : vector<8x4096xf32>
      %add3A_1603 = arith.constant 1.530000e+02 : f32
      %add3A_1604 = arith.addf %mul3A_71, %add3A_1603 : f32
      %broadcast_in_dim3A_1605 = vector.broadcast %add3A_1604 : f32 to vector<8x4096xf32>
      %select_n3A_1606 = arith.select %lt3A_1602, %broadcast_in_dim3A_1605, %select_n3A_1596 : vector<8x4096xi1>, vector<8x4096xf32>
      %min3A_1607 = arith.minimumf %sub3A_1601, %min3A_1597 : vector<8x4096xf32>
      %slice3A_1608 = vector.extract_strided_slice %get3A_68 {offsets = [1232, 0], sizes = [8, 1], strides = [1, 1]} : vector<2048x1xf32> to vector<8x1xf32>
      %slice3A_1609 = vector.extract_strided_slice %dot_general3A_63 {offsets = [1232, 0], sizes = [8, 4096], strides = [1, 1]} : vector<2048x4096xf32> to vector<8x4096xf32>
      %sub3A_1610 = vector.broadcast %slice3A_1608 : vector<8x1xf32> to vector<8x4096xf32>
      %sub3A_1611 = arith.subf %sub3A_1610, %slice3A_1609 : vector<8x4096xf32>
      %lt3A_1612 = arith.cmpf olt, %sub3A_1611, %min3A_1607 : vector<8x4096xf32>
      %add3A_1613 = arith.constant 1.540000e+02 : f32
      %add3A_1614 = arith.addf %mul3A_71, %add3A_1613 : f32
      %broadcast_in_dim3A_1615 = vector.broadcast %add3A_1614 : f32 to vector<8x4096xf32>
      %select_n3A_1616 = arith.select %lt3A_1612, %broadcast_in_dim3A_1615, %select_n3A_1606 : vector<8x4096xi1>, vector<8x4096xf32>
      %min3A_1617 = arith.minimumf %sub3A_1611, %min3A_1607 : vector<8x4096xf32>
      %slice3A_1618 = vector.extract_strided_slice %get3A_68 {offsets = [1240, 0], sizes = [8, 1], strides = [1, 1]} : vector<2048x1xf32> to vector<8x1xf32>
      %slice3A_1619 = vector.extract_strided_slice %dot_general3A_63 {offsets = [1240, 0], sizes = [8, 4096], strides = [1, 1]} : vector<2048x4096xf32> to vector<8x4096xf32>
      %sub3A_1620 = vector.broadcast %slice3A_1618 : vector<8x1xf32> to vector<8x4096xf32>
      %sub3A_1621 = arith.subf %sub3A_1620, %slice3A_1619 : vector<8x4096xf32>
      %lt3A_1622 = arith.cmpf olt, %sub3A_1621, %min3A_1617 : vector<8x4096xf32>
      %add3A_1623 = arith.constant 1.550000e+02 : f32
      %add3A_1624 = arith.addf %mul3A_71, %add3A_1623 : f32
      %broadcast_in_dim3A_1625 = vector.broadcast %add3A_1624 : f32 to vector<8x4096xf32>
      %select_n3A_1626 = arith.select %lt3A_1622, %broadcast_in_dim3A_1625, %select_n3A_1616 : vector<8x4096xi1>, vector<8x4096xf32>
      %min3A_1627 = arith.minimumf %sub3A_1621, %min3A_1617 : vector<8x4096xf32>
      %slice3A_1628 = vector.extract_strided_slice %get3A_68 {offsets = [1248, 0], sizes = [8, 1], strides = [1, 1]} : vector<2048x1xf32> to vector<8x1xf32>
      %slice3A_1629 = vector.extract_strided_slice %dot_general3A_63 {offsets = [1248, 0], sizes = [8, 4096], strides = [1, 1]} : vector<2048x4096xf32> to vector<8x4096xf32>
      %sub3A_1630 = vector.broadcast %slice3A_1628 : vector<8x1xf32> to vector<8x4096xf32>
      %sub3A_1631 = arith.subf %sub3A_1630, %slice3A_1629 : vector<8x4096xf32>
      %lt3A_1632 = arith.cmpf olt, %sub3A_1631, %min3A_1627 : vector<8x4096xf32>
      %add3A_1633 = arith.constant 1.560000e+02 : f32
      %add3A_1634 = arith.addf %mul3A_71, %add3A_1633 : f32
      %broadcast_in_dim3A_1635 = vector.broadcast %add3A_1634 : f32 to vector<8x4096xf32>
      %select_n3A_1636 = arith.select %lt3A_1632, %broadcast_in_dim3A_1635, %select_n3A_1626 : vector<8x4096xi1>, vector<8x4096xf32>
      %min3A_1637 = arith.minimumf %sub3A_1631, %min3A_1627 : vector<8x4096xf32>
      %slice3A_1638 = vector.extract_strided_slice %get3A_68 {offsets = [1256, 0], sizes = [8, 1], strides = [1, 1]} : vector<2048x1xf32> to vector<8x1xf32>
      %slice3A_1639 = vector.extract_strided_slice %dot_general3A_63 {offsets = [1256, 0], sizes = [8, 4096], strides = [1, 1]} : vector<2048x4096xf32> to vector<8x4096xf32>
      %sub3A_1640 = vector.broadcast %slice3A_1638 : vector<8x1xf32> to vector<8x4096xf32>
      %sub3A_1641 = arith.subf %sub3A_1640, %slice3A_1639 : vector<8x4096xf32>
      %lt3A_1642 = arith.cmpf olt, %sub3A_1641, %min3A_1637 : vector<8x4096xf32>
      %add3A_1643 = arith.constant 1.570000e+02 : f32
      %add3A_1644 = arith.addf %mul3A_71, %add3A_1643 : f32
      %broadcast_in_dim3A_1645 = vector.broadcast %add3A_1644 : f32 to vector<8x4096xf32>
      %select_n3A_1646 = arith.select %lt3A_1642, %broadcast_in_dim3A_1645, %select_n3A_1636 : vector<8x4096xi1>, vector<8x4096xf32>
      %min3A_1647 = arith.minimumf %sub3A_1641, %min3A_1637 : vector<8x4096xf32>
      %slice3A_1648 = vector.extract_strided_slice %get3A_68 {offsets = [1264, 0], sizes = [8, 1], strides = [1, 1]} : vector<2048x1xf32> to vector<8x1xf32>
      %slice3A_1649 = vector.extract_strided_slice %dot_general3A_63 {offsets = [1264, 0], sizes = [8, 4096], strides = [1, 1]} : vector<2048x4096xf32> to vector<8x4096xf32>
      %sub3A_1650 = vector.broadcast %slice3A_1648 : vector<8x1xf32> to vector<8x4096xf32>
      %sub3A_1651 = arith.subf %sub3A_1650, %slice3A_1649 : vector<8x4096xf32>
      %lt3A_1652 = arith.cmpf olt, %sub3A_1651, %min3A_1647 : vector<8x4096xf32>
      %add3A_1653 = arith.constant 1.580000e+02 : f32
      %add3A_1654 = arith.addf %mul3A_71, %add3A_1653 : f32
      %broadcast_in_dim3A_1655 = vector.broadcast %add3A_1654 : f32 to vector<8x4096xf32>
      %select_n3A_1656 = arith.select %lt3A_1652, %broadcast_in_dim3A_1655, %select_n3A_1646 : vector<8x4096xi1>, vector<8x4096xf32>
      %min3A_1657 = arith.minimumf %sub3A_1651, %min3A_1647 : vector<8x4096xf32>
      %slice3A_1658 = vector.extract_strided_slice %get3A_68 {offsets = [1272, 0], sizes = [8, 1], strides = [1, 1]} : vector<2048x1xf32> to vector<8x1xf32>
      %slice3A_1659 = vector.extract_strided_slice %dot_general3A_63 {offsets = [1272, 0], sizes = [8, 4096], strides = [1, 1]} : vector<2048x4096xf32> to vector<8x4096xf32>
      %sub3A_1660 = vector.broadcast %slice3A_1658 : vector<8x1xf32> to vector<8x4096xf32>
      %sub3A_1661 = arith.subf %sub3A_1660, %slice3A_1659 : vector<8x4096xf32>
      %lt3A_1662 = arith.cmpf olt, %sub3A_1661, %min3A_1657 : vector<8x4096xf32>
      %add3A_1663 = arith.constant 1.590000e+02 : f32
      %add3A_1664 = arith.addf %mul3A_71, %add3A_1663 : f32
      %broadcast_in_dim3A_1665 = vector.broadcast %add3A_1664 : f32 to vector<8x4096xf32>
      %select_n3A_1666 = arith.select %lt3A_1662, %broadcast_in_dim3A_1665, %select_n3A_1656 : vector<8x4096xi1>, vector<8x4096xf32>
      %min3A_1667 = arith.minimumf %sub3A_1661, %min3A_1657 : vector<8x4096xf32>
      %slice3A_1668 = vector.extract_strided_slice %get3A_68 {offsets = [1280, 0], sizes = [8, 1], strides = [1, 1]} : vector<2048x1xf32> to vector<8x1xf32>
      %slice3A_1669 = vector.extract_strided_slice %dot_general3A_63 {offsets = [1280, 0], sizes = [8, 4096], strides = [1, 1]} : vector<2048x4096xf32> to vector<8x4096xf32>
      %sub3A_1670 = vector.broadcast %slice3A_1668 : vector<8x1xf32> to vector<8x4096xf32>
      %sub3A_1671 = arith.subf %sub3A_1670, %slice3A_1669 : vector<8x4096xf32>
      %lt3A_1672 = arith.cmpf olt, %sub3A_1671, %min3A_1667 : vector<8x4096xf32>
      %add3A_1673 = arith.constant 1.600000e+02 : f32
      %add3A_1674 = arith.addf %mul3A_71, %add3A_1673 : f32
      %broadcast_in_dim3A_1675 = vector.broadcast %add3A_1674 : f32 to vector<8x4096xf32>
      %select_n3A_1676 = arith.select %lt3A_1672, %broadcast_in_dim3A_1675, %select_n3A_1666 : vector<8x4096xi1>, vector<8x4096xf32>
      %min3A_1677 = arith.minimumf %sub3A_1671, %min3A_1667 : vector<8x4096xf32>
      %slice3A_1678 = vector.extract_strided_slice %get3A_68 {offsets = [1288, 0], sizes = [8, 1], strides = [1, 1]} : vector<2048x1xf32> to vector<8x1xf32>
      %slice3A_1679 = vector.extract_strided_slice %dot_general3A_63 {offsets = [1288, 0], sizes = [8, 4096], strides = [1, 1]} : vector<2048x4096xf32> to vector<8x4096xf32>
      %sub3A_1680 = vector.broadcast %slice3A_1678 : vector<8x1xf32> to vector<8x4096xf32>
      %sub3A_1681 = arith.subf %sub3A_1680, %slice3A_1679 : vector<8x4096xf32>
      %lt3A_1682 = arith.cmpf olt, %sub3A_1681, %min3A_1677 : vector<8x4096xf32>
      %add3A_1683 = arith.constant 1.610000e+02 : f32
      %add3A_1684 = arith.addf %mul3A_71, %add3A_1683 : f32
      %broadcast_in_dim3A_1685 = vector.broadcast %add3A_1684 : f32 to vector<8x4096xf32>
      %select_n3A_1686 = arith.select %lt3A_1682, %broadcast_in_dim3A_1685, %select_n3A_1676 : vector<8x4096xi1>, vector<8x4096xf32>
      %min3A_1687 = arith.minimumf %sub3A_1681, %min3A_1677 : vector<8x4096xf32>
      %slice3A_1688 = vector.extract_strided_slice %get3A_68 {offsets = [1296, 0], sizes = [8, 1], strides = [1, 1]} : vector<2048x1xf32> to vector<8x1xf32>
      %slice3A_1689 = vector.extract_strided_slice %dot_general3A_63 {offsets = [1296, 0], sizes = [8, 4096], strides = [1, 1]} : vector<2048x4096xf32> to vector<8x4096xf32>
      %sub3A_1690 = vector.broadcast %slice3A_1688 : vector<8x1xf32> to vector<8x4096xf32>
      %sub3A_1691 = arith.subf %sub3A_1690, %slice3A_1689 : vector<8x4096xf32>
      %lt3A_1692 = arith.cmpf olt, %sub3A_1691, %min3A_1687 : vector<8x4096xf32>
      %add3A_1693 = arith.constant 1.620000e+02 : f32
      %add3A_1694 = arith.addf %mul3A_71, %add3A_1693 : f32
      %broadcast_in_dim3A_1695 = vector.broadcast %add3A_1694 : f32 to vector<8x4096xf32>
      %select_n3A_1696 = arith.select %lt3A_1692, %broadcast_in_dim3A_1695, %select_n3A_1686 : vector<8x4096xi1>, vector<8x4096xf32>
      %min3A_1697 = arith.minimumf %sub3A_1691, %min3A_1687 : vector<8x4096xf32>
      %slice3A_1698 = vector.extract_strided_slice %get3A_68 {offsets = [1304, 0], sizes = [8, 1], strides = [1, 1]} : vector<2048x1xf32> to vector<8x1xf32>
      %slice3A_1699 = vector.extract_strided_slice %dot_general3A_63 {offsets = [1304, 0], sizes = [8, 4096], strides = [1, 1]} : vector<2048x4096xf32> to vector<8x4096xf32>
      %sub3A_1700 = vector.broadcast %slice3A_1698 : vector<8x1xf32> to vector<8x4096xf32>
      %sub3A_1701 = arith.subf %sub3A_1700, %slice3A_1699 : vector<8x4096xf32>
      %lt3A_1702 = arith.cmpf olt, %sub3A_1701, %min3A_1697 : vector<8x4096xf32>
      %add3A_1703 = arith.constant 1.630000e+02 : f32
      %add3A_1704 = arith.addf %mul3A_71, %add3A_1703 : f32
      %broadcast_in_dim3A_1705 = vector.broadcast %add3A_1704 : f32 to vector<8x4096xf32>
      %select_n3A_1706 = arith.select %lt3A_1702, %broadcast_in_dim3A_1705, %select_n3A_1696 : vector<8x4096xi1>, vector<8x4096xf32>
      %min3A_1707 = arith.minimumf %sub3A_1701, %min3A_1697 : vector<8x4096xf32>
      %slice3A_1708 = vector.extract_strided_slice %get3A_68 {offsets = [1312, 0], sizes = [8, 1], strides = [1, 1]} : vector<2048x1xf32> to vector<8x1xf32>
      %slice3A_1709 = vector.extract_strided_slice %dot_general3A_63 {offsets = [1312, 0], sizes = [8, 4096], strides = [1, 1]} : vector<2048x4096xf32> to vector<8x4096xf32>
      %sub3A_1710 = vector.broadcast %slice3A_1708 : vector<8x1xf32> to vector<8x4096xf32>
      %sub3A_1711 = arith.subf %sub3A_1710, %slice3A_1709 : vector<8x4096xf32>
      %lt3A_1712 = arith.cmpf olt, %sub3A_1711, %min3A_1707 : vector<8x4096xf32>
      %add3A_1713 = arith.constant 1.640000e+02 : f32
      %add3A_1714 = arith.addf %mul3A_71, %add3A_1713 : f32
      %broadcast_in_dim3A_1715 = vector.broadcast %add3A_1714 : f32 to vector<8x4096xf32>
      %select_n3A_1716 = arith.select %lt3A_1712, %broadcast_in_dim3A_1715, %select_n3A_1706 : vector<8x4096xi1>, vector<8x4096xf32>
      %min3A_1717 = arith.minimumf %sub3A_1711, %min3A_1707 : vector<8x4096xf32>
      %slice3A_1718 = vector.extract_strided_slice %get3A_68 {offsets = [1320, 0], sizes = [8, 1], strides = [1, 1]} : vector<2048x1xf32> to vector<8x1xf32>
      %slice3A_1719 = vector.extract_strided_slice %dot_general3A_63 {offsets = [1320, 0], sizes = [8, 4096], strides = [1, 1]} : vector<2048x4096xf32> to vector<8x4096xf32>
      %sub3A_1720 = vector.broadcast %slice3A_1718 : vector<8x1xf32> to vector<8x4096xf32>
      %sub3A_1721 = arith.subf %sub3A_1720, %slice3A_1719 : vector<8x4096xf32>
      %lt3A_1722 = arith.cmpf olt, %sub3A_1721, %min3A_1717 : vector<8x4096xf32>
      %add3A_1723 = arith.constant 1.650000e+02 : f32
      %add3A_1724 = arith.addf %mul3A_71, %add3A_1723 : f32
      %broadcast_in_dim3A_1725 = vector.broadcast %add3A_1724 : f32 to vector<8x4096xf32>
      %select_n3A_1726 = arith.select %lt3A_1722, %broadcast_in_dim3A_1725, %select_n3A_1716 : vector<8x4096xi1>, vector<8x4096xf32>
      %min3A_1727 = arith.minimumf %sub3A_1721, %min3A_1717 : vector<8x4096xf32>
      %slice3A_1728 = vector.extract_strided_slice %get3A_68 {offsets = [1328, 0], sizes = [8, 1], strides = [1, 1]} : vector<2048x1xf32> to vector<8x1xf32>
      %slice3A_1729 = vector.extract_strided_slice %dot_general3A_63 {offsets = [1328, 0], sizes = [8, 4096], strides = [1, 1]} : vector<2048x4096xf32> to vector<8x4096xf32>
      %sub3A_1730 = vector.broadcast %slice3A_1728 : vector<8x1xf32> to vector<8x4096xf32>
      %sub3A_1731 = arith.subf %sub3A_1730, %slice3A_1729 : vector<8x4096xf32>
      %lt3A_1732 = arith.cmpf olt, %sub3A_1731, %min3A_1727 : vector<8x4096xf32>
      %add3A_1733 = arith.constant 1.660000e+02 : f32
      %add3A_1734 = arith.addf %mul3A_71, %add3A_1733 : f32
      %broadcast_in_dim3A_1735 = vector.broadcast %add3A_1734 : f32 to vector<8x4096xf32>
      %select_n3A_1736 = arith.select %lt3A_1732, %broadcast_in_dim3A_1735, %select_n3A_1726 : vector<8x4096xi1>, vector<8x4096xf32>
      %min3A_1737 = arith.minimumf %sub3A_1731, %min3A_1727 : vector<8x4096xf32>
      %slice3A_1738 = vector.extract_strided_slice %get3A_68 {offsets = [1336, 0], sizes = [8, 1], strides = [1, 1]} : vector<2048x1xf32> to vector<8x1xf32>
      %slice3A_1739 = vector.extract_strided_slice %dot_general3A_63 {offsets = [1336, 0], sizes = [8, 4096], strides = [1, 1]} : vector<2048x4096xf32> to vector<8x4096xf32>
      %sub3A_1740 = vector.broadcast %slice3A_1738 : vector<8x1xf32> to vector<8x4096xf32>
      %sub3A_1741 = arith.subf %sub3A_1740, %slice3A_1739 : vector<8x4096xf32>
      %lt3A_1742 = arith.cmpf olt, %sub3A_1741, %min3A_1737 : vector<8x4096xf32>
      %add3A_1743 = arith.constant 1.670000e+02 : f32
      %add3A_1744 = arith.addf %mul3A_71, %add3A_1743 : f32
      %broadcast_in_dim3A_1745 = vector.broadcast %add3A_1744 : f32 to vector<8x4096xf32>
      %select_n3A_1746 = arith.select %lt3A_1742, %broadcast_in_dim3A_1745, %select_n3A_1736 : vector<8x4096xi1>, vector<8x4096xf32>
      %min3A_1747 = arith.minimumf %sub3A_1741, %min3A_1737 : vector<8x4096xf32>
      %slice3A_1748 = vector.extract_strided_slice %get3A_68 {offsets = [1344, 0], sizes = [8, 1], strides = [1, 1]} : vector<2048x1xf32> to vector<8x1xf32>
      %slice3A_1749 = vector.extract_strided_slice %dot_general3A_63 {offsets = [1344, 0], sizes = [8, 4096], strides = [1, 1]} : vector<2048x4096xf32> to vector<8x4096xf32>
      %sub3A_1750 = vector.broadcast %slice3A_1748 : vector<8x1xf32> to vector<8x4096xf32>
      %sub3A_1751 = arith.subf %sub3A_1750, %slice3A_1749 : vector<8x4096xf32>
      %lt3A_1752 = arith.cmpf olt, %sub3A_1751, %min3A_1747 : vector<8x4096xf32>
      %add3A_1753 = arith.constant 1.680000e+02 : f32
      %add3A_1754 = arith.addf %mul3A_71, %add3A_1753 : f32
      %broadcast_in_dim3A_1755 = vector.broadcast %add3A_1754 : f32 to vector<8x4096xf32>
      %select_n3A_1756 = arith.select %lt3A_1752, %broadcast_in_dim3A_1755, %select_n3A_1746 : vector<8x4096xi1>, vector<8x4096xf32>
      %min3A_1757 = arith.minimumf %sub3A_1751, %min3A_1747 : vector<8x4096xf32>
      %slice3A_1758 = vector.extract_strided_slice %get3A_68 {offsets = [1352, 0], sizes = [8, 1], strides = [1, 1]} : vector<2048x1xf32> to vector<8x1xf32>
      %slice3A_1759 = vector.extract_strided_slice %dot_general3A_63 {offsets = [1352, 0], sizes = [8, 4096], strides = [1, 1]} : vector<2048x4096xf32> to vector<8x4096xf32>
      %sub3A_1760 = vector.broadcast %slice3A_1758 : vector<8x1xf32> to vector<8x4096xf32>
      %sub3A_1761 = arith.subf %sub3A_1760, %slice3A_1759 : vector<8x4096xf32>
      %lt3A_1762 = arith.cmpf olt, %sub3A_1761, %min3A_1757 : vector<8x4096xf32>
      %add3A_1763 = arith.constant 1.690000e+02 : f32
      %add3A_1764 = arith.addf %mul3A_71, %add3A_1763 : f32
      %broadcast_in_dim3A_1765 = vector.broadcast %add3A_1764 : f32 to vector<8x4096xf32>
      %select_n3A_1766 = arith.select %lt3A_1762, %broadcast_in_dim3A_1765, %select_n3A_1756 : vector<8x4096xi1>, vector<8x4096xf32>
      %min3A_1767 = arith.minimumf %sub3A_1761, %min3A_1757 : vector<8x4096xf32>
      %slice3A_1768 = vector.extract_strided_slice %get3A_68 {offsets = [1360, 0], sizes = [8, 1], strides = [1, 1]} : vector<2048x1xf32> to vector<8x1xf32>
      %slice3A_1769 = vector.extract_strided_slice %dot_general3A_63 {offsets = [1360, 0], sizes = [8, 4096], strides = [1, 1]} : vector<2048x4096xf32> to vector<8x4096xf32>
      %sub3A_1770 = vector.broadcast %slice3A_1768 : vector<8x1xf32> to vector<8x4096xf32>
      %sub3A_1771 = arith.subf %sub3A_1770, %slice3A_1769 : vector<8x4096xf32>
      %lt3A_1772 = arith.cmpf olt, %sub3A_1771, %min3A_1767 : vector<8x4096xf32>
      %add3A_1773 = arith.constant 1.700000e+02 : f32
      %add3A_1774 = arith.addf %mul3A_71, %add3A_1773 : f32
      %broadcast_in_dim3A_1775 = vector.broadcast %add3A_1774 : f32 to vector<8x4096xf32>
      %select_n3A_1776 = arith.select %lt3A_1772, %broadcast_in_dim3A_1775, %select_n3A_1766 : vector<8x4096xi1>, vector<8x4096xf32>
      %min3A_1777 = arith.minimumf %sub3A_1771, %min3A_1767 : vector<8x4096xf32>
      %slice3A_1778 = vector.extract_strided_slice %get3A_68 {offsets = [1368, 0], sizes = [8, 1], strides = [1, 1]} : vector<2048x1xf32> to vector<8x1xf32>
      %slice3A_1779 = vector.extract_strided_slice %dot_general3A_63 {offsets = [1368, 0], sizes = [8, 4096], strides = [1, 1]} : vector<2048x4096xf32> to vector<8x4096xf32>
      %sub3A_1780 = vector.broadcast %slice3A_1778 : vector<8x1xf32> to vector<8x4096xf32>
      %sub3A_1781 = arith.subf %sub3A_1780, %slice3A_1779 : vector<8x4096xf32>
      %lt3A_1782 = arith.cmpf olt, %sub3A_1781, %min3A_1777 : vector<8x4096xf32>
      %add3A_1783 = arith.constant 1.710000e+02 : f32
      %add3A_1784 = arith.addf %mul3A_71, %add3A_1783 : f32
      %broadcast_in_dim3A_1785 = vector.broadcast %add3A_1784 : f32 to vector<8x4096xf32>
      %select_n3A_1786 = arith.select %lt3A_1782, %broadcast_in_dim3A_1785, %select_n3A_1776 : vector<8x4096xi1>, vector<8x4096xf32>
      %min3A_1787 = arith.minimumf %sub3A_1781, %min3A_1777 : vector<8x4096xf32>
      %slice3A_1788 = vector.extract_strided_slice %get3A_68 {offsets = [1376, 0], sizes = [8, 1], strides = [1, 1]} : vector<2048x1xf32> to vector<8x1xf32>
      %slice3A_1789 = vector.extract_strided_slice %dot_general3A_63 {offsets = [1376, 0], sizes = [8, 4096], strides = [1, 1]} : vector<2048x4096xf32> to vector<8x4096xf32>
      %sub3A_1790 = vector.broadcast %slice3A_1788 : vector<8x1xf32> to vector<8x4096xf32>
      %sub3A_1791 = arith.subf %sub3A_1790, %slice3A_1789 : vector<8x4096xf32>
      %lt3A_1792 = arith.cmpf olt, %sub3A_1791, %min3A_1787 : vector<8x4096xf32>
      %add3A_1793 = arith.constant 1.720000e+02 : f32
      %add3A_1794 = arith.addf %mul3A_71, %add3A_1793 : f32
      %broadcast_in_dim3A_1795 = vector.broadcast %add3A_1794 : f32 to vector<8x4096xf32>
      %select_n3A_1796 = arith.select %lt3A_1792, %broadcast_in_dim3A_1795, %select_n3A_1786 : vector<8x4096xi1>, vector<8x4096xf32>
      %min3A_1797 = arith.minimumf %sub3A_1791, %min3A_1787 : vector<8x4096xf32>
      %slice3A_1798 = vector.extract_strided_slice %get3A_68 {offsets = [1384, 0], sizes = [8, 1], strides = [1, 1]} : vector<2048x1xf32> to vector<8x1xf32>
      %slice3A_1799 = vector.extract_strided_slice %dot_general3A_63 {offsets = [1384, 0], sizes = [8, 4096], strides = [1, 1]} : vector<2048x4096xf32> to vector<8x4096xf32>
      %sub3A_1800 = vector.broadcast %slice3A_1798 : vector<8x1xf32> to vector<8x4096xf32>
      %sub3A_1801 = arith.subf %sub3A_1800, %slice3A_1799 : vector<8x4096xf32>
      %lt3A_1802 = arith.cmpf olt, %sub3A_1801, %min3A_1797 : vector<8x4096xf32>
      %add3A_1803 = arith.constant 1.730000e+02 : f32
      %add3A_1804 = arith.addf %mul3A_71, %add3A_1803 : f32
      %broadcast_in_dim3A_1805 = vector.broadcast %add3A_1804 : f32 to vector<8x4096xf32>
      %select_n3A_1806 = arith.select %lt3A_1802, %broadcast_in_dim3A_1805, %select_n3A_1796 : vector<8x4096xi1>, vector<8x4096xf32>
      %min3A_1807 = arith.minimumf %sub3A_1801, %min3A_1797 : vector<8x4096xf32>
      %slice3A_1808 = vector.extract_strided_slice %get3A_68 {offsets = [1392, 0], sizes = [8, 1], strides = [1, 1]} : vector<2048x1xf32> to vector<8x1xf32>
      %slice3A_1809 = vector.extract_strided_slice %dot_general3A_63 {offsets = [1392, 0], sizes = [8, 4096], strides = [1, 1]} : vector<2048x4096xf32> to vector<8x4096xf32>
      %sub3A_1810 = vector.broadcast %slice3A_1808 : vector<8x1xf32> to vector<8x4096xf32>
      %sub3A_1811 = arith.subf %sub3A_1810, %slice3A_1809 : vector<8x4096xf32>
      %lt3A_1812 = arith.cmpf olt, %sub3A_1811, %min3A_1807 : vector<8x4096xf32>
      %add3A_1813 = arith.constant 1.740000e+02 : f32
      %add3A_1814 = arith.addf %mul3A_71, %add3A_1813 : f32
      %broadcast_in_dim3A_1815 = vector.broadcast %add3A_1814 : f32 to vector<8x4096xf32>
      %select_n3A_1816 = arith.select %lt3A_1812, %broadcast_in_dim3A_1815, %select_n3A_1806 : vector<8x4096xi1>, vector<8x4096xf32>
      %min3A_1817 = arith.minimumf %sub3A_1811, %min3A_1807 : vector<8x4096xf32>
      %slice3A_1818 = vector.extract_strided_slice %get3A_68 {offsets = [1400, 0], sizes = [8, 1], strides = [1, 1]} : vector<2048x1xf32> to vector<8x1xf32>
      %slice3A_1819 = vector.extract_strided_slice %dot_general3A_63 {offsets = [1400, 0], sizes = [8, 4096], strides = [1, 1]} : vector<2048x4096xf32> to vector<8x4096xf32>
      %sub3A_1820 = vector.broadcast %slice3A_1818 : vector<8x1xf32> to vector<8x4096xf32>
      %sub3A_1821 = arith.subf %sub3A_1820, %slice3A_1819 : vector<8x4096xf32>
      %lt3A_1822 = arith.cmpf olt, %sub3A_1821, %min3A_1817 : vector<8x4096xf32>
      %add3A_1823 = arith.constant 1.750000e+02 : f32
      %add3A_1824 = arith.addf %mul3A_71, %add3A_1823 : f32
      %broadcast_in_dim3A_1825 = vector.broadcast %add3A_1824 : f32 to vector<8x4096xf32>
      %select_n3A_1826 = arith.select %lt3A_1822, %broadcast_in_dim3A_1825, %select_n3A_1816 : vector<8x4096xi1>, vector<8x4096xf32>
      %min3A_1827 = arith.minimumf %sub3A_1821, %min3A_1817 : vector<8x4096xf32>
      %slice3A_1828 = vector.extract_strided_slice %get3A_68 {offsets = [1408, 0], sizes = [8, 1], strides = [1, 1]} : vector<2048x1xf32> to vector<8x1xf32>
      %slice3A_1829 = vector.extract_strided_slice %dot_general3A_63 {offsets = [1408, 0], sizes = [8, 4096], strides = [1, 1]} : vector<2048x4096xf32> to vector<8x4096xf32>
      %sub3A_1830 = vector.broadcast %slice3A_1828 : vector<8x1xf32> to vector<8x4096xf32>
      %sub3A_1831 = arith.subf %sub3A_1830, %slice3A_1829 : vector<8x4096xf32>
      %lt3A_1832 = arith.cmpf olt, %sub3A_1831, %min3A_1827 : vector<8x4096xf32>
      %add3A_1833 = arith.constant 1.760000e+02 : f32
      %add3A_1834 = arith.addf %mul3A_71, %add3A_1833 : f32
      %broadcast_in_dim3A_1835 = vector.broadcast %add3A_1834 : f32 to vector<8x4096xf32>
      %select_n3A_1836 = arith.select %lt3A_1832, %broadcast_in_dim3A_1835, %select_n3A_1826 : vector<8x4096xi1>, vector<8x4096xf32>
      %min3A_1837 = arith.minimumf %sub3A_1831, %min3A_1827 : vector<8x4096xf32>
      %slice3A_1838 = vector.extract_strided_slice %get3A_68 {offsets = [1416, 0], sizes = [8, 1], strides = [1, 1]} : vector<2048x1xf32> to vector<8x1xf32>
      %slice3A_1839 = vector.extract_strided_slice %dot_general3A_63 {offsets = [1416, 0], sizes = [8, 4096], strides = [1, 1]} : vector<2048x4096xf32> to vector<8x4096xf32>
      %sub3A_1840 = vector.broadcast %slice3A_1838 : vector<8x1xf32> to vector<8x4096xf32>
      %sub3A_1841 = arith.subf %sub3A_1840, %slice3A_1839 : vector<8x4096xf32>
      %lt3A_1842 = arith.cmpf olt, %sub3A_1841, %min3A_1837 : vector<8x4096xf32>
      %add3A_1843 = arith.constant 1.770000e+02 : f32
      %add3A_1844 = arith.addf %mul3A_71, %add3A_1843 : f32
      %broadcast_in_dim3A_1845 = vector.broadcast %add3A_1844 : f32 to vector<8x4096xf32>
      %select_n3A_1846 = arith.select %lt3A_1842, %broadcast_in_dim3A_1845, %select_n3A_1836 : vector<8x4096xi1>, vector<8x4096xf32>
      %min3A_1847 = arith.minimumf %sub3A_1841, %min3A_1837 : vector<8x4096xf32>
      %slice3A_1848 = vector.extract_strided_slice %get3A_68 {offsets = [1424, 0], sizes = [8, 1], strides = [1, 1]} : vector<2048x1xf32> to vector<8x1xf32>
      %slice3A_1849 = vector.extract_strided_slice %dot_general3A_63 {offsets = [1424, 0], sizes = [8, 4096], strides = [1, 1]} : vector<2048x4096xf32> to vector<8x4096xf32>
      %sub3A_1850 = vector.broadcast %slice3A_1848 : vector<8x1xf32> to vector<8x4096xf32>
      %sub3A_1851 = arith.subf %sub3A_1850, %slice3A_1849 : vector<8x4096xf32>
      %lt3A_1852 = arith.cmpf olt, %sub3A_1851, %min3A_1847 : vector<8x4096xf32>
      %add3A_1853 = arith.constant 1.780000e+02 : f32
      %add3A_1854 = arith.addf %mul3A_71, %add3A_1853 : f32
      %broadcast_in_dim3A_1855 = vector.broadcast %add3A_1854 : f32 to vector<8x4096xf32>
      %select_n3A_1856 = arith.select %lt3A_1852, %broadcast_in_dim3A_1855, %select_n3A_1846 : vector<8x4096xi1>, vector<8x4096xf32>
      %min3A_1857 = arith.minimumf %sub3A_1851, %min3A_1847 : vector<8x4096xf32>
      %slice3A_1858 = vector.extract_strided_slice %get3A_68 {offsets = [1432, 0], sizes = [8, 1], strides = [1, 1]} : vector<2048x1xf32> to vector<8x1xf32>
      %slice3A_1859 = vector.extract_strided_slice %dot_general3A_63 {offsets = [1432, 0], sizes = [8, 4096], strides = [1, 1]} : vector<2048x4096xf32> to vector<8x4096xf32>
      %sub3A_1860 = vector.broadcast %slice3A_1858 : vector<8x1xf32> to vector<8x4096xf32>
      %sub3A_1861 = arith.subf %sub3A_1860, %slice3A_1859 : vector<8x4096xf32>
      %lt3A_1862 = arith.cmpf olt, %sub3A_1861, %min3A_1857 : vector<8x4096xf32>
      %add3A_1863 = arith.constant 1.790000e+02 : f32
      %add3A_1864 = arith.addf %mul3A_71, %add3A_1863 : f32
      %broadcast_in_dim3A_1865 = vector.broadcast %add3A_1864 : f32 to vector<8x4096xf32>
      %select_n3A_1866 = arith.select %lt3A_1862, %broadcast_in_dim3A_1865, %select_n3A_1856 : vector<8x4096xi1>, vector<8x4096xf32>
      %min3A_1867 = arith.minimumf %sub3A_1861, %min3A_1857 : vector<8x4096xf32>
      %slice3A_1868 = vector.extract_strided_slice %get3A_68 {offsets = [1440, 0], sizes = [8, 1], strides = [1, 1]} : vector<2048x1xf32> to vector<8x1xf32>
      %slice3A_1869 = vector.extract_strided_slice %dot_general3A_63 {offsets = [1440, 0], sizes = [8, 4096], strides = [1, 1]} : vector<2048x4096xf32> to vector<8x4096xf32>
      %sub3A_1870 = vector.broadcast %slice3A_1868 : vector<8x1xf32> to vector<8x4096xf32>
      %sub3A_1871 = arith.subf %sub3A_1870, %slice3A_1869 : vector<8x4096xf32>
      %lt3A_1872 = arith.cmpf olt, %sub3A_1871, %min3A_1867 : vector<8x4096xf32>
      %add3A_1873 = arith.constant 1.800000e+02 : f32
      %add3A_1874 = arith.addf %mul3A_71, %add3A_1873 : f32
      %broadcast_in_dim3A_1875 = vector.broadcast %add3A_1874 : f32 to vector<8x4096xf32>
      %select_n3A_1876 = arith.select %lt3A_1872, %broadcast_in_dim3A_1875, %select_n3A_1866 : vector<8x4096xi1>, vector<8x4096xf32>
      %min3A_1877 = arith.minimumf %sub3A_1871, %min3A_1867 : vector<8x4096xf32>
      %slice3A_1878 = vector.extract_strided_slice %get3A_68 {offsets = [1448, 0], sizes = [8, 1], strides = [1, 1]} : vector<2048x1xf32> to vector<8x1xf32>
      %slice3A_1879 = vector.extract_strided_slice %dot_general3A_63 {offsets = [1448, 0], sizes = [8, 4096], strides = [1, 1]} : vector<2048x4096xf32> to vector<8x4096xf32>
      %sub3A_1880 = vector.broadcast %slice3A_1878 : vector<8x1xf32> to vector<8x4096xf32>
      %sub3A_1881 = arith.subf %sub3A_1880, %slice3A_1879 : vector<8x4096xf32>
      %lt3A_1882 = arith.cmpf olt, %sub3A_1881, %min3A_1877 : vector<8x4096xf32>
      %add3A_1883 = arith.constant 1.810000e+02 : f32
      %add3A_1884 = arith.addf %mul3A_71, %add3A_1883 : f32
      %broadcast_in_dim3A_1885 = vector.broadcast %add3A_1884 : f32 to vector<8x4096xf32>
      %select_n3A_1886 = arith.select %lt3A_1882, %broadcast_in_dim3A_1885, %select_n3A_1876 : vector<8x4096xi1>, vector<8x4096xf32>
      %min3A_1887 = arith.minimumf %sub3A_1881, %min3A_1877 : vector<8x4096xf32>
      %slice3A_1888 = vector.extract_strided_slice %get3A_68 {offsets = [1456, 0], sizes = [8, 1], strides = [1, 1]} : vector<2048x1xf32> to vector<8x1xf32>
      %slice3A_1889 = vector.extract_strided_slice %dot_general3A_63 {offsets = [1456, 0], sizes = [8, 4096], strides = [1, 1]} : vector<2048x4096xf32> to vector<8x4096xf32>
      %sub3A_1890 = vector.broadcast %slice3A_1888 : vector<8x1xf32> to vector<8x4096xf32>
      %sub3A_1891 = arith.subf %sub3A_1890, %slice3A_1889 : vector<8x4096xf32>
      %lt3A_1892 = arith.cmpf olt, %sub3A_1891, %min3A_1887 : vector<8x4096xf32>
      %add3A_1893 = arith.constant 1.820000e+02 : f32
      %add3A_1894 = arith.addf %mul3A_71, %add3A_1893 : f32
      %broadcast_in_dim3A_1895 = vector.broadcast %add3A_1894 : f32 to vector<8x4096xf32>
      %select_n3A_1896 = arith.select %lt3A_1892, %broadcast_in_dim3A_1895, %select_n3A_1886 : vector<8x4096xi1>, vector<8x4096xf32>
      %min3A_1897 = arith.minimumf %sub3A_1891, %min3A_1887 : vector<8x4096xf32>
      %slice3A_1898 = vector.extract_strided_slice %get3A_68 {offsets = [1464, 0], sizes = [8, 1], strides = [1, 1]} : vector<2048x1xf32> to vector<8x1xf32>
      %slice3A_1899 = vector.extract_strided_slice %dot_general3A_63 {offsets = [1464, 0], sizes = [8, 4096], strides = [1, 1]} : vector<2048x4096xf32> to vector<8x4096xf32>
      %sub3A_1900 = vector.broadcast %slice3A_1898 : vector<8x1xf32> to vector<8x4096xf32>
      %sub3A_1901 = arith.subf %sub3A_1900, %slice3A_1899 : vector<8x4096xf32>
      %lt3A_1902 = arith.cmpf olt, %sub3A_1901, %min3A_1897 : vector<8x4096xf32>
      %add3A_1903 = arith.constant 1.830000e+02 : f32
      %add3A_1904 = arith.addf %mul3A_71, %add3A_1903 : f32
      %broadcast_in_dim3A_1905 = vector.broadcast %add3A_1904 : f32 to vector<8x4096xf32>
      %select_n3A_1906 = arith.select %lt3A_1902, %broadcast_in_dim3A_1905, %select_n3A_1896 : vector<8x4096xi1>, vector<8x4096xf32>
      %min3A_1907 = arith.minimumf %sub3A_1901, %min3A_1897 : vector<8x4096xf32>
      %slice3A_1908 = vector.extract_strided_slice %get3A_68 {offsets = [1472, 0], sizes = [8, 1], strides = [1, 1]} : vector<2048x1xf32> to vector<8x1xf32>
      %slice3A_1909 = vector.extract_strided_slice %dot_general3A_63 {offsets = [1472, 0], sizes = [8, 4096], strides = [1, 1]} : vector<2048x4096xf32> to vector<8x4096xf32>
      %sub3A_1910 = vector.broadcast %slice3A_1908 : vector<8x1xf32> to vector<8x4096xf32>
      %sub3A_1911 = arith.subf %sub3A_1910, %slice3A_1909 : vector<8x4096xf32>
      %lt3A_1912 = arith.cmpf olt, %sub3A_1911, %min3A_1907 : vector<8x4096xf32>
      %add3A_1913 = arith.constant 1.840000e+02 : f32
      %add3A_1914 = arith.addf %mul3A_71, %add3A_1913 : f32
      %broadcast_in_dim3A_1915 = vector.broadcast %add3A_1914 : f32 to vector<8x4096xf32>
      %select_n3A_1916 = arith.select %lt3A_1912, %broadcast_in_dim3A_1915, %select_n3A_1906 : vector<8x4096xi1>, vector<8x4096xf32>
      %min3A_1917 = arith.minimumf %sub3A_1911, %min3A_1907 : vector<8x4096xf32>
      %slice3A_1918 = vector.extract_strided_slice %get3A_68 {offsets = [1480, 0], sizes = [8, 1], strides = [1, 1]} : vector<2048x1xf32> to vector<8x1xf32>
      %slice3A_1919 = vector.extract_strided_slice %dot_general3A_63 {offsets = [1480, 0], sizes = [8, 4096], strides = [1, 1]} : vector<2048x4096xf32> to vector<8x4096xf32>
      %sub3A_1920 = vector.broadcast %slice3A_1918 : vector<8x1xf32> to vector<8x4096xf32>
      %sub3A_1921 = arith.subf %sub3A_1920, %slice3A_1919 : vector<8x4096xf32>
      %lt3A_1922 = arith.cmpf olt, %sub3A_1921, %min3A_1917 : vector<8x4096xf32>
      %add3A_1923 = arith.constant 1.850000e+02 : f32
      %add3A_1924 = arith.addf %mul3A_71, %add3A_1923 : f32
      %broadcast_in_dim3A_1925 = vector.broadcast %add3A_1924 : f32 to vector<8x4096xf32>
      %select_n3A_1926 = arith.select %lt3A_1922, %broadcast_in_dim3A_1925, %select_n3A_1916 : vector<8x4096xi1>, vector<8x4096xf32>
      %min3A_1927 = arith.minimumf %sub3A_1921, %min3A_1917 : vector<8x4096xf32>
      %slice3A_1928 = vector.extract_strided_slice %get3A_68 {offsets = [1488, 0], sizes = [8, 1], strides = [1, 1]} : vector<2048x1xf32> to vector<8x1xf32>
      %slice3A_1929 = vector.extract_strided_slice %dot_general3A_63 {offsets = [1488, 0], sizes = [8, 4096], strides = [1, 1]} : vector<2048x4096xf32> to vector<8x4096xf32>
      %sub3A_1930 = vector.broadcast %slice3A_1928 : vector<8x1xf32> to vector<8x4096xf32>
      %sub3A_1931 = arith.subf %sub3A_1930, %slice3A_1929 : vector<8x4096xf32>
      %lt3A_1932 = arith.cmpf olt, %sub3A_1931, %min3A_1927 : vector<8x4096xf32>
      %add3A_1933 = arith.constant 1.860000e+02 : f32
      %add3A_1934 = arith.addf %mul3A_71, %add3A_1933 : f32
      %broadcast_in_dim3A_1935 = vector.broadcast %add3A_1934 : f32 to vector<8x4096xf32>
      %select_n3A_1936 = arith.select %lt3A_1932, %broadcast_in_dim3A_1935, %select_n3A_1926 : vector<8x4096xi1>, vector<8x4096xf32>
      %min3A_1937 = arith.minimumf %sub3A_1931, %min3A_1927 : vector<8x4096xf32>
      %slice3A_1938 = vector.extract_strided_slice %get3A_68 {offsets = [1496, 0], sizes = [8, 1], strides = [1, 1]} : vector<2048x1xf32> to vector<8x1xf32>
      %slice3A_1939 = vector.extract_strided_slice %dot_general3A_63 {offsets = [1496, 0], sizes = [8, 4096], strides = [1, 1]} : vector<2048x4096xf32> to vector<8x4096xf32>
      %sub3A_1940 = vector.broadcast %slice3A_1938 : vector<8x1xf32> to vector<8x4096xf32>
      %sub3A_1941 = arith.subf %sub3A_1940, %slice3A_1939 : vector<8x4096xf32>
      %lt3A_1942 = arith.cmpf olt, %sub3A_1941, %min3A_1937 : vector<8x4096xf32>
      %add3A_1943 = arith.constant 1.870000e+02 : f32
      %add3A_1944 = arith.addf %mul3A_71, %add3A_1943 : f32
      %broadcast_in_dim3A_1945 = vector.broadcast %add3A_1944 : f32 to vector<8x4096xf32>
      %select_n3A_1946 = arith.select %lt3A_1942, %broadcast_in_dim3A_1945, %select_n3A_1936 : vector<8x4096xi1>, vector<8x4096xf32>
      %min3A_1947 = arith.minimumf %sub3A_1941, %min3A_1937 : vector<8x4096xf32>
      %slice3A_1948 = vector.extract_strided_slice %get3A_68 {offsets = [1504, 0], sizes = [8, 1], strides = [1, 1]} : vector<2048x1xf32> to vector<8x1xf32>
      %slice3A_1949 = vector.extract_strided_slice %dot_general3A_63 {offsets = [1504, 0], sizes = [8, 4096], strides = [1, 1]} : vector<2048x4096xf32> to vector<8x4096xf32>
      %sub3A_1950 = vector.broadcast %slice3A_1948 : vector<8x1xf32> to vector<8x4096xf32>
      %sub3A_1951 = arith.subf %sub3A_1950, %slice3A_1949 : vector<8x4096xf32>
      %lt3A_1952 = arith.cmpf olt, %sub3A_1951, %min3A_1947 : vector<8x4096xf32>
      %add3A_1953 = arith.constant 1.880000e+02 : f32
      %add3A_1954 = arith.addf %mul3A_71, %add3A_1953 : f32
      %broadcast_in_dim3A_1955 = vector.broadcast %add3A_1954 : f32 to vector<8x4096xf32>
      %select_n3A_1956 = arith.select %lt3A_1952, %broadcast_in_dim3A_1955, %select_n3A_1946 : vector<8x4096xi1>, vector<8x4096xf32>
      %min3A_1957 = arith.minimumf %sub3A_1951, %min3A_1947 : vector<8x4096xf32>
      %slice3A_1958 = vector.extract_strided_slice %get3A_68 {offsets = [1512, 0], sizes = [8, 1], strides = [1, 1]} : vector<2048x1xf32> to vector<8x1xf32>
      %slice3A_1959 = vector.extract_strided_slice %dot_general3A_63 {offsets = [1512, 0], sizes = [8, 4096], strides = [1, 1]} : vector<2048x4096xf32> to vector<8x4096xf32>
      %sub3A_1960 = vector.broadcast %slice3A_1958 : vector<8x1xf32> to vector<8x4096xf32>
      %sub3A_1961 = arith.subf %sub3A_1960, %slice3A_1959 : vector<8x4096xf32>
      %lt3A_1962 = arith.cmpf olt, %sub3A_1961, %min3A_1957 : vector<8x4096xf32>
      %add3A_1963 = arith.constant 1.890000e+02 : f32
      %add3A_1964 = arith.addf %mul3A_71, %add3A_1963 : f32
      %broadcast_in_dim3A_1965 = vector.broadcast %add3A_1964 : f32 to vector<8x4096xf32>
      %select_n3A_1966 = arith.select %lt3A_1962, %broadcast_in_dim3A_1965, %select_n3A_1956 : vector<8x4096xi1>, vector<8x4096xf32>
      %min3A_1967 = arith.minimumf %sub3A_1961, %min3A_1957 : vector<8x4096xf32>
      %slice3A_1968 = vector.extract_strided_slice %get3A_68 {offsets = [1520, 0], sizes = [8, 1], strides = [1, 1]} : vector<2048x1xf32> to vector<8x1xf32>
      %slice3A_1969 = vector.extract_strided_slice %dot_general3A_63 {offsets = [1520, 0], sizes = [8, 4096], strides = [1, 1]} : vector<2048x4096xf32> to vector<8x4096xf32>
      %sub3A_1970 = vector.broadcast %slice3A_1968 : vector<8x1xf32> to vector<8x4096xf32>
      %sub3A_1971 = arith.subf %sub3A_1970, %slice3A_1969 : vector<8x4096xf32>
      %lt3A_1972 = arith.cmpf olt, %sub3A_1971, %min3A_1967 : vector<8x4096xf32>
      %add3A_1973 = arith.constant 1.900000e+02 : f32
      %add3A_1974 = arith.addf %mul3A_71, %add3A_1973 : f32
      %broadcast_in_dim3A_1975 = vector.broadcast %add3A_1974 : f32 to vector<8x4096xf32>
      %select_n3A_1976 = arith.select %lt3A_1972, %broadcast_in_dim3A_1975, %select_n3A_1966 : vector<8x4096xi1>, vector<8x4096xf32>
      %min3A_1977 = arith.minimumf %sub3A_1971, %min3A_1967 : vector<8x4096xf32>
      %slice3A_1978 = vector.extract_strided_slice %get3A_68 {offsets = [1528, 0], sizes = [8, 1], strides = [1, 1]} : vector<2048x1xf32> to vector<8x1xf32>
      %slice3A_1979 = vector.extract_strided_slice %dot_general3A_63 {offsets = [1528, 0], sizes = [8, 4096], strides = [1, 1]} : vector<2048x4096xf32> to vector<8x4096xf32>
      %sub3A_1980 = vector.broadcast %slice3A_1978 : vector<8x1xf32> to vector<8x4096xf32>
      %sub3A_1981 = arith.subf %sub3A_1980, %slice3A_1979 : vector<8x4096xf32>
      %lt3A_1982 = arith.cmpf olt, %sub3A_1981, %min3A_1977 : vector<8x4096xf32>
      %add3A_1983 = arith.constant 1.910000e+02 : f32
      %add3A_1984 = arith.addf %mul3A_71, %add3A_1983 : f32
      %broadcast_in_dim3A_1985 = vector.broadcast %add3A_1984 : f32 to vector<8x4096xf32>
      %select_n3A_1986 = arith.select %lt3A_1982, %broadcast_in_dim3A_1985, %select_n3A_1976 : vector<8x4096xi1>, vector<8x4096xf32>
      %min3A_1987 = arith.minimumf %sub3A_1981, %min3A_1977 : vector<8x4096xf32>
      %slice3A_1988 = vector.extract_strided_slice %get3A_68 {offsets = [1536, 0], sizes = [8, 1], strides = [1, 1]} : vector<2048x1xf32> to vector<8x1xf32>
      %slice3A_1989 = vector.extract_strided_slice %dot_general3A_63 {offsets = [1536, 0], sizes = [8, 4096], strides = [1, 1]} : vector<2048x4096xf32> to vector<8x4096xf32>
      %sub3A_1990 = vector.broadcast %slice3A_1988 : vector<8x1xf32> to vector<8x4096xf32>
      %sub3A_1991 = arith.subf %sub3A_1990, %slice3A_1989 : vector<8x4096xf32>
      %lt3A_1992 = arith.cmpf olt, %sub3A_1991, %min3A_1987 : vector<8x4096xf32>
      %add3A_1993 = arith.constant 1.920000e+02 : f32
      %add3A_1994 = arith.addf %mul3A_71, %add3A_1993 : f32
      %broadcast_in_dim3A_1995 = vector.broadcast %add3A_1994 : f32 to vector<8x4096xf32>
      %select_n3A_1996 = arith.select %lt3A_1992, %broadcast_in_dim3A_1995, %select_n3A_1986 : vector<8x4096xi1>, vector<8x4096xf32>
      %min3A_1997 = arith.minimumf %sub3A_1991, %min3A_1987 : vector<8x4096xf32>
      %slice3A_1998 = vector.extract_strided_slice %get3A_68 {offsets = [1544, 0], sizes = [8, 1], strides = [1, 1]} : vector<2048x1xf32> to vector<8x1xf32>
      %slice3A_1999 = vector.extract_strided_slice %dot_general3A_63 {offsets = [1544, 0], sizes = [8, 4096], strides = [1, 1]} : vector<2048x4096xf32> to vector<8x4096xf32>
      %sub3A_2000 = vector.broadcast %slice3A_1998 : vector<8x1xf32> to vector<8x4096xf32>
      %sub3A_2001 = arith.subf %sub3A_2000, %slice3A_1999 : vector<8x4096xf32>
      %lt3A_2002 = arith.cmpf olt, %sub3A_2001, %min3A_1997 : vector<8x4096xf32>
      %add3A_2003 = arith.constant 1.930000e+02 : f32
      %add3A_2004 = arith.addf %mul3A_71, %add3A_2003 : f32
      %broadcast_in_dim3A_2005 = vector.broadcast %add3A_2004 : f32 to vector<8x4096xf32>
      %select_n3A_2006 = arith.select %lt3A_2002, %broadcast_in_dim3A_2005, %select_n3A_1996 : vector<8x4096xi1>, vector<8x4096xf32>
      %min3A_2007 = arith.minimumf %sub3A_2001, %min3A_1997 : vector<8x4096xf32>
      %slice3A_2008 = vector.extract_strided_slice %get3A_68 {offsets = [1552, 0], sizes = [8, 1], strides = [1, 1]} : vector<2048x1xf32> to vector<8x1xf32>
      %slice3A_2009 = vector.extract_strided_slice %dot_general3A_63 {offsets = [1552, 0], sizes = [8, 4096], strides = [1, 1]} : vector<2048x4096xf32> to vector<8x4096xf32>
      %sub3A_2010 = vector.broadcast %slice3A_2008 : vector<8x1xf32> to vector<8x4096xf32>
      %sub3A_2011 = arith.subf %sub3A_2010, %slice3A_2009 : vector<8x4096xf32>
      %lt3A_2012 = arith.cmpf olt, %sub3A_2011, %min3A_2007 : vector<8x4096xf32>
      %add3A_2013 = arith.constant 1.940000e+02 : f32
      %add3A_2014 = arith.addf %mul3A_71, %add3A_2013 : f32
      %broadcast_in_dim3A_2015 = vector.broadcast %add3A_2014 : f32 to vector<8x4096xf32>
      %select_n3A_2016 = arith.select %lt3A_2012, %broadcast_in_dim3A_2015, %select_n3A_2006 : vector<8x4096xi1>, vector<8x4096xf32>
      %min3A_2017 = arith.minimumf %sub3A_2011, %min3A_2007 : vector<8x4096xf32>
      %slice3A_2018 = vector.extract_strided_slice %get3A_68 {offsets = [1560, 0], sizes = [8, 1], strides = [1, 1]} : vector<2048x1xf32> to vector<8x1xf32>
      %slice3A_2019 = vector.extract_strided_slice %dot_general3A_63 {offsets = [1560, 0], sizes = [8, 4096], strides = [1, 1]} : vector<2048x4096xf32> to vector<8x4096xf32>
      %sub3A_2020 = vector.broadcast %slice3A_2018 : vector<8x1xf32> to vector<8x4096xf32>
      %sub3A_2021 = arith.subf %sub3A_2020, %slice3A_2019 : vector<8x4096xf32>
      %lt3A_2022 = arith.cmpf olt, %sub3A_2021, %min3A_2017 : vector<8x4096xf32>
      %add3A_2023 = arith.constant 1.950000e+02 : f32
      %add3A_2024 = arith.addf %mul3A_71, %add3A_2023 : f32
      %broadcast_in_dim3A_2025 = vector.broadcast %add3A_2024 : f32 to vector<8x4096xf32>
      %select_n3A_2026 = arith.select %lt3A_2022, %broadcast_in_dim3A_2025, %select_n3A_2016 : vector<8x4096xi1>, vector<8x4096xf32>
      %min3A_2027 = arith.minimumf %sub3A_2021, %min3A_2017 : vector<8x4096xf32>
      %slice3A_2028 = vector.extract_strided_slice %get3A_68 {offsets = [1568, 0], sizes = [8, 1], strides = [1, 1]} : vector<2048x1xf32> to vector<8x1xf32>
      %slice3A_2029 = vector.extract_strided_slice %dot_general3A_63 {offsets = [1568, 0], sizes = [8, 4096], strides = [1, 1]} : vector<2048x4096xf32> to vector<8x4096xf32>
      %sub3A_2030 = vector.broadcast %slice3A_2028 : vector<8x1xf32> to vector<8x4096xf32>
      %sub3A_2031 = arith.subf %sub3A_2030, %slice3A_2029 : vector<8x4096xf32>
      %lt3A_2032 = arith.cmpf olt, %sub3A_2031, %min3A_2027 : vector<8x4096xf32>
      %add3A_2033 = arith.constant 1.960000e+02 : f32
      %add3A_2034 = arith.addf %mul3A_71, %add3A_2033 : f32
      %broadcast_in_dim3A_2035 = vector.broadcast %add3A_2034 : f32 to vector<8x4096xf32>
      %select_n3A_2036 = arith.select %lt3A_2032, %broadcast_in_dim3A_2035, %select_n3A_2026 : vector<8x4096xi1>, vector<8x4096xf32>
      %min3A_2037 = arith.minimumf %sub3A_2031, %min3A_2027 : vector<8x4096xf32>
      %slice3A_2038 = vector.extract_strided_slice %get3A_68 {offsets = [1576, 0], sizes = [8, 1], strides = [1, 1]} : vector<2048x1xf32> to vector<8x1xf32>
      %slice3A_2039 = vector.extract_strided_slice %dot_general3A_63 {offsets = [1576, 0], sizes = [8, 4096], strides = [1, 1]} : vector<2048x4096xf32> to vector<8x4096xf32>
      %sub3A_2040 = vector.broadcast %slice3A_2038 : vector<8x1xf32> to vector<8x4096xf32>
      %sub3A_2041 = arith.subf %sub3A_2040, %slice3A_2039 : vector<8x4096xf32>
      %lt3A_2042 = arith.cmpf olt, %sub3A_2041, %min3A_2037 : vector<8x4096xf32>
      %add3A_2043 = arith.constant 1.970000e+02 : f32
      %add3A_2044 = arith.addf %mul3A_71, %add3A_2043 : f32
      %broadcast_in_dim3A_2045 = vector.broadcast %add3A_2044 : f32 to vector<8x4096xf32>
      %select_n3A_2046 = arith.select %lt3A_2042, %broadcast_in_dim3A_2045, %select_n3A_2036 : vector<8x4096xi1>, vector<8x4096xf32>
      %min3A_2047 = arith.minimumf %sub3A_2041, %min3A_2037 : vector<8x4096xf32>
      %slice3A_2048 = vector.extract_strided_slice %get3A_68 {offsets = [1584, 0], sizes = [8, 1], strides = [1, 1]} : vector<2048x1xf32> to vector<8x1xf32>
      %slice3A_2049 = vector.extract_strided_slice %dot_general3A_63 {offsets = [1584, 0], sizes = [8, 4096], strides = [1, 1]} : vector<2048x4096xf32> to vector<8x4096xf32>
      %sub3A_2050 = vector.broadcast %slice3A_2048 : vector<8x1xf32> to vector<8x4096xf32>
      %sub3A_2051 = arith.subf %sub3A_2050, %slice3A_2049 : vector<8x4096xf32>
      %lt3A_2052 = arith.cmpf olt, %sub3A_2051, %min3A_2047 : vector<8x4096xf32>
      %add3A_2053 = arith.constant 1.980000e+02 : f32
      %add3A_2054 = arith.addf %mul3A_71, %add3A_2053 : f32
      %broadcast_in_dim3A_2055 = vector.broadcast %add3A_2054 : f32 to vector<8x4096xf32>
      %select_n3A_2056 = arith.select %lt3A_2052, %broadcast_in_dim3A_2055, %select_n3A_2046 : vector<8x4096xi1>, vector<8x4096xf32>
      %min3A_2057 = arith.minimumf %sub3A_2051, %min3A_2047 : vector<8x4096xf32>
      %slice3A_2058 = vector.extract_strided_slice %get3A_68 {offsets = [1592, 0], sizes = [8, 1], strides = [1, 1]} : vector<2048x1xf32> to vector<8x1xf32>
      %slice3A_2059 = vector.extract_strided_slice %dot_general3A_63 {offsets = [1592, 0], sizes = [8, 4096], strides = [1, 1]} : vector<2048x4096xf32> to vector<8x4096xf32>
      %sub3A_2060 = vector.broadcast %slice3A_2058 : vector<8x1xf32> to vector<8x4096xf32>
      %sub3A_2061 = arith.subf %sub3A_2060, %slice3A_2059 : vector<8x4096xf32>
      %lt3A_2062 = arith.cmpf olt, %sub3A_2061, %min3A_2057 : vector<8x4096xf32>
      %add3A_2063 = arith.constant 1.990000e+02 : f32
      %add3A_2064 = arith.addf %mul3A_71, %add3A_2063 : f32
      %broadcast_in_dim3A_2065 = vector.broadcast %add3A_2064 : f32 to vector<8x4096xf32>
      %select_n3A_2066 = arith.select %lt3A_2062, %broadcast_in_dim3A_2065, %select_n3A_2056 : vector<8x4096xi1>, vector<8x4096xf32>
      %min3A_2067 = arith.minimumf %sub3A_2061, %min3A_2057 : vector<8x4096xf32>
      %slice3A_2068 = vector.extract_strided_slice %get3A_68 {offsets = [1600, 0], sizes = [8, 1], strides = [1, 1]} : vector<2048x1xf32> to vector<8x1xf32>
      %slice3A_2069 = vector.extract_strided_slice %dot_general3A_63 {offsets = [1600, 0], sizes = [8, 4096], strides = [1, 1]} : vector<2048x4096xf32> to vector<8x4096xf32>
      %sub3A_2070 = vector.broadcast %slice3A_2068 : vector<8x1xf32> to vector<8x4096xf32>
      %sub3A_2071 = arith.subf %sub3A_2070, %slice3A_2069 : vector<8x4096xf32>
      %lt3A_2072 = arith.cmpf olt, %sub3A_2071, %min3A_2067 : vector<8x4096xf32>
      %add3A_2073 = arith.constant 2.000000e+02 : f32
      %add3A_2074 = arith.addf %mul3A_71, %add3A_2073 : f32
      %broadcast_in_dim3A_2075 = vector.broadcast %add3A_2074 : f32 to vector<8x4096xf32>
      %select_n3A_2076 = arith.select %lt3A_2072, %broadcast_in_dim3A_2075, %select_n3A_2066 : vector<8x4096xi1>, vector<8x4096xf32>
      %min3A_2077 = arith.minimumf %sub3A_2071, %min3A_2067 : vector<8x4096xf32>
      %slice3A_2078 = vector.extract_strided_slice %get3A_68 {offsets = [1608, 0], sizes = [8, 1], strides = [1, 1]} : vector<2048x1xf32> to vector<8x1xf32>
      %slice3A_2079 = vector.extract_strided_slice %dot_general3A_63 {offsets = [1608, 0], sizes = [8, 4096], strides = [1, 1]} : vector<2048x4096xf32> to vector<8x4096xf32>
      %sub3A_2080 = vector.broadcast %slice3A_2078 : vector<8x1xf32> to vector<8x4096xf32>
      %sub3A_2081 = arith.subf %sub3A_2080, %slice3A_2079 : vector<8x4096xf32>
      %lt3A_2082 = arith.cmpf olt, %sub3A_2081, %min3A_2077 : vector<8x4096xf32>
      %add3A_2083 = arith.constant 2.010000e+02 : f32
      %add3A_2084 = arith.addf %mul3A_71, %add3A_2083 : f32
      %broadcast_in_dim3A_2085 = vector.broadcast %add3A_2084 : f32 to vector<8x4096xf32>
      %select_n3A_2086 = arith.select %lt3A_2082, %broadcast_in_dim3A_2085, %select_n3A_2076 : vector<8x4096xi1>, vector<8x4096xf32>
      %min3A_2087 = arith.minimumf %sub3A_2081, %min3A_2077 : vector<8x4096xf32>
      %slice3A_2088 = vector.extract_strided_slice %get3A_68 {offsets = [1616, 0], sizes = [8, 1], strides = [1, 1]} : vector<2048x1xf32> to vector<8x1xf32>
      %slice3A_2089 = vector.extract_strided_slice %dot_general3A_63 {offsets = [1616, 0], sizes = [8, 4096], strides = [1, 1]} : vector<2048x4096xf32> to vector<8x4096xf32>
      %sub3A_2090 = vector.broadcast %slice3A_2088 : vector<8x1xf32> to vector<8x4096xf32>
      %sub3A_2091 = arith.subf %sub3A_2090, %slice3A_2089 : vector<8x4096xf32>
      %lt3A_2092 = arith.cmpf olt, %sub3A_2091, %min3A_2087 : vector<8x4096xf32>
      %add3A_2093 = arith.constant 2.020000e+02 : f32
      %add3A_2094 = arith.addf %mul3A_71, %add3A_2093 : f32
      %broadcast_in_dim3A_2095 = vector.broadcast %add3A_2094 : f32 to vector<8x4096xf32>
      %select_n3A_2096 = arith.select %lt3A_2092, %broadcast_in_dim3A_2095, %select_n3A_2086 : vector<8x4096xi1>, vector<8x4096xf32>
      %min3A_2097 = arith.minimumf %sub3A_2091, %min3A_2087 : vector<8x4096xf32>
      %slice3A_2098 = vector.extract_strided_slice %get3A_68 {offsets = [1624, 0], sizes = [8, 1], strides = [1, 1]} : vector<2048x1xf32> to vector<8x1xf32>
      %slice3A_2099 = vector.extract_strided_slice %dot_general3A_63 {offsets = [1624, 0], sizes = [8, 4096], strides = [1, 1]} : vector<2048x4096xf32> to vector<8x4096xf32>
      %sub3A_2100 = vector.broadcast %slice3A_2098 : vector<8x1xf32> to vector<8x4096xf32>
      %sub3A_2101 = arith.subf %sub3A_2100, %slice3A_2099 : vector<8x4096xf32>
      %lt3A_2102 = arith.cmpf olt, %sub3A_2101, %min3A_2097 : vector<8x4096xf32>
      %add3A_2103 = arith.constant 2.030000e+02 : f32
      %add3A_2104 = arith.addf %mul3A_71, %add3A_2103 : f32
      %broadcast_in_dim3A_2105 = vector.broadcast %add3A_2104 : f32 to vector<8x4096xf32>
      %select_n3A_2106 = arith.select %lt3A_2102, %broadcast_in_dim3A_2105, %select_n3A_2096 : vector<8x4096xi1>, vector<8x4096xf32>
      %min3A_2107 = arith.minimumf %sub3A_2101, %min3A_2097 : vector<8x4096xf32>
      %slice3A_2108 = vector.extract_strided_slice %get3A_68 {offsets = [1632, 0], sizes = [8, 1], strides = [1, 1]} : vector<2048x1xf32> to vector<8x1xf32>
      %slice3A_2109 = vector.extract_strided_slice %dot_general3A_63 {offsets = [1632, 0], sizes = [8, 4096], strides = [1, 1]} : vector<2048x4096xf32> to vector<8x4096xf32>
      %sub3A_2110 = vector.broadcast %slice3A_2108 : vector<8x1xf32> to vector<8x4096xf32>
      %sub3A_2111 = arith.subf %sub3A_2110, %slice3A_2109 : vector<8x4096xf32>
      %lt3A_2112 = arith.cmpf olt, %sub3A_2111, %min3A_2107 : vector<8x4096xf32>
      %add3A_2113 = arith.constant 2.040000e+02 : f32
      %add3A_2114 = arith.addf %mul3A_71, %add3A_2113 : f32
      %broadcast_in_dim3A_2115 = vector.broadcast %add3A_2114 : f32 to vector<8x4096xf32>
      %select_n3A_2116 = arith.select %lt3A_2112, %broadcast_in_dim3A_2115, %select_n3A_2106 : vector<8x4096xi1>, vector<8x4096xf32>
      %min3A_2117 = arith.minimumf %sub3A_2111, %min3A_2107 : vector<8x4096xf32>
      %slice3A_2118 = vector.extract_strided_slice %get3A_68 {offsets = [1640, 0], sizes = [8, 1], strides = [1, 1]} : vector<2048x1xf32> to vector<8x1xf32>
      %slice3A_2119 = vector.extract_strided_slice %dot_general3A_63 {offsets = [1640, 0], sizes = [8, 4096], strides = [1, 1]} : vector<2048x4096xf32> to vector<8x4096xf32>
      %sub3A_2120 = vector.broadcast %slice3A_2118 : vector<8x1xf32> to vector<8x4096xf32>
      %sub3A_2121 = arith.subf %sub3A_2120, %slice3A_2119 : vector<8x4096xf32>
      %lt3A_2122 = arith.cmpf olt, %sub3A_2121, %min3A_2117 : vector<8x4096xf32>
      %add3A_2123 = arith.constant 2.050000e+02 : f32
      %add3A_2124 = arith.addf %mul3A_71, %add3A_2123 : f32
      %broadcast_in_dim3A_2125 = vector.broadcast %add3A_2124 : f32 to vector<8x4096xf32>
      %select_n3A_2126 = arith.select %lt3A_2122, %broadcast_in_dim3A_2125, %select_n3A_2116 : vector<8x4096xi1>, vector<8x4096xf32>
      %min3A_2127 = arith.minimumf %sub3A_2121, %min3A_2117 : vector<8x4096xf32>
      %slice3A_2128 = vector.extract_strided_slice %get3A_68 {offsets = [1648, 0], sizes = [8, 1], strides = [1, 1]} : vector<2048x1xf32> to vector<8x1xf32>
      %slice3A_2129 = vector.extract_strided_slice %dot_general3A_63 {offsets = [1648, 0], sizes = [8, 4096], strides = [1, 1]} : vector<2048x4096xf32> to vector<8x4096xf32>
      %sub3A_2130 = vector.broadcast %slice3A_2128 : vector<8x1xf32> to vector<8x4096xf32>
      %sub3A_2131 = arith.subf %sub3A_2130, %slice3A_2129 : vector<8x4096xf32>
      %lt3A_2132 = arith.cmpf olt, %sub3A_2131, %min3A_2127 : vector<8x4096xf32>
      %add3A_2133 = arith.constant 2.060000e+02 : f32
      %add3A_2134 = arith.addf %mul3A_71, %add3A_2133 : f32
      %broadcast_in_dim3A_2135 = vector.broadcast %add3A_2134 : f32 to vector<8x4096xf32>
      %select_n3A_2136 = arith.select %lt3A_2132, %broadcast_in_dim3A_2135, %select_n3A_2126 : vector<8x4096xi1>, vector<8x4096xf32>
      %min3A_2137 = arith.minimumf %sub3A_2131, %min3A_2127 : vector<8x4096xf32>
      %slice3A_2138 = vector.extract_strided_slice %get3A_68 {offsets = [1656, 0], sizes = [8, 1], strides = [1, 1]} : vector<2048x1xf32> to vector<8x1xf32>
      %slice3A_2139 = vector.extract_strided_slice %dot_general3A_63 {offsets = [1656, 0], sizes = [8, 4096], strides = [1, 1]} : vector<2048x4096xf32> to vector<8x4096xf32>
      %sub3A_2140 = vector.broadcast %slice3A_2138 : vector<8x1xf32> to vector<8x4096xf32>
      %sub3A_2141 = arith.subf %sub3A_2140, %slice3A_2139 : vector<8x4096xf32>
      %lt3A_2142 = arith.cmpf olt, %sub3A_2141, %min3A_2137 : vector<8x4096xf32>
      %add3A_2143 = arith.constant 2.070000e+02 : f32
      %add3A_2144 = arith.addf %mul3A_71, %add3A_2143 : f32
      %broadcast_in_dim3A_2145 = vector.broadcast %add3A_2144 : f32 to vector<8x4096xf32>
      %select_n3A_2146 = arith.select %lt3A_2142, %broadcast_in_dim3A_2145, %select_n3A_2136 : vector<8x4096xi1>, vector<8x4096xf32>
      %min3A_2147 = arith.minimumf %sub3A_2141, %min3A_2137 : vector<8x4096xf32>
      %slice3A_2148 = vector.extract_strided_slice %get3A_68 {offsets = [1664, 0], sizes = [8, 1], strides = [1, 1]} : vector<2048x1xf32> to vector<8x1xf32>
      %slice3A_2149 = vector.extract_strided_slice %dot_general3A_63 {offsets = [1664, 0], sizes = [8, 4096], strides = [1, 1]} : vector<2048x4096xf32> to vector<8x4096xf32>
      %sub3A_2150 = vector.broadcast %slice3A_2148 : vector<8x1xf32> to vector<8x4096xf32>
      %sub3A_2151 = arith.subf %sub3A_2150, %slice3A_2149 : vector<8x4096xf32>
      %lt3A_2152 = arith.cmpf olt, %sub3A_2151, %min3A_2147 : vector<8x4096xf32>
      %add3A_2153 = arith.constant 2.080000e+02 : f32
      %add3A_2154 = arith.addf %mul3A_71, %add3A_2153 : f32
      %broadcast_in_dim3A_2155 = vector.broadcast %add3A_2154 : f32 to vector<8x4096xf32>
      %select_n3A_2156 = arith.select %lt3A_2152, %broadcast_in_dim3A_2155, %select_n3A_2146 : vector<8x4096xi1>, vector<8x4096xf32>
      %min3A_2157 = arith.minimumf %sub3A_2151, %min3A_2147 : vector<8x4096xf32>
      %slice3A_2158 = vector.extract_strided_slice %get3A_68 {offsets = [1672, 0], sizes = [8, 1], strides = [1, 1]} : vector<2048x1xf32> to vector<8x1xf32>
      %slice3A_2159 = vector.extract_strided_slice %dot_general3A_63 {offsets = [1672, 0], sizes = [8, 4096], strides = [1, 1]} : vector<2048x4096xf32> to vector<8x4096xf32>
      %sub3A_2160 = vector.broadcast %slice3A_2158 : vector<8x1xf32> to vector<8x4096xf32>
      %sub3A_2161 = arith.subf %sub3A_2160, %slice3A_2159 : vector<8x4096xf32>
      %lt3A_2162 = arith.cmpf olt, %sub3A_2161, %min3A_2157 : vector<8x4096xf32>
      %add3A_2163 = arith.constant 2.090000e+02 : f32
      %add3A_2164 = arith.addf %mul3A_71, %add3A_2163 : f32
      %broadcast_in_dim3A_2165 = vector.broadcast %add3A_2164 : f32 to vector<8x4096xf32>
      %select_n3A_2166 = arith.select %lt3A_2162, %broadcast_in_dim3A_2165, %select_n3A_2156 : vector<8x4096xi1>, vector<8x4096xf32>
      %min3A_2167 = arith.minimumf %sub3A_2161, %min3A_2157 : vector<8x4096xf32>
      %slice3A_2168 = vector.extract_strided_slice %get3A_68 {offsets = [1680, 0], sizes = [8, 1], strides = [1, 1]} : vector<2048x1xf32> to vector<8x1xf32>
      %slice3A_2169 = vector.extract_strided_slice %dot_general3A_63 {offsets = [1680, 0], sizes = [8, 4096], strides = [1, 1]} : vector<2048x4096xf32> to vector<8x4096xf32>
      %sub3A_2170 = vector.broadcast %slice3A_2168 : vector<8x1xf32> to vector<8x4096xf32>
      %sub3A_2171 = arith.subf %sub3A_2170, %slice3A_2169 : vector<8x4096xf32>
      %lt3A_2172 = arith.cmpf olt, %sub3A_2171, %min3A_2167 : vector<8x4096xf32>
      %add3A_2173 = arith.constant 2.100000e+02 : f32
      %add3A_2174 = arith.addf %mul3A_71, %add3A_2173 : f32
      %broadcast_in_dim3A_2175 = vector.broadcast %add3A_2174 : f32 to vector<8x4096xf32>
      %select_n3A_2176 = arith.select %lt3A_2172, %broadcast_in_dim3A_2175, %select_n3A_2166 : vector<8x4096xi1>, vector<8x4096xf32>
      %min3A_2177 = arith.minimumf %sub3A_2171, %min3A_2167 : vector<8x4096xf32>
      %slice3A_2178 = vector.extract_strided_slice %get3A_68 {offsets = [1688, 0], sizes = [8, 1], strides = [1, 1]} : vector<2048x1xf32> to vector<8x1xf32>
      %slice3A_2179 = vector.extract_strided_slice %dot_general3A_63 {offsets = [1688, 0], sizes = [8, 4096], strides = [1, 1]} : vector<2048x4096xf32> to vector<8x4096xf32>
      %sub3A_2180 = vector.broadcast %slice3A_2178 : vector<8x1xf32> to vector<8x4096xf32>
      %sub3A_2181 = arith.subf %sub3A_2180, %slice3A_2179 : vector<8x4096xf32>
      %lt3A_2182 = arith.cmpf olt, %sub3A_2181, %min3A_2177 : vector<8x4096xf32>
      %add3A_2183 = arith.constant 2.110000e+02 : f32
      %add3A_2184 = arith.addf %mul3A_71, %add3A_2183 : f32
      %broadcast_in_dim3A_2185 = vector.broadcast %add3A_2184 : f32 to vector<8x4096xf32>
      %select_n3A_2186 = arith.select %lt3A_2182, %broadcast_in_dim3A_2185, %select_n3A_2176 : vector<8x4096xi1>, vector<8x4096xf32>
      %min3A_2187 = arith.minimumf %sub3A_2181, %min3A_2177 : vector<8x4096xf32>
      %slice3A_2188 = vector.extract_strided_slice %get3A_68 {offsets = [1696, 0], sizes = [8, 1], strides = [1, 1]} : vector<2048x1xf32> to vector<8x1xf32>
      %slice3A_2189 = vector.extract_strided_slice %dot_general3A_63 {offsets = [1696, 0], sizes = [8, 4096], strides = [1, 1]} : vector<2048x4096xf32> to vector<8x4096xf32>
      %sub3A_2190 = vector.broadcast %slice3A_2188 : vector<8x1xf32> to vector<8x4096xf32>
      %sub3A_2191 = arith.subf %sub3A_2190, %slice3A_2189 : vector<8x4096xf32>
      %lt3A_2192 = arith.cmpf olt, %sub3A_2191, %min3A_2187 : vector<8x4096xf32>
      %add3A_2193 = arith.constant 2.120000e+02 : f32
      %add3A_2194 = arith.addf %mul3A_71, %add3A_2193 : f32
      %broadcast_in_dim3A_2195 = vector.broadcast %add3A_2194 : f32 to vector<8x4096xf32>
      %select_n3A_2196 = arith.select %lt3A_2192, %broadcast_in_dim3A_2195, %select_n3A_2186 : vector<8x4096xi1>, vector<8x4096xf32>
      %min3A_2197 = arith.minimumf %sub3A_2191, %min3A_2187 : vector<8x4096xf32>
      %slice3A_2198 = vector.extract_strided_slice %get3A_68 {offsets = [1704, 0], sizes = [8, 1], strides = [1, 1]} : vector<2048x1xf32> to vector<8x1xf32>
      %slice3A_2199 = vector.extract_strided_slice %dot_general3A_63 {offsets = [1704, 0], sizes = [8, 4096], strides = [1, 1]} : vector<2048x4096xf32> to vector<8x4096xf32>
      %sub3A_2200 = vector.broadcast %slice3A_2198 : vector<8x1xf32> to vector<8x4096xf32>
      %sub3A_2201 = arith.subf %sub3A_2200, %slice3A_2199 : vector<8x4096xf32>
      %lt3A_2202 = arith.cmpf olt, %sub3A_2201, %min3A_2197 : vector<8x4096xf32>
      %add3A_2203 = arith.constant 2.130000e+02 : f32
      %add3A_2204 = arith.addf %mul3A_71, %add3A_2203 : f32
      %broadcast_in_dim3A_2205 = vector.broadcast %add3A_2204 : f32 to vector<8x4096xf32>
      %select_n3A_2206 = arith.select %lt3A_2202, %broadcast_in_dim3A_2205, %select_n3A_2196 : vector<8x4096xi1>, vector<8x4096xf32>
      %min3A_2207 = arith.minimumf %sub3A_2201, %min3A_2197 : vector<8x4096xf32>
      %slice3A_2208 = vector.extract_strided_slice %get3A_68 {offsets = [1712, 0], sizes = [8, 1], strides = [1, 1]} : vector<2048x1xf32> to vector<8x1xf32>
      %slice3A_2209 = vector.extract_strided_slice %dot_general3A_63 {offsets = [1712, 0], sizes = [8, 4096], strides = [1, 1]} : vector<2048x4096xf32> to vector<8x4096xf32>
      %sub3A_2210 = vector.broadcast %slice3A_2208 : vector<8x1xf32> to vector<8x4096xf32>
      %sub3A_2211 = arith.subf %sub3A_2210, %slice3A_2209 : vector<8x4096xf32>
      %lt3A_2212 = arith.cmpf olt, %sub3A_2211, %min3A_2207 : vector<8x4096xf32>
      %add3A_2213 = arith.constant 2.140000e+02 : f32
      %add3A_2214 = arith.addf %mul3A_71, %add3A_2213 : f32
      %broadcast_in_dim3A_2215 = vector.broadcast %add3A_2214 : f32 to vector<8x4096xf32>
      %select_n3A_2216 = arith.select %lt3A_2212, %broadcast_in_dim3A_2215, %select_n3A_2206 : vector<8x4096xi1>, vector<8x4096xf32>
      %min3A_2217 = arith.minimumf %sub3A_2211, %min3A_2207 : vector<8x4096xf32>
      %slice3A_2218 = vector.extract_strided_slice %get3A_68 {offsets = [1720, 0], sizes = [8, 1], strides = [1, 1]} : vector<2048x1xf32> to vector<8x1xf32>
      %slice3A_2219 = vector.extract_strided_slice %dot_general3A_63 {offsets = [1720, 0], sizes = [8, 4096], strides = [1, 1]} : vector<2048x4096xf32> to vector<8x4096xf32>
      %sub3A_2220 = vector.broadcast %slice3A_2218 : vector<8x1xf32> to vector<8x4096xf32>
      %sub3A_2221 = arith.subf %sub3A_2220, %slice3A_2219 : vector<8x4096xf32>
      %lt3A_2222 = arith.cmpf olt, %sub3A_2221, %min3A_2217 : vector<8x4096xf32>
      %add3A_2223 = arith.constant 2.150000e+02 : f32
      %add3A_2224 = arith.addf %mul3A_71, %add3A_2223 : f32
      %broadcast_in_dim3A_2225 = vector.broadcast %add3A_2224 : f32 to vector<8x4096xf32>
      %select_n3A_2226 = arith.select %lt3A_2222, %broadcast_in_dim3A_2225, %select_n3A_2216 : vector<8x4096xi1>, vector<8x4096xf32>
      %min3A_2227 = arith.minimumf %sub3A_2221, %min3A_2217 : vector<8x4096xf32>
      %slice3A_2228 = vector.extract_strided_slice %get3A_68 {offsets = [1728, 0], sizes = [8, 1], strides = [1, 1]} : vector<2048x1xf32> to vector<8x1xf32>
      %slice3A_2229 = vector.extract_strided_slice %dot_general3A_63 {offsets = [1728, 0], sizes = [8, 4096], strides = [1, 1]} : vector<2048x4096xf32> to vector<8x4096xf32>
      %sub3A_2230 = vector.broadcast %slice3A_2228 : vector<8x1xf32> to vector<8x4096xf32>
      %sub3A_2231 = arith.subf %sub3A_2230, %slice3A_2229 : vector<8x4096xf32>
      %lt3A_2232 = arith.cmpf olt, %sub3A_2231, %min3A_2227 : vector<8x4096xf32>
      %add3A_2233 = arith.constant 2.160000e+02 : f32
      %add3A_2234 = arith.addf %mul3A_71, %add3A_2233 : f32
      %broadcast_in_dim3A_2235 = vector.broadcast %add3A_2234 : f32 to vector<8x4096xf32>
      %select_n3A_2236 = arith.select %lt3A_2232, %broadcast_in_dim3A_2235, %select_n3A_2226 : vector<8x4096xi1>, vector<8x4096xf32>
      %min3A_2237 = arith.minimumf %sub3A_2231, %min3A_2227 : vector<8x4096xf32>
      %slice3A_2238 = vector.extract_strided_slice %get3A_68 {offsets = [1736, 0], sizes = [8, 1], strides = [1, 1]} : vector<2048x1xf32> to vector<8x1xf32>
      %slice3A_2239 = vector.extract_strided_slice %dot_general3A_63 {offsets = [1736, 0], sizes = [8, 4096], strides = [1, 1]} : vector<2048x4096xf32> to vector<8x4096xf32>
      %sub3A_2240 = vector.broadcast %slice3A_2238 : vector<8x1xf32> to vector<8x4096xf32>
      %sub3A_2241 = arith.subf %sub3A_2240, %slice3A_2239 : vector<8x4096xf32>
      %lt3A_2242 = arith.cmpf olt, %sub3A_2241, %min3A_2237 : vector<8x4096xf32>
      %add3A_2243 = arith.constant 2.170000e+02 : f32
      %add3A_2244 = arith.addf %mul3A_71, %add3A_2243 : f32
      %broadcast_in_dim3A_2245 = vector.broadcast %add3A_2244 : f32 to vector<8x4096xf32>
      %select_n3A_2246 = arith.select %lt3A_2242, %broadcast_in_dim3A_2245, %select_n3A_2236 : vector<8x4096xi1>, vector<8x4096xf32>
      %min3A_2247 = arith.minimumf %sub3A_2241, %min3A_2237 : vector<8x4096xf32>
      %slice3A_2248 = vector.extract_strided_slice %get3A_68 {offsets = [1744, 0], sizes = [8, 1], strides = [1, 1]} : vector<2048x1xf32> to vector<8x1xf32>
      %slice3A_2249 = vector.extract_strided_slice %dot_general3A_63 {offsets = [1744, 0], sizes = [8, 4096], strides = [1, 1]} : vector<2048x4096xf32> to vector<8x4096xf32>
      %sub3A_2250 = vector.broadcast %slice3A_2248 : vector<8x1xf32> to vector<8x4096xf32>
      %sub3A_2251 = arith.subf %sub3A_2250, %slice3A_2249 : vector<8x4096xf32>
      %lt3A_2252 = arith.cmpf olt, %sub3A_2251, %min3A_2247 : vector<8x4096xf32>
      %add3A_2253 = arith.constant 2.180000e+02 : f32
      %add3A_2254 = arith.addf %mul3A_71, %add3A_2253 : f32
      %broadcast_in_dim3A_2255 = vector.broadcast %add3A_2254 : f32 to vector<8x4096xf32>
      %select_n3A_2256 = arith.select %lt3A_2252, %broadcast_in_dim3A_2255, %select_n3A_2246 : vector<8x4096xi1>, vector<8x4096xf32>
      %min3A_2257 = arith.minimumf %sub3A_2251, %min3A_2247 : vector<8x4096xf32>
      %slice3A_2258 = vector.extract_strided_slice %get3A_68 {offsets = [1752, 0], sizes = [8, 1], strides = [1, 1]} : vector<2048x1xf32> to vector<8x1xf32>
      %slice3A_2259 = vector.extract_strided_slice %dot_general3A_63 {offsets = [1752, 0], sizes = [8, 4096], strides = [1, 1]} : vector<2048x4096xf32> to vector<8x4096xf32>
      %sub3A_2260 = vector.broadcast %slice3A_2258 : vector<8x1xf32> to vector<8x4096xf32>
      %sub3A_2261 = arith.subf %sub3A_2260, %slice3A_2259 : vector<8x4096xf32>
      %lt3A_2262 = arith.cmpf olt, %sub3A_2261, %min3A_2257 : vector<8x4096xf32>
      %add3A_2263 = arith.constant 2.190000e+02 : f32
      %add3A_2264 = arith.addf %mul3A_71, %add3A_2263 : f32
      %broadcast_in_dim3A_2265 = vector.broadcast %add3A_2264 : f32 to vector<8x4096xf32>
      %select_n3A_2266 = arith.select %lt3A_2262, %broadcast_in_dim3A_2265, %select_n3A_2256 : vector<8x4096xi1>, vector<8x4096xf32>
      %min3A_2267 = arith.minimumf %sub3A_2261, %min3A_2257 : vector<8x4096xf32>
      %slice3A_2268 = vector.extract_strided_slice %get3A_68 {offsets = [1760, 0], sizes = [8, 1], strides = [1, 1]} : vector<2048x1xf32> to vector<8x1xf32>
      %slice3A_2269 = vector.extract_strided_slice %dot_general3A_63 {offsets = [1760, 0], sizes = [8, 4096], strides = [1, 1]} : vector<2048x4096xf32> to vector<8x4096xf32>
      %sub3A_2270 = vector.broadcast %slice3A_2268 : vector<8x1xf32> to vector<8x4096xf32>
      %sub3A_2271 = arith.subf %sub3A_2270, %slice3A_2269 : vector<8x4096xf32>
      %lt3A_2272 = arith.cmpf olt, %sub3A_2271, %min3A_2267 : vector<8x4096xf32>
      %add3A_2273 = arith.constant 2.200000e+02 : f32
      %add3A_2274 = arith.addf %mul3A_71, %add3A_2273 : f32
      %broadcast_in_dim3A_2275 = vector.broadcast %add3A_2274 : f32 to vector<8x4096xf32>
      %select_n3A_2276 = arith.select %lt3A_2272, %broadcast_in_dim3A_2275, %select_n3A_2266 : vector<8x4096xi1>, vector<8x4096xf32>
      %min3A_2277 = arith.minimumf %sub3A_2271, %min3A_2267 : vector<8x4096xf32>
      %slice3A_2278 = vector.extract_strided_slice %get3A_68 {offsets = [1768, 0], sizes = [8, 1], strides = [1, 1]} : vector<2048x1xf32> to vector<8x1xf32>
      %slice3A_2279 = vector.extract_strided_slice %dot_general3A_63 {offsets = [1768, 0], sizes = [8, 4096], strides = [1, 1]} : vector<2048x4096xf32> to vector<8x4096xf32>
      %sub3A_2280 = vector.broadcast %slice3A_2278 : vector<8x1xf32> to vector<8x4096xf32>
      %sub3A_2281 = arith.subf %sub3A_2280, %slice3A_2279 : vector<8x4096xf32>
      %lt3A_2282 = arith.cmpf olt, %sub3A_2281, %min3A_2277 : vector<8x4096xf32>
      %add3A_2283 = arith.constant 2.210000e+02 : f32
      %add3A_2284 = arith.addf %mul3A_71, %add3A_2283 : f32
      %broadcast_in_dim3A_2285 = vector.broadcast %add3A_2284 : f32 to vector<8x4096xf32>
      %select_n3A_2286 = arith.select %lt3A_2282, %broadcast_in_dim3A_2285, %select_n3A_2276 : vector<8x4096xi1>, vector<8x4096xf32>
      %min3A_2287 = arith.minimumf %sub3A_2281, %min3A_2277 : vector<8x4096xf32>
      %slice3A_2288 = vector.extract_strided_slice %get3A_68 {offsets = [1776, 0], sizes = [8, 1], strides = [1, 1]} : vector<2048x1xf32> to vector<8x1xf32>
      %slice3A_2289 = vector.extract_strided_slice %dot_general3A_63 {offsets = [1776, 0], sizes = [8, 4096], strides = [1, 1]} : vector<2048x4096xf32> to vector<8x4096xf32>
      %sub3A_2290 = vector.broadcast %slice3A_2288 : vector<8x1xf32> to vector<8x4096xf32>
      %sub3A_2291 = arith.subf %sub3A_2290, %slice3A_2289 : vector<8x4096xf32>
      %lt3A_2292 = arith.cmpf olt, %sub3A_2291, %min3A_2287 : vector<8x4096xf32>
      %add3A_2293 = arith.constant 2.220000e+02 : f32
      %add3A_2294 = arith.addf %mul3A_71, %add3A_2293 : f32
      %broadcast_in_dim3A_2295 = vector.broadcast %add3A_2294 : f32 to vector<8x4096xf32>
      %select_n3A_2296 = arith.select %lt3A_2292, %broadcast_in_dim3A_2295, %select_n3A_2286 : vector<8x4096xi1>, vector<8x4096xf32>
      %min3A_2297 = arith.minimumf %sub3A_2291, %min3A_2287 : vector<8x4096xf32>
      %slice3A_2298 = vector.extract_strided_slice %get3A_68 {offsets = [1784, 0], sizes = [8, 1], strides = [1, 1]} : vector<2048x1xf32> to vector<8x1xf32>
      %slice3A_2299 = vector.extract_strided_slice %dot_general3A_63 {offsets = [1784, 0], sizes = [8, 4096], strides = [1, 1]} : vector<2048x4096xf32> to vector<8x4096xf32>
      %sub3A_2300 = vector.broadcast %slice3A_2298 : vector<8x1xf32> to vector<8x4096xf32>
      %sub3A_2301 = arith.subf %sub3A_2300, %slice3A_2299 : vector<8x4096xf32>
      %lt3A_2302 = arith.cmpf olt, %sub3A_2301, %min3A_2297 : vector<8x4096xf32>
      %add3A_2303 = arith.constant 2.230000e+02 : f32
      %add3A_2304 = arith.addf %mul3A_71, %add3A_2303 : f32
      %broadcast_in_dim3A_2305 = vector.broadcast %add3A_2304 : f32 to vector<8x4096xf32>
      %select_n3A_2306 = arith.select %lt3A_2302, %broadcast_in_dim3A_2305, %select_n3A_2296 : vector<8x4096xi1>, vector<8x4096xf32>
      %min3A_2307 = arith.minimumf %sub3A_2301, %min3A_2297 : vector<8x4096xf32>
      %slice3A_2308 = vector.extract_strided_slice %get3A_68 {offsets = [1792, 0], sizes = [8, 1], strides = [1, 1]} : vector<2048x1xf32> to vector<8x1xf32>
      %slice3A_2309 = vector.extract_strided_slice %dot_general3A_63 {offsets = [1792, 0], sizes = [8, 4096], strides = [1, 1]} : vector<2048x4096xf32> to vector<8x4096xf32>
      %sub3A_2310 = vector.broadcast %slice3A_2308 : vector<8x1xf32> to vector<8x4096xf32>
      %sub3A_2311 = arith.subf %sub3A_2310, %slice3A_2309 : vector<8x4096xf32>
      %lt3A_2312 = arith.cmpf olt, %sub3A_2311, %min3A_2307 : vector<8x4096xf32>
      %add3A_2313 = arith.constant 2.240000e+02 : f32
      %add3A_2314 = arith.addf %mul3A_71, %add3A_2313 : f32
      %broadcast_in_dim3A_2315 = vector.broadcast %add3A_2314 : f32 to vector<8x4096xf32>
      %select_n3A_2316 = arith.select %lt3A_2312, %broadcast_in_dim3A_2315, %select_n3A_2306 : vector<8x4096xi1>, vector<8x4096xf32>
      %min3A_2317 = arith.minimumf %sub3A_2311, %min3A_2307 : vector<8x4096xf32>
      %slice3A_2318 = vector.extract_strided_slice %get3A_68 {offsets = [1800, 0], sizes = [8, 1], strides = [1, 1]} : vector<2048x1xf32> to vector<8x1xf32>
      %slice3A_2319 = vector.extract_strided_slice %dot_general3A_63 {offsets = [1800, 0], sizes = [8, 4096], strides = [1, 1]} : vector<2048x4096xf32> to vector<8x4096xf32>
      %sub3A_2320 = vector.broadcast %slice3A_2318 : vector<8x1xf32> to vector<8x4096xf32>
      %sub3A_2321 = arith.subf %sub3A_2320, %slice3A_2319 : vector<8x4096xf32>
      %lt3A_2322 = arith.cmpf olt, %sub3A_2321, %min3A_2317 : vector<8x4096xf32>
      %add3A_2323 = arith.constant 2.250000e+02 : f32
      %add3A_2324 = arith.addf %mul3A_71, %add3A_2323 : f32
      %broadcast_in_dim3A_2325 = vector.broadcast %add3A_2324 : f32 to vector<8x4096xf32>
      %select_n3A_2326 = arith.select %lt3A_2322, %broadcast_in_dim3A_2325, %select_n3A_2316 : vector<8x4096xi1>, vector<8x4096xf32>
      %min3A_2327 = arith.minimumf %sub3A_2321, %min3A_2317 : vector<8x4096xf32>
      %slice3A_2328 = vector.extract_strided_slice %get3A_68 {offsets = [1808, 0], sizes = [8, 1], strides = [1, 1]} : vector<2048x1xf32> to vector<8x1xf32>
      %slice3A_2329 = vector.extract_strided_slice %dot_general3A_63 {offsets = [1808, 0], sizes = [8, 4096], strides = [1, 1]} : vector<2048x4096xf32> to vector<8x4096xf32>
      %sub3A_2330 = vector.broadcast %slice3A_2328 : vector<8x1xf32> to vector<8x4096xf32>
      %sub3A_2331 = arith.subf %sub3A_2330, %slice3A_2329 : vector<8x4096xf32>
      %lt3A_2332 = arith.cmpf olt, %sub3A_2331, %min3A_2327 : vector<8x4096xf32>
      %add3A_2333 = arith.constant 2.260000e+02 : f32
      %add3A_2334 = arith.addf %mul3A_71, %add3A_2333 : f32
      %broadcast_in_dim3A_2335 = vector.broadcast %add3A_2334 : f32 to vector<8x4096xf32>
      %select_n3A_2336 = arith.select %lt3A_2332, %broadcast_in_dim3A_2335, %select_n3A_2326 : vector<8x4096xi1>, vector<8x4096xf32>
      %min3A_2337 = arith.minimumf %sub3A_2331, %min3A_2327 : vector<8x4096xf32>
      %slice3A_2338 = vector.extract_strided_slice %get3A_68 {offsets = [1816, 0], sizes = [8, 1], strides = [1, 1]} : vector<2048x1xf32> to vector<8x1xf32>
      %slice3A_2339 = vector.extract_strided_slice %dot_general3A_63 {offsets = [1816, 0], sizes = [8, 4096], strides = [1, 1]} : vector<2048x4096xf32> to vector<8x4096xf32>
      %sub3A_2340 = vector.broadcast %slice3A_2338 : vector<8x1xf32> to vector<8x4096xf32>
      %sub3A_2341 = arith.subf %sub3A_2340, %slice3A_2339 : vector<8x4096xf32>
      %lt3A_2342 = arith.cmpf olt, %sub3A_2341, %min3A_2337 : vector<8x4096xf32>
      %add3A_2343 = arith.constant 2.270000e+02 : f32
      %add3A_2344 = arith.addf %mul3A_71, %add3A_2343 : f32
      %broadcast_in_dim3A_2345 = vector.broadcast %add3A_2344 : f32 to vector<8x4096xf32>
      %select_n3A_2346 = arith.select %lt3A_2342, %broadcast_in_dim3A_2345, %select_n3A_2336 : vector<8x4096xi1>, vector<8x4096xf32>
      %min3A_2347 = arith.minimumf %sub3A_2341, %min3A_2337 : vector<8x4096xf32>
      %slice3A_2348 = vector.extract_strided_slice %get3A_68 {offsets = [1824, 0], sizes = [8, 1], strides = [1, 1]} : vector<2048x1xf32> to vector<8x1xf32>
      %slice3A_2349 = vector.extract_strided_slice %dot_general3A_63 {offsets = [1824, 0], sizes = [8, 4096], strides = [1, 1]} : vector<2048x4096xf32> to vector<8x4096xf32>
      %sub3A_2350 = vector.broadcast %slice3A_2348 : vector<8x1xf32> to vector<8x4096xf32>
      %sub3A_2351 = arith.subf %sub3A_2350, %slice3A_2349 : vector<8x4096xf32>
      %lt3A_2352 = arith.cmpf olt, %sub3A_2351, %min3A_2347 : vector<8x4096xf32>
      %add3A_2353 = arith.constant 2.280000e+02 : f32
      %add3A_2354 = arith.addf %mul3A_71, %add3A_2353 : f32
      %broadcast_in_dim3A_2355 = vector.broadcast %add3A_2354 : f32 to vector<8x4096xf32>
      %select_n3A_2356 = arith.select %lt3A_2352, %broadcast_in_dim3A_2355, %select_n3A_2346 : vector<8x4096xi1>, vector<8x4096xf32>
      %min3A_2357 = arith.minimumf %sub3A_2351, %min3A_2347 : vector<8x4096xf32>
      %slice3A_2358 = vector.extract_strided_slice %get3A_68 {offsets = [1832, 0], sizes = [8, 1], strides = [1, 1]} : vector<2048x1xf32> to vector<8x1xf32>
      %slice3A_2359 = vector.extract_strided_slice %dot_general3A_63 {offsets = [1832, 0], sizes = [8, 4096], strides = [1, 1]} : vector<2048x4096xf32> to vector<8x4096xf32>
      %sub3A_2360 = vector.broadcast %slice3A_2358 : vector<8x1xf32> to vector<8x4096xf32>
      %sub3A_2361 = arith.subf %sub3A_2360, %slice3A_2359 : vector<8x4096xf32>
      %lt3A_2362 = arith.cmpf olt, %sub3A_2361, %min3A_2357 : vector<8x4096xf32>
      %add3A_2363 = arith.constant 2.290000e+02 : f32
      %add3A_2364 = arith.addf %mul3A_71, %add3A_2363 : f32
      %broadcast_in_dim3A_2365 = vector.broadcast %add3A_2364 : f32 to vector<8x4096xf32>
      %select_n3A_2366 = arith.select %lt3A_2362, %broadcast_in_dim3A_2365, %select_n3A_2356 : vector<8x4096xi1>, vector<8x4096xf32>
      %min3A_2367 = arith.minimumf %sub3A_2361, %min3A_2357 : vector<8x4096xf32>
      %slice3A_2368 = vector.extract_strided_slice %get3A_68 {offsets = [1840, 0], sizes = [8, 1], strides = [1, 1]} : vector<2048x1xf32> to vector<8x1xf32>
      %slice3A_2369 = vector.extract_strided_slice %dot_general3A_63 {offsets = [1840, 0], sizes = [8, 4096], strides = [1, 1]} : vector<2048x4096xf32> to vector<8x4096xf32>
      %sub3A_2370 = vector.broadcast %slice3A_2368 : vector<8x1xf32> to vector<8x4096xf32>
      %sub3A_2371 = arith.subf %sub3A_2370, %slice3A_2369 : vector<8x4096xf32>
      %lt3A_2372 = arith.cmpf olt, %sub3A_2371, %min3A_2367 : vector<8x4096xf32>
      %add3A_2373 = arith.constant 2.300000e+02 : f32
      %add3A_2374 = arith.addf %mul3A_71, %add3A_2373 : f32
      %broadcast_in_dim3A_2375 = vector.broadcast %add3A_2374 : f32 to vector<8x4096xf32>
      %select_n3A_2376 = arith.select %lt3A_2372, %broadcast_in_dim3A_2375, %select_n3A_2366 : vector<8x4096xi1>, vector<8x4096xf32>
      %min3A_2377 = arith.minimumf %sub3A_2371, %min3A_2367 : vector<8x4096xf32>
      %slice3A_2378 = vector.extract_strided_slice %get3A_68 {offsets = [1848, 0], sizes = [8, 1], strides = [1, 1]} : vector<2048x1xf32> to vector<8x1xf32>
      %slice3A_2379 = vector.extract_strided_slice %dot_general3A_63 {offsets = [1848, 0], sizes = [8, 4096], strides = [1, 1]} : vector<2048x4096xf32> to vector<8x4096xf32>
      %sub3A_2380 = vector.broadcast %slice3A_2378 : vector<8x1xf32> to vector<8x4096xf32>
      %sub3A_2381 = arith.subf %sub3A_2380, %slice3A_2379 : vector<8x4096xf32>
      %lt3A_2382 = arith.cmpf olt, %sub3A_2381, %min3A_2377 : vector<8x4096xf32>
      %add3A_2383 = arith.constant 2.310000e+02 : f32
      %add3A_2384 = arith.addf %mul3A_71, %add3A_2383 : f32
      %broadcast_in_dim3A_2385 = vector.broadcast %add3A_2384 : f32 to vector<8x4096xf32>
      %select_n3A_2386 = arith.select %lt3A_2382, %broadcast_in_dim3A_2385, %select_n3A_2376 : vector<8x4096xi1>, vector<8x4096xf32>
      %min3A_2387 = arith.minimumf %sub3A_2381, %min3A_2377 : vector<8x4096xf32>
      %slice3A_2388 = vector.extract_strided_slice %get3A_68 {offsets = [1856, 0], sizes = [8, 1], strides = [1, 1]} : vector<2048x1xf32> to vector<8x1xf32>
      %slice3A_2389 = vector.extract_strided_slice %dot_general3A_63 {offsets = [1856, 0], sizes = [8, 4096], strides = [1, 1]} : vector<2048x4096xf32> to vector<8x4096xf32>
      %sub3A_2390 = vector.broadcast %slice3A_2388 : vector<8x1xf32> to vector<8x4096xf32>
      %sub3A_2391 = arith.subf %sub3A_2390, %slice3A_2389 : vector<8x4096xf32>
      %lt3A_2392 = arith.cmpf olt, %sub3A_2391, %min3A_2387 : vector<8x4096xf32>
      %add3A_2393 = arith.constant 2.320000e+02 : f32
      %add3A_2394 = arith.addf %mul3A_71, %add3A_2393 : f32
      %broadcast_in_dim3A_2395 = vector.broadcast %add3A_2394 : f32 to vector<8x4096xf32>
      %select_n3A_2396 = arith.select %lt3A_2392, %broadcast_in_dim3A_2395, %select_n3A_2386 : vector<8x4096xi1>, vector<8x4096xf32>
      %min3A_2397 = arith.minimumf %sub3A_2391, %min3A_2387 : vector<8x4096xf32>
      %slice3A_2398 = vector.extract_strided_slice %get3A_68 {offsets = [1864, 0], sizes = [8, 1], strides = [1, 1]} : vector<2048x1xf32> to vector<8x1xf32>
      %slice3A_2399 = vector.extract_strided_slice %dot_general3A_63 {offsets = [1864, 0], sizes = [8, 4096], strides = [1, 1]} : vector<2048x4096xf32> to vector<8x4096xf32>
      %sub3A_2400 = vector.broadcast %slice3A_2398 : vector<8x1xf32> to vector<8x4096xf32>
      %sub3A_2401 = arith.subf %sub3A_2400, %slice3A_2399 : vector<8x4096xf32>
      %lt3A_2402 = arith.cmpf olt, %sub3A_2401, %min3A_2397 : vector<8x4096xf32>
      %add3A_2403 = arith.constant 2.330000e+02 : f32
      %add3A_2404 = arith.addf %mul3A_71, %add3A_2403 : f32
      %broadcast_in_dim3A_2405 = vector.broadcast %add3A_2404 : f32 to vector<8x4096xf32>
      %select_n3A_2406 = arith.select %lt3A_2402, %broadcast_in_dim3A_2405, %select_n3A_2396 : vector<8x4096xi1>, vector<8x4096xf32>
      %min3A_2407 = arith.minimumf %sub3A_2401, %min3A_2397 : vector<8x4096xf32>
      %slice3A_2408 = vector.extract_strided_slice %get3A_68 {offsets = [1872, 0], sizes = [8, 1], strides = [1, 1]} : vector<2048x1xf32> to vector<8x1xf32>
      %slice3A_2409 = vector.extract_strided_slice %dot_general3A_63 {offsets = [1872, 0], sizes = [8, 4096], strides = [1, 1]} : vector<2048x4096xf32> to vector<8x4096xf32>
      %sub3A_2410 = vector.broadcast %slice3A_2408 : vector<8x1xf32> to vector<8x4096xf32>
      %sub3A_2411 = arith.subf %sub3A_2410, %slice3A_2409 : vector<8x4096xf32>
      %lt3A_2412 = arith.cmpf olt, %sub3A_2411, %min3A_2407 : vector<8x4096xf32>
      %add3A_2413 = arith.constant 2.340000e+02 : f32
      %add3A_2414 = arith.addf %mul3A_71, %add3A_2413 : f32
      %broadcast_in_dim3A_2415 = vector.broadcast %add3A_2414 : f32 to vector<8x4096xf32>
      %select_n3A_2416 = arith.select %lt3A_2412, %broadcast_in_dim3A_2415, %select_n3A_2406 : vector<8x4096xi1>, vector<8x4096xf32>
      %min3A_2417 = arith.minimumf %sub3A_2411, %min3A_2407 : vector<8x4096xf32>
      %slice3A_2418 = vector.extract_strided_slice %get3A_68 {offsets = [1880, 0], sizes = [8, 1], strides = [1, 1]} : vector<2048x1xf32> to vector<8x1xf32>
      %slice3A_2419 = vector.extract_strided_slice %dot_general3A_63 {offsets = [1880, 0], sizes = [8, 4096], strides = [1, 1]} : vector<2048x4096xf32> to vector<8x4096xf32>
      %sub3A_2420 = vector.broadcast %slice3A_2418 : vector<8x1xf32> to vector<8x4096xf32>
      %sub3A_2421 = arith.subf %sub3A_2420, %slice3A_2419 : vector<8x4096xf32>
      %lt3A_2422 = arith.cmpf olt, %sub3A_2421, %min3A_2417 : vector<8x4096xf32>
      %add3A_2423 = arith.constant 2.350000e+02 : f32
      %add3A_2424 = arith.addf %mul3A_71, %add3A_2423 : f32
      %broadcast_in_dim3A_2425 = vector.broadcast %add3A_2424 : f32 to vector<8x4096xf32>
      %select_n3A_2426 = arith.select %lt3A_2422, %broadcast_in_dim3A_2425, %select_n3A_2416 : vector<8x4096xi1>, vector<8x4096xf32>
      %min3A_2427 = arith.minimumf %sub3A_2421, %min3A_2417 : vector<8x4096xf32>
      %slice3A_2428 = vector.extract_strided_slice %get3A_68 {offsets = [1888, 0], sizes = [8, 1], strides = [1, 1]} : vector<2048x1xf32> to vector<8x1xf32>
      %slice3A_2429 = vector.extract_strided_slice %dot_general3A_63 {offsets = [1888, 0], sizes = [8, 4096], strides = [1, 1]} : vector<2048x4096xf32> to vector<8x4096xf32>
      %sub3A_2430 = vector.broadcast %slice3A_2428 : vector<8x1xf32> to vector<8x4096xf32>
      %sub3A_2431 = arith.subf %sub3A_2430, %slice3A_2429 : vector<8x4096xf32>
      %lt3A_2432 = arith.cmpf olt, %sub3A_2431, %min3A_2427 : vector<8x4096xf32>
      %add3A_2433 = arith.constant 2.360000e+02 : f32
      %add3A_2434 = arith.addf %mul3A_71, %add3A_2433 : f32
      %broadcast_in_dim3A_2435 = vector.broadcast %add3A_2434 : f32 to vector<8x4096xf32>
      %select_n3A_2436 = arith.select %lt3A_2432, %broadcast_in_dim3A_2435, %select_n3A_2426 : vector<8x4096xi1>, vector<8x4096xf32>
      %min3A_2437 = arith.minimumf %sub3A_2431, %min3A_2427 : vector<8x4096xf32>
      %slice3A_2438 = vector.extract_strided_slice %get3A_68 {offsets = [1896, 0], sizes = [8, 1], strides = [1, 1]} : vector<2048x1xf32> to vector<8x1xf32>
      %slice3A_2439 = vector.extract_strided_slice %dot_general3A_63 {offsets = [1896, 0], sizes = [8, 4096], strides = [1, 1]} : vector<2048x4096xf32> to vector<8x4096xf32>
      %sub3A_2440 = vector.broadcast %slice3A_2438 : vector<8x1xf32> to vector<8x4096xf32>
      %sub3A_2441 = arith.subf %sub3A_2440, %slice3A_2439 : vector<8x4096xf32>
      %lt3A_2442 = arith.cmpf olt, %sub3A_2441, %min3A_2437 : vector<8x4096xf32>
      %add3A_2443 = arith.constant 2.370000e+02 : f32
      %add3A_2444 = arith.addf %mul3A_71, %add3A_2443 : f32
      %broadcast_in_dim3A_2445 = vector.broadcast %add3A_2444 : f32 to vector<8x4096xf32>
      %select_n3A_2446 = arith.select %lt3A_2442, %broadcast_in_dim3A_2445, %select_n3A_2436 : vector<8x4096xi1>, vector<8x4096xf32>
      %min3A_2447 = arith.minimumf %sub3A_2441, %min3A_2437 : vector<8x4096xf32>
      %slice3A_2448 = vector.extract_strided_slice %get3A_68 {offsets = [1904, 0], sizes = [8, 1], strides = [1, 1]} : vector<2048x1xf32> to vector<8x1xf32>
      %slice3A_2449 = vector.extract_strided_slice %dot_general3A_63 {offsets = [1904, 0], sizes = [8, 4096], strides = [1, 1]} : vector<2048x4096xf32> to vector<8x4096xf32>
      %sub3A_2450 = vector.broadcast %slice3A_2448 : vector<8x1xf32> to vector<8x4096xf32>
      %sub3A_2451 = arith.subf %sub3A_2450, %slice3A_2449 : vector<8x4096xf32>
      %lt3A_2452 = arith.cmpf olt, %sub3A_2451, %min3A_2447 : vector<8x4096xf32>
      %add3A_2453 = arith.constant 2.380000e+02 : f32
      %add3A_2454 = arith.addf %mul3A_71, %add3A_2453 : f32
      %broadcast_in_dim3A_2455 = vector.broadcast %add3A_2454 : f32 to vector<8x4096xf32>
      %select_n3A_2456 = arith.select %lt3A_2452, %broadcast_in_dim3A_2455, %select_n3A_2446 : vector<8x4096xi1>, vector<8x4096xf32>
      %min3A_2457 = arith.minimumf %sub3A_2451, %min3A_2447 : vector<8x4096xf32>
      %slice3A_2458 = vector.extract_strided_slice %get3A_68 {offsets = [1912, 0], sizes = [8, 1], strides = [1, 1]} : vector<2048x1xf32> to vector<8x1xf32>
      %slice3A_2459 = vector.extract_strided_slice %dot_general3A_63 {offsets = [1912, 0], sizes = [8, 4096], strides = [1, 1]} : vector<2048x4096xf32> to vector<8x4096xf32>
      %sub3A_2460 = vector.broadcast %slice3A_2458 : vector<8x1xf32> to vector<8x4096xf32>
      %sub3A_2461 = arith.subf %sub3A_2460, %slice3A_2459 : vector<8x4096xf32>
      %lt3A_2462 = arith.cmpf olt, %sub3A_2461, %min3A_2457 : vector<8x4096xf32>
      %add3A_2463 = arith.constant 2.390000e+02 : f32
      %add3A_2464 = arith.addf %mul3A_71, %add3A_2463 : f32
      %broadcast_in_dim3A_2465 = vector.broadcast %add3A_2464 : f32 to vector<8x4096xf32>
      %select_n3A_2466 = arith.select %lt3A_2462, %broadcast_in_dim3A_2465, %select_n3A_2456 : vector<8x4096xi1>, vector<8x4096xf32>
      %min3A_2467 = arith.minimumf %sub3A_2461, %min3A_2457 : vector<8x4096xf32>
      %slice3A_2468 = vector.extract_strided_slice %get3A_68 {offsets = [1920, 0], sizes = [8, 1], strides = [1, 1]} : vector<2048x1xf32> to vector<8x1xf32>
      %slice3A_2469 = vector.extract_strided_slice %dot_general3A_63 {offsets = [1920, 0], sizes = [8, 4096], strides = [1, 1]} : vector<2048x4096xf32> to vector<8x4096xf32>
      %sub3A_2470 = vector.broadcast %slice3A_2468 : vector<8x1xf32> to vector<8x4096xf32>
      %sub3A_2471 = arith.subf %sub3A_2470, %slice3A_2469 : vector<8x4096xf32>
      %lt3A_2472 = arith.cmpf olt, %sub3A_2471, %min3A_2467 : vector<8x4096xf32>
      %add3A_2473 = arith.constant 2.400000e+02 : f32
      %add3A_2474 = arith.addf %mul3A_71, %add3A_2473 : f32
      %broadcast_in_dim3A_2475 = vector.broadcast %add3A_2474 : f32 to vector<8x4096xf32>
      %select_n3A_2476 = arith.select %lt3A_2472, %broadcast_in_dim3A_2475, %select_n3A_2466 : vector<8x4096xi1>, vector<8x4096xf32>
      %min3A_2477 = arith.minimumf %sub3A_2471, %min3A_2467 : vector<8x4096xf32>
      %slice3A_2478 = vector.extract_strided_slice %get3A_68 {offsets = [1928, 0], sizes = [8, 1], strides = [1, 1]} : vector<2048x1xf32> to vector<8x1xf32>
      %slice3A_2479 = vector.extract_strided_slice %dot_general3A_63 {offsets = [1928, 0], sizes = [8, 4096], strides = [1, 1]} : vector<2048x4096xf32> to vector<8x4096xf32>
      %sub3A_2480 = vector.broadcast %slice3A_2478 : vector<8x1xf32> to vector<8x4096xf32>
      %sub3A_2481 = arith.subf %sub3A_2480, %slice3A_2479 : vector<8x4096xf32>
      %lt3A_2482 = arith.cmpf olt, %sub3A_2481, %min3A_2477 : vector<8x4096xf32>
      %add3A_2483 = arith.constant 2.410000e+02 : f32
      %add3A_2484 = arith.addf %mul3A_71, %add3A_2483 : f32
      %broadcast_in_dim3A_2485 = vector.broadcast %add3A_2484 : f32 to vector<8x4096xf32>
      %select_n3A_2486 = arith.select %lt3A_2482, %broadcast_in_dim3A_2485, %select_n3A_2476 : vector<8x4096xi1>, vector<8x4096xf32>
      %min3A_2487 = arith.minimumf %sub3A_2481, %min3A_2477 : vector<8x4096xf32>
      %slice3A_2488 = vector.extract_strided_slice %get3A_68 {offsets = [1936, 0], sizes = [8, 1], strides = [1, 1]} : vector<2048x1xf32> to vector<8x1xf32>
      %slice3A_2489 = vector.extract_strided_slice %dot_general3A_63 {offsets = [1936, 0], sizes = [8, 4096], strides = [1, 1]} : vector<2048x4096xf32> to vector<8x4096xf32>
      %sub3A_2490 = vector.broadcast %slice3A_2488 : vector<8x1xf32> to vector<8x4096xf32>
      %sub3A_2491 = arith.subf %sub3A_2490, %slice3A_2489 : vector<8x4096xf32>
      %lt3A_2492 = arith.cmpf olt, %sub3A_2491, %min3A_2487 : vector<8x4096xf32>
      %add3A_2493 = arith.constant 2.420000e+02 : f32
      %add3A_2494 = arith.addf %mul3A_71, %add3A_2493 : f32
      %broadcast_in_dim3A_2495 = vector.broadcast %add3A_2494 : f32 to vector<8x4096xf32>
      %select_n3A_2496 = arith.select %lt3A_2492, %broadcast_in_dim3A_2495, %select_n3A_2486 : vector<8x4096xi1>, vector<8x4096xf32>
      %min3A_2497 = arith.minimumf %sub3A_2491, %min3A_2487 : vector<8x4096xf32>
      %slice3A_2498 = vector.extract_strided_slice %get3A_68 {offsets = [1944, 0], sizes = [8, 1], strides = [1, 1]} : vector<2048x1xf32> to vector<8x1xf32>
      %slice3A_2499 = vector.extract_strided_slice %dot_general3A_63 {offsets = [1944, 0], sizes = [8, 4096], strides = [1, 1]} : vector<2048x4096xf32> to vector<8x4096xf32>
      %sub3A_2500 = vector.broadcast %slice3A_2498 : vector<8x1xf32> to vector<8x4096xf32>
      %sub3A_2501 = arith.subf %sub3A_2500, %slice3A_2499 : vector<8x4096xf32>
      %lt3A_2502 = arith.cmpf olt, %sub3A_2501, %min3A_2497 : vector<8x4096xf32>
      %add3A_2503 = arith.constant 2.430000e+02 : f32
      %add3A_2504 = arith.addf %mul3A_71, %add3A_2503 : f32
      %broadcast_in_dim3A_2505 = vector.broadcast %add3A_2504 : f32 to vector<8x4096xf32>
      %select_n3A_2506 = arith.select %lt3A_2502, %broadcast_in_dim3A_2505, %select_n3A_2496 : vector<8x4096xi1>, vector<8x4096xf32>
      %min3A_2507 = arith.minimumf %sub3A_2501, %min3A_2497 : vector<8x4096xf32>
      %slice3A_2508 = vector.extract_strided_slice %get3A_68 {offsets = [1952, 0], sizes = [8, 1], strides = [1, 1]} : vector<2048x1xf32> to vector<8x1xf32>
      %slice3A_2509 = vector.extract_strided_slice %dot_general3A_63 {offsets = [1952, 0], sizes = [8, 4096], strides = [1, 1]} : vector<2048x4096xf32> to vector<8x4096xf32>
      %sub3A_2510 = vector.broadcast %slice3A_2508 : vector<8x1xf32> to vector<8x4096xf32>
      %sub3A_2511 = arith.subf %sub3A_2510, %slice3A_2509 : vector<8x4096xf32>
      %lt3A_2512 = arith.cmpf olt, %sub3A_2511, %min3A_2507 : vector<8x4096xf32>
      %add3A_2513 = arith.constant 2.440000e+02 : f32
      %add3A_2514 = arith.addf %mul3A_71, %add3A_2513 : f32
      %broadcast_in_dim3A_2515 = vector.broadcast %add3A_2514 : f32 to vector<8x4096xf32>
      %select_n3A_2516 = arith.select %lt3A_2512, %broadcast_in_dim3A_2515, %select_n3A_2506 : vector<8x4096xi1>, vector<8x4096xf32>
      %min3A_2517 = arith.minimumf %sub3A_2511, %min3A_2507 : vector<8x4096xf32>
      %slice3A_2518 = vector.extract_strided_slice %get3A_68 {offsets = [1960, 0], sizes = [8, 1], strides = [1, 1]} : vector<2048x1xf32> to vector<8x1xf32>
      %slice3A_2519 = vector.extract_strided_slice %dot_general3A_63 {offsets = [1960, 0], sizes = [8, 4096], strides = [1, 1]} : vector<2048x4096xf32> to vector<8x4096xf32>
      %sub3A_2520 = vector.broadcast %slice3A_2518 : vector<8x1xf32> to vector<8x4096xf32>
      %sub3A_2521 = arith.subf %sub3A_2520, %slice3A_2519 : vector<8x4096xf32>
      %lt3A_2522 = arith.cmpf olt, %sub3A_2521, %min3A_2517 : vector<8x4096xf32>
      %add3A_2523 = arith.constant 2.450000e+02 : f32
      %add3A_2524 = arith.addf %mul3A_71, %add3A_2523 : f32
      %broadcast_in_dim3A_2525 = vector.broadcast %add3A_2524 : f32 to vector<8x4096xf32>
      %select_n3A_2526 = arith.select %lt3A_2522, %broadcast_in_dim3A_2525, %select_n3A_2516 : vector<8x4096xi1>, vector<8x4096xf32>
      %min3A_2527 = arith.minimumf %sub3A_2521, %min3A_2517 : vector<8x4096xf32>
      %slice3A_2528 = vector.extract_strided_slice %get3A_68 {offsets = [1968, 0], sizes = [8, 1], strides = [1, 1]} : vector<2048x1xf32> to vector<8x1xf32>
      %slice3A_2529 = vector.extract_strided_slice %dot_general3A_63 {offsets = [1968, 0], sizes = [8, 4096], strides = [1, 1]} : vector<2048x4096xf32> to vector<8x4096xf32>
      %sub3A_2530 = vector.broadcast %slice3A_2528 : vector<8x1xf32> to vector<8x4096xf32>
      %sub3A_2531 = arith.subf %sub3A_2530, %slice3A_2529 : vector<8x4096xf32>
      %lt3A_2532 = arith.cmpf olt, %sub3A_2531, %min3A_2527 : vector<8x4096xf32>
      %add3A_2533 = arith.constant 2.460000e+02 : f32
      %add3A_2534 = arith.addf %mul3A_71, %add3A_2533 : f32
      %broadcast_in_dim3A_2535 = vector.broadcast %add3A_2534 : f32 to vector<8x4096xf32>
      %select_n3A_2536 = arith.select %lt3A_2532, %broadcast_in_dim3A_2535, %select_n3A_2526 : vector<8x4096xi1>, vector<8x4096xf32>
      %min3A_2537 = arith.minimumf %sub3A_2531, %min3A_2527 : vector<8x4096xf32>
      %slice3A_2538 = vector.extract_strided_slice %get3A_68 {offsets = [1976, 0], sizes = [8, 1], strides = [1, 1]} : vector<2048x1xf32> to vector<8x1xf32>
      %slice3A_2539 = vector.extract_strided_slice %dot_general3A_63 {offsets = [1976, 0], sizes = [8, 4096], strides = [1, 1]} : vector<2048x4096xf32> to vector<8x4096xf32>
      %sub3A_2540 = vector.broadcast %slice3A_2538 : vector<8x1xf32> to vector<8x4096xf32>
      %sub3A_2541 = arith.subf %sub3A_2540, %slice3A_2539 : vector<8x4096xf32>
      %lt3A_2542 = arith.cmpf olt, %sub3A_2541, %min3A_2537 : vector<8x4096xf32>
      %add3A_2543 = arith.constant 2.470000e+02 : f32
      %add3A_2544 = arith.addf %mul3A_71, %add3A_2543 : f32
      %broadcast_in_dim3A_2545 = vector.broadcast %add3A_2544 : f32 to vector<8x4096xf32>
      %select_n3A_2546 = arith.select %lt3A_2542, %broadcast_in_dim3A_2545, %select_n3A_2536 : vector<8x4096xi1>, vector<8x4096xf32>
      %min3A_2547 = arith.minimumf %sub3A_2541, %min3A_2537 : vector<8x4096xf32>
      %slice3A_2548 = vector.extract_strided_slice %get3A_68 {offsets = [1984, 0], sizes = [8, 1], strides = [1, 1]} : vector<2048x1xf32> to vector<8x1xf32>
      %slice3A_2549 = vector.extract_strided_slice %dot_general3A_63 {offsets = [1984, 0], sizes = [8, 4096], strides = [1, 1]} : vector<2048x4096xf32> to vector<8x4096xf32>
      %sub3A_2550 = vector.broadcast %slice3A_2548 : vector<8x1xf32> to vector<8x4096xf32>
      %sub3A_2551 = arith.subf %sub3A_2550, %slice3A_2549 : vector<8x4096xf32>
      %lt3A_2552 = arith.cmpf olt, %sub3A_2551, %min3A_2547 : vector<8x4096xf32>
      %add3A_2553 = arith.constant 2.480000e+02 : f32
      %add3A_2554 = arith.addf %mul3A_71, %add3A_2553 : f32
      %broadcast_in_dim3A_2555 = vector.broadcast %add3A_2554 : f32 to vector<8x4096xf32>
      %select_n3A_2556 = arith.select %lt3A_2552, %broadcast_in_dim3A_2555, %select_n3A_2546 : vector<8x4096xi1>, vector<8x4096xf32>
      %min3A_2557 = arith.minimumf %sub3A_2551, %min3A_2547 : vector<8x4096xf32>
      %slice3A_2558 = vector.extract_strided_slice %get3A_68 {offsets = [1992, 0], sizes = [8, 1], strides = [1, 1]} : vector<2048x1xf32> to vector<8x1xf32>
      %slice3A_2559 = vector.extract_strided_slice %dot_general3A_63 {offsets = [1992, 0], sizes = [8, 4096], strides = [1, 1]} : vector<2048x4096xf32> to vector<8x4096xf32>
      %sub3A_2560 = vector.broadcast %slice3A_2558 : vector<8x1xf32> to vector<8x4096xf32>
      %sub3A_2561 = arith.subf %sub3A_2560, %slice3A_2559 : vector<8x4096xf32>
      %lt3A_2562 = arith.cmpf olt, %sub3A_2561, %min3A_2557 : vector<8x4096xf32>
      %add3A_2563 = arith.constant 2.490000e+02 : f32
      %add3A_2564 = arith.addf %mul3A_71, %add3A_2563 : f32
      %broadcast_in_dim3A_2565 = vector.broadcast %add3A_2564 : f32 to vector<8x4096xf32>
      %select_n3A_2566 = arith.select %lt3A_2562, %broadcast_in_dim3A_2565, %select_n3A_2556 : vector<8x4096xi1>, vector<8x4096xf32>
      %min3A_2567 = arith.minimumf %sub3A_2561, %min3A_2557 : vector<8x4096xf32>
      %slice3A_2568 = vector.extract_strided_slice %get3A_68 {offsets = [2000, 0], sizes = [8, 1], strides = [1, 1]} : vector<2048x1xf32> to vector<8x1xf32>
      %slice3A_2569 = vector.extract_strided_slice %dot_general3A_63 {offsets = [2000, 0], sizes = [8, 4096], strides = [1, 1]} : vector<2048x4096xf32> to vector<8x4096xf32>
      %sub3A_2570 = vector.broadcast %slice3A_2568 : vector<8x1xf32> to vector<8x4096xf32>
      %sub3A_2571 = arith.subf %sub3A_2570, %slice3A_2569 : vector<8x4096xf32>
      %lt3A_2572 = arith.cmpf olt, %sub3A_2571, %min3A_2567 : vector<8x4096xf32>
      %add3A_2573 = arith.constant 2.500000e+02 : f32
      %add3A_2574 = arith.addf %mul3A_71, %add3A_2573 : f32
      %broadcast_in_dim3A_2575 = vector.broadcast %add3A_2574 : f32 to vector<8x4096xf32>
      %select_n3A_2576 = arith.select %lt3A_2572, %broadcast_in_dim3A_2575, %select_n3A_2566 : vector<8x4096xi1>, vector<8x4096xf32>
      %min3A_2577 = arith.minimumf %sub3A_2571, %min3A_2567 : vector<8x4096xf32>
      %slice3A_2578 = vector.extract_strided_slice %get3A_68 {offsets = [2008, 0], sizes = [8, 1], strides = [1, 1]} : vector<2048x1xf32> to vector<8x1xf32>
      %slice3A_2579 = vector.extract_strided_slice %dot_general3A_63 {offsets = [2008, 0], sizes = [8, 4096], strides = [1, 1]} : vector<2048x4096xf32> to vector<8x4096xf32>
      %sub3A_2580 = vector.broadcast %slice3A_2578 : vector<8x1xf32> to vector<8x4096xf32>
      %sub3A_2581 = arith.subf %sub3A_2580, %slice3A_2579 : vector<8x4096xf32>
      %lt3A_2582 = arith.cmpf olt, %sub3A_2581, %min3A_2577 : vector<8x4096xf32>
      %add3A_2583 = arith.constant 2.510000e+02 : f32
      %add3A_2584 = arith.addf %mul3A_71, %add3A_2583 : f32
      %broadcast_in_dim3A_2585 = vector.broadcast %add3A_2584 : f32 to vector<8x4096xf32>
      %select_n3A_2586 = arith.select %lt3A_2582, %broadcast_in_dim3A_2585, %select_n3A_2576 : vector<8x4096xi1>, vector<8x4096xf32>
      %min3A_2587 = arith.minimumf %sub3A_2581, %min3A_2577 : vector<8x4096xf32>
      %slice3A_2588 = vector.extract_strided_slice %get3A_68 {offsets = [2016, 0], sizes = [8, 1], strides = [1, 1]} : vector<2048x1xf32> to vector<8x1xf32>
      %slice3A_2589 = vector.extract_strided_slice %dot_general3A_63 {offsets = [2016, 0], sizes = [8, 4096], strides = [1, 1]} : vector<2048x4096xf32> to vector<8x4096xf32>
      %sub3A_2590 = vector.broadcast %slice3A_2588 : vector<8x1xf32> to vector<8x4096xf32>
      %sub3A_2591 = arith.subf %sub3A_2590, %slice3A_2589 : vector<8x4096xf32>
      %lt3A_2592 = arith.cmpf olt, %sub3A_2591, %min3A_2587 : vector<8x4096xf32>
      %add3A_2593 = arith.constant 2.520000e+02 : f32
      %add3A_2594 = arith.addf %mul3A_71, %add3A_2593 : f32
      %broadcast_in_dim3A_2595 = vector.broadcast %add3A_2594 : f32 to vector<8x4096xf32>
      %select_n3A_2596 = arith.select %lt3A_2592, %broadcast_in_dim3A_2595, %select_n3A_2586 : vector<8x4096xi1>, vector<8x4096xf32>
      %min3A_2597 = arith.minimumf %sub3A_2591, %min3A_2587 : vector<8x4096xf32>
      %slice3A_2598 = vector.extract_strided_slice %get3A_68 {offsets = [2024, 0], sizes = [8, 1], strides = [1, 1]} : vector<2048x1xf32> to vector<8x1xf32>
      %slice3A_2599 = vector.extract_strided_slice %dot_general3A_63 {offsets = [2024, 0], sizes = [8, 4096], strides = [1, 1]} : vector<2048x4096xf32> to vector<8x4096xf32>
      %sub3A_2600 = vector.broadcast %slice3A_2598 : vector<8x1xf32> to vector<8x4096xf32>
      %sub3A_2601 = arith.subf %sub3A_2600, %slice3A_2599 : vector<8x4096xf32>
      %lt3A_2602 = arith.cmpf olt, %sub3A_2601, %min3A_2597 : vector<8x4096xf32>
      %add3A_2603 = arith.constant 2.530000e+02 : f32
      %add3A_2604 = arith.addf %mul3A_71, %add3A_2603 : f32
      %broadcast_in_dim3A_2605 = vector.broadcast %add3A_2604 : f32 to vector<8x4096xf32>
      %select_n3A_2606 = arith.select %lt3A_2602, %broadcast_in_dim3A_2605, %select_n3A_2596 : vector<8x4096xi1>, vector<8x4096xf32>
      %min3A_2607 = arith.minimumf %sub3A_2601, %min3A_2597 : vector<8x4096xf32>
      %slice3A_2608 = vector.extract_strided_slice %get3A_68 {offsets = [2032, 0], sizes = [8, 1], strides = [1, 1]} : vector<2048x1xf32> to vector<8x1xf32>
      %slice3A_2609 = vector.extract_strided_slice %dot_general3A_63 {offsets = [2032, 0], sizes = [8, 4096], strides = [1, 1]} : vector<2048x4096xf32> to vector<8x4096xf32>
      %sub3A_2610 = vector.broadcast %slice3A_2608 : vector<8x1xf32> to vector<8x4096xf32>
      %sub3A_2611 = arith.subf %sub3A_2610, %slice3A_2609 : vector<8x4096xf32>
      %lt3A_2612 = arith.cmpf olt, %sub3A_2611, %min3A_2607 : vector<8x4096xf32>
      %add3A_2613 = arith.constant 2.540000e+02 : f32
      %add3A_2614 = arith.addf %mul3A_71, %add3A_2613 : f32
      %broadcast_in_dim3A_2615 = vector.broadcast %add3A_2614 : f32 to vector<8x4096xf32>
      %select_n3A_2616 = arith.select %lt3A_2612, %broadcast_in_dim3A_2615, %select_n3A_2606 : vector<8x4096xi1>, vector<8x4096xf32>
      %min3A_2617 = arith.minimumf %sub3A_2611, %min3A_2607 : vector<8x4096xf32>
      %slice3A_2618 = vector.extract_strided_slice %get3A_68 {offsets = [2040, 0], sizes = [8, 1], strides = [1, 1]} : vector<2048x1xf32> to vector<8x1xf32>
      %slice3A_2619 = vector.extract_strided_slice %dot_general3A_63 {offsets = [2040, 0], sizes = [8, 4096], strides = [1, 1]} : vector<2048x4096xf32> to vector<8x4096xf32>
      %sub3A_2620 = vector.broadcast %slice3A_2618 : vector<8x1xf32> to vector<8x4096xf32>
      %sub3A_2621 = arith.subf %sub3A_2620, %slice3A_2619 : vector<8x4096xf32>
      %lt3A_2622 = arith.cmpf olt, %sub3A_2621, %min3A_2617 : vector<8x4096xf32>
      %add3A_2623 = arith.constant 2.550000e+02 : f32
      %add3A_2624 = arith.addf %mul3A_71, %add3A_2623 : f32
      %broadcast_in_dim3A_2625 = vector.broadcast %add3A_2624 : f32 to vector<8x4096xf32>
      %select_n3A_2626 = arith.select %lt3A_2622, %broadcast_in_dim3A_2625, %select_n3A_2616 : vector<8x4096xi1>, vector<8x4096xf32>
      %min3A_2627 = arith.minimumf %sub3A_2621, %min3A_2617 : vector<8x4096xf32>
      scf.yield %min3A_2627, %select_n3A_2626 : vector<8x4096xf32>, vector<8x4096xf32>
    }
    %scan3A_35 = arith.constant 4 : i32
    %reduce_min3A = arith.constant dense<0x7F800000> : vector<4096xf32>
    %reduce_min3A_36 = vector.multi_reduction <minimumf>, %scan3A_34#0, %reduce_min3A [0] : vector<8x4096xf32> to vector<4096xf32>
    %broadcast_in_dim3A_37 = vector.shape_cast %reduce_min3A_36 : vector<4096xf32> to vector<1x4096xf32>
    %iota3A = tpu.iota {dimensions = array<i32: 0>} : vector<8x4096xi32>
    %convert_element_type3A = arith.sitofp %iota3A : vector<8x4096xi32> to vector<8x4096xf32>
    %eq3A = vector.broadcast %broadcast_in_dim3A_37 : vector<1x4096xf32> to vector<8x4096xf32>
    %eq3A_38 = arith.cmpf oeq, %scan3A_34#0, %eq3A : vector<8x4096xf32>
    %mul3A_39 = arith.constant 8.000000e+00 : f32
    %mul3A_40 = vector.broadcast %mul3A_39 : f32 to vector<8x4096xf32>
    %mul3A_41 = arith.mulf %scan3A_34#1, %mul3A_40 : vector<8x4096xf32>
    %add3A_42 = arith.addf %mul3A_41, %convert_element_type3A : vector<8x4096xf32>
    %jit3A = arith.constant 6.553600e+04 : f32
    %broadcast_in_dim3A_43 = vector.broadcast %jit3A : f32 to vector<8x4096xf32>
    %select_n3A = arith.select %eq3A_38, %add3A_42, %broadcast_in_dim3A_43 : vector<8x4096xi1>, vector<8x4096xf32>
    %reduce_min3A_44 = arith.constant dense<0x7F800000> : vector<4096xf32>
    %reduce_min3A_45 = vector.multi_reduction <minimumf>, %select_n3A, %reduce_min3A_44 [0] : vector<8x4096xf32> to vector<4096xf32>
    %broadcast_in_dim3A_46 = vector.shape_cast %reduce_min3A_45 : vector<4096xf32> to vector<1x4096xf32>
    %squeeze3A = vector.shape_cast %broadcast_in_dim3A_46 : vector<1x4096xf32> to vector<4096xf32>
    %convert_element_type3A_47 = arith.fptosi %squeeze3A : vector<4096xf32> to vector<4096xi32>
    %swap3A_48 = arith.constant 0 : index
    %swap3A_49 = arith.constant 0 : index
    %swap3A_50 = arith.constant 0 : index
    %swap3A_51 = vector.load %arg6[%swap3A_48, %swap3A_49, %swap3A_50] : memref<1x1x4096xi32, #tpu.memory_space<vmem>>, vector<1x1x4096xi32>
    %swap3A_52 = vector.shape_cast %swap3A_51 : vector<1x1x4096xi32> to vector<4096xi32>
    %swap3A_53 = vector.shape_cast %convert_element_type3A_47 : vector<4096xi32> to vector<1x1x4096xi32>
    tpu.vector_store %arg6[%swap3A_48, %swap3A_49, %swap3A_50], %swap3A_53 {strides = array<i32>} : memref<1x1x4096xi32, #tpu.memory_space<vmem>>, vector<1x1x4096xi32>,
    return
  }
  func.func @transform_0(%arg0: i32) -> (i32, i32, i32) {
    %c0_i32 = arith.constant 0 : i32
    %c0_i32_0 = arith.constant 0 : i32
    %c0_i32_1 = arith.constant 0 : i32
    return %arg0, %c0_i32, %c0_i32_0 : i32, i32, i32
  }
  func.func @transform_1(%arg0: i32) -> (i32, i32) {
    %c0_i32 = arith.constant 0 : i32
    %c0_i32_0 = arith.constant 0 : i32
    %c0_i32_1 = arith.constant 0 : i32
    return %c0_i32, %c0_i32_0 : i32, i32
  }
  func.func @transform_2(%arg0: i32) -> (i32, i32) {
    %c0_i32 = arith.constant 0 : i32
    %c0_i32_0 = arith.constant 0 : i32
    %c0_i32_1 = arith.constant 0 : i32
    return %c0_i32, %c0_i32_0 : i32, i32
  }
  func.func @transform_3(%arg0: i32) -> (i32, i32) {
    %c0_i32 = arith.constant 0 : i32
    %c0_i32_0 = arith.constant 0 : i32
    %c0_i32_1 = arith.constant 0 : i32
    return %c0_i32, %c0_i32_0 : i32, i32
  }
  func.func @transform_4(%arg0: i32) -> (i32, i32, i32) {
    %c0_i32 = arith.constant 0 : i32
    %c0_i32_0 = arith.constant 0 : i32
    %c0_i32_1 = arith.constant 0 : i32
    return %arg0, %c0_i32, %c0_i32_0 : i32, i32, i32
  }
  func.func @transform_5(%arg0: i32) -> (i32, i32, i32) {
    %c0_i32 = arith.constant 0 : i32
    %c0_i32_0 = arith.constant 0 : i32
    %c0_i32_1 = arith.constant 0 : i32
    return %arg0, %c0_i32, %c0_i32_0 : i32, i32, i32
  }
}

module attributes {stable_mosaic.version = 14 : i64} {
  func.func @_epilogue_kernel(%arg0: i32, %arg1: memref<1x32x4096xf32, #tpu.memory_space<vmem>>, %arg2: memref<4096x128xf32, #tpu.memory_space<vmem>>, %arg3: memref<1x32x64x64xf32, #tpu.memory_space<vmem>>, %arg4: memref<1x32x64x64xf32, #tpu.memory_space<vmem>>) attributes {dimension_semantics = [#tpu.dimension_semantics<parallel>], iteration_bounds = array<i64: 2>, scalar_prefetch = 0 : i64, scratch_operands = 0 : i64, tpu.core_type = #tpu.core_type<tc>, window_params = [{transform_indices = @transform_0, window_bounds = array<i64: 1, 32, 4096>}, {transform_indices = @transform_1, window_bounds = array<i64: 4096, 128>}, {transform_indices = @transform_2, window_bounds = array<i64: 1, 32, 64, 64>}, {transform_indices = @transform_3, window_bounds = array<i64: 1, 32, 64, 64>}]} {
    %get3A = arith.constant 0 : index
    %get3A_0 = arith.constant 0 : index
    %get3A_1 = arith.constant 0 : index
    %get3A_2 = vector.load %arg1[%get3A, %get3A_0, %get3A_1] : memref<1x32x4096xf32, #tpu.memory_space<vmem>>, vector<1x32x4096xf32>
    %get3A_3 = vector.shape_cast %get3A_2 : vector<1x32x4096xf32> to vector<32x4096xf32>
    %get3A_4 = arith.constant 0 : index
    %get3A_5 = arith.constant 0 : index
    %get3A_6 = vector.load %arg2[%get3A_4, %get3A_5] : memref<4096x128xf32, #tpu.memory_space<vmem>>, vector<4096x128xf32>
    %slice3A = vector.extract_strided_slice %get3A_6 {offsets = [0, 0], sizes = [4096, 32], strides = [1, 1]} : vector<4096x128xf32> to vector<4096x32xf32>
    %transpose3A = tpu.transpose %slice3A, [1, 0] : vector<4096x32xf32> -> vector<32x4096xf32>
    %reshape3A = vector.shape_cast %transpose3A : vector<32x4096xf32> to vector<32x64x64xf32>
    %swap3A = arith.constant 0 : index
    %swap3A_7 = arith.constant 0 : index
    %swap3A_8 = arith.constant 0 : index
    %swap3A_9 = arith.constant 0 : index
    %swap3A_10 = vector.load %arg4[%swap3A, %swap3A_7, %swap3A_8, %swap3A_9] : memref<1x32x64x64xf32, #tpu.memory_space<vmem>>, vector<1x32x64x64xf32>
    %swap3A_11 = vector.shape_cast %swap3A_10 : vector<1x32x64x64xf32> to vector<32x64x64xf32>
    %swap3A_12 = vector.shape_cast %reshape3A : vector<32x64x64xf32> to vector<1x32x64x64xf32>
    tpu.vector_store %arg4[%swap3A, %swap3A_7, %swap3A_8, %swap3A_9], %swap3A_12 {strides = array<i32>} : memref<1x32x64x64xf32, #tpu.memory_space<vmem>>, vector<1x32x64x64xf32>,
    %sub3A = arith.subf %transpose3A, %get3A_3 : vector<32x4096xf32>
    %add3A = arith.addf %get3A_3, %sub3A : vector<32x4096xf32>
    %reshape3A_13 = vector.shape_cast %add3A : vector<32x4096xf32> to vector<32x64x64xf32>
    %swap3A_14 = arith.constant 0 : index
    %swap3A_15 = arith.constant 0 : index
    %swap3A_16 = arith.constant 0 : index
    %swap3A_17 = arith.constant 0 : index
    %swap3A_18 = vector.load %arg3[%swap3A_14, %swap3A_15, %swap3A_16, %swap3A_17] : memref<1x32x64x64xf32, #tpu.memory_space<vmem>>, vector<1x32x64x64xf32>
    %swap3A_19 = vector.shape_cast %swap3A_18 : vector<1x32x64x64xf32> to vector<32x64x64xf32>
    %swap3A_20 = vector.shape_cast %reshape3A_13 : vector<32x64x64xf32> to vector<1x32x64x64xf32>
    tpu.vector_store %arg3[%swap3A_14, %swap3A_15, %swap3A_16, %swap3A_17], %swap3A_20 {strides = array<i32>} : memref<1x32x64x64xf32, #tpu.memory_space<vmem>>, vector<1x32x64x64xf32>,
    return
  }
  func.func @transform_0(%arg0: i32) -> (i32, i32, i32) {
    %c0_i32 = arith.constant 0 : i32
    %c0_i32_0 = arith.constant 0 : i32
    %c0_i32_1 = arith.constant 0 : i32
    return %arg0, %c0_i32, %c0_i32_0 : i32, i32, i32
  }
  func.func @transform_1(%arg0: i32) -> (i32, i32) {
    %c0_i32 = arith.constant 0 : i32
    %c0_i32_0 = arith.constant 0 : i32
    return %arg0, %c0_i32 : i32, i32
  }
  func.func @transform_2(%arg0: i32) -> (i32, i32, i32, i32) {
    %c0_i32 = arith.constant 0 : i32
    %c0_i32_0 = arith.constant 0 : i32
    %c0_i32_1 = arith.constant 0 : i32
    %c0_i32_2 = arith.constant 0 : i32
    return %arg0, %c0_i32, %c0_i32_0, %c0_i32_1 : i32, i32, i32, i32
  }
  func.func @transform_3(%arg0: i32) -> (i32, i32, i32, i32) {
    %c0_i32 = arith.constant 0 : i32
    %c0_i32_0 = arith.constant 0 : i32
    %c0_i32_1 = arith.constant 0 : i32
    %c0_i32_2 = arith.constant 0 : i32
    return %arg0, %c0_i32, %c0_i32_0, %c0_i32_1 : i32, i32, i32, i32
  }
}

</mosaic_0001>

<sc_bundles>
// kernel: kernel.5.cloned.1.call-start
scs
__scs_entry_jumppad:
0x0: {  	(pc) =	sbr.rel $0x88, $3  }
0x1: {  	(tag) =	ssettag $0x0;
	lr =	simm.s32 $0x1  }
0x2: {  	[smem:$0x3F9D] =	sst lr;
	_ =	strace $0xD0000000  }
0x3: {  	_ = 	snop  }
0x4: {  	_ = 	snop  }
0x5: {  	_ = 	snop  }
0x6: {  	_ = 	snop  }
0x7: {  	_ = 	snop  }
__scs_overlays_trampoline_lowered:
0x8: {  	[smem:$0x3FAC] =	sst s0  }
0x9: {  	[smem:$0x3FAD] =	sst s1  }
0xa: {  	[smem:$0x3FAE] =	sst s2  }
0xb: {  	[smem:$0x3FAF] =	sst s3  }
0xc: {  	[smem:$0x3FB0] =	sst s4  }
0xd: {  	[smem:$0x3FB1] =	sst s5  }
0xe: {  	[smem:$0x3FB2] =	sst s6  }
0xf: {  	[smem:$0x3FB3] =	sst s7  }
0x10: {  	[smem:$0x3FB4] =	sst s8  }
0x11: {  	[smem:$0x3FB5] =	sst s9;
	s0 =	simm.s32 @!p0 $0x0  }
0x12: {  	s1 =	sld [smem:$0x3F9B];
	s0 =	simm.s32 @p0 $0x1  }
0x13: {  	[smem:$0x3FB6] =	sst s0;
	s0 =	simm.s32 @!p1 $0x0  }
0x14: {  	s2 =	sld [smem:$0x3F9A];
	s0 =	simm.s32 @p1 $0x1  }
0x15: {  	[smem:$0x3FB7] =	sst s0;
	s0 =	simm.s32 @!p2 $0x0  }
0x16: {  	s3 =	sld [smem:$0x3FDB];
	s0 =	simm.s32 @p2 $0x1  }
0x17: {  	s4 =	simm.s32 $0x1BF5;
	[smem:$0x3FB9] =	sst s0  }
0x18: {  	s0 =	sld [smem:$0x3F9C];
	_ =	swait.ge [sflag:s4], $0x0  }
0x19: {  	s7 =	sld [smem:$0x3F9D]  }
0x1a: {  	s8 =	sadd.s32 $0xFFFFE003, lr  }
0x1b: {  	s9 =	sadd.s32 $0xFFFFFEF7, lr;
	s5 =	simm.s32 $0xFFFFFFFF;
	p2 =	slt.u32 s8, $0xFFFFF086  }
0x1c: {  	p1 =	slt.u32 s9, $0xF7A;
	s5 =	simm.s32 @!p2 $0x0  }
0x1d: {  	s5 =	simm.s32 @p1 $0x1;
	p0 =	seq.s32 s7, s2  }
0x1e: {  	s7 =	smul.u32 @!p0 $0xF7A, s2;
	p2 =	seq.s32 @!p0 s5, $0x0  }
0x1f: {  	s9 =	smul.u32 $0xF7A, s1;
	s8 =	simm.s32 @!p0 $0x1BF5;
	p2 =	por !p2, p0  }
0x20: {  	[sflag:s8] =	ssyncset.s32 @!p0 $0xFFFFF086;
	s6 =	sadd.s32 @!p0 s3, s7;
	s7 =	simm.s32 @!p0 $0x108  }
0x21: {  	s3 =	sadd.s32 s3, s9;
	s6 =	sadd.s32 @!p0 $0x88, s6;
	s7 =	simm.s32 @p2 $0x1082  }
0x22: {  	[simem:s7], [sflag:s8] =	dma.local @!p0 [hbm:s6], $0xF7A  }
0x23: {  	s9 =	sor.u32 $0xD0000000, s2;
	s6 =	simm.s32 $0x108;
	_ =	swait.ge @!p0 [sflag:s8], $0x0  }
0x24: {  	s3 =	sadd.s32 $0x88, s3;
	s6 =	simm.s32 @!p1 $0x1082;
	[sflag:s4] =	ssyncset.s32 $0xFFFFF086  }
0x25: {  	[simem:s6], [sflag:s4] =	dma.local [hbm:s3], $0xF7A  }
0x26: {  	[smem:$0x3F9D] =	sst s1;
	(tag) =	ssettag s2;
	_ =	strace s9  }
0x27: {  	s1 =	sld [smem:$0x3FAD]  }
0x28: {  	s2 =	sld [smem:$0x3FAE]  }
0x29: {  	s4 =	sld [smem:$0x3FB0]  }
0x2a: {  	p0 =	seq.s32 s5, $0x0;
	s5 =	sld [smem:$0x3FB1]  }
0x2b: {  	s6 =	sld [smem:$0x3FB2]  }
0x2c: {  	s7 =	sld [smem:$0x3FB3]  }
0x2d: {  	s3 =	simm.s32 $0x108;
	s8 =	sld [smem:$0x3FB4]  }
0x2e: {  	s3 =	simm.s32 @!p0 $0x1082;
	s9 =	sld [smem:$0x3FB5]  }
0x2f: {  	lr =	sadd.s32 s0, s3;
	s0 =	sld [smem:$0x3FAC]  }
0x30: {  	s3 =	sld [smem:$0x3FAF]  }
0x31: {  	[smem:$0x3FB8] =	sst s10  }
0x32: {  	s10 =	sld [smem:$0x3FB6];
	_ =	sdelay $0x3  }
0x33: {  	p0 =	seq.s32 s10, $0x1;
	s10 =	sld [smem:$0x3FB8];
	_ =	sdelay $0x3  }
0x34: {  	[smem:$0x3FB8] =	sst s10  }
0x35: {  	s10 =	sld [smem:$0x3FB7];
	_ =	sdelay $0x3  }
0x36: {  	p1 =	seq.s32 s10, $0x1;
	s10 =	sld [smem:$0x3FB8];
	_ =	sdelay $0x3  }
0x37: {  	[smem:$0x3FB8] =	sst s10  }
0x38: {  	s10 =	sld [smem:$0x3FB9]  }
0x39: {  	_ = 	snop;
	(pc) =	sbr.ind lr, $3  }
0x3a: {  	_ = 	snop  }
0x3b: {  	_ = 	snop  }
0x3c: {  	p2 =	seq.s32 s10, $0x1;
	s10 =	sld [smem:$0x3FB8]  }
0x3d: {  	_ =	shalt  }
0x3e: {  	_ =	shalt  }
0x3f: {  	_ =	shalt  }
0x40: {  	_ =	shalt  }
0x41: {  	_ =	shalt  }
0x42: {  	_ =	shalt  }
0x43: {  	_ =	shalt  }
0x44: {  	_ =	shalt  }
0x45: {  	_ =	shalt  }
0x46: {  	_ =	shalt  }
0x47: {  	_ =	shalt  }
0x48: {  	_ =	shalt  }
0x49: {  	_ =	shalt  }
0x4a: {  	_ =	shalt  }
0x4b: {  	_ =	shalt  }
0x4c: {  	_ =	shalt  }
0x4d: {  	_ =	shalt  }
0x4e: {  	_ =	shalt  }
0x4f: {  	_ =	shalt  }
0x50: {  	_ =	shalt  }
0x51: {  	_ =	shalt  }
0x52: {  	_ =	shalt  }
0x53: {  	_ =	shalt  }
0x54: {  	_ =	shalt  }
0x55: {  	_ =	shalt  }
0x56: {  	_ =	shalt  }
0x57: {  	_ =	shalt  }
0x58: {  	_ =	shalt  }
0x59: {  	_ =	shalt  }
0x5a: {  	_ =	shalt  }
0x5b: {  	_ =	shalt  }
0x5c: {  	_ =	shalt  }
0x5d: {  	_ =	shalt  }
0x5e: {  	_ =	shalt  }
0x5f: {  	_ =	shalt  }
0x60: {  	_ =	shalt  }
0x61: {  	_ =	shalt  }
0x62: {  	_ =	shalt  }
0x63: {  	_ =	shalt  }
0x64: {  	_ =	shalt  }
0x65: {  	_ =	shalt  }
0x66: {  	_ =	shalt  }
0x67: {  	_ =	shalt  }
0x68: {  	_ =	shalt  }
0x69: {  	_ =	shalt  }
0x6a: {  	_ =	shalt  }
0x6b: {  	_ =	shalt  }
0x6c: {  	_ =	shalt  }
0x6d: {  	_ =	shalt  }
0x6e: {  	_ =	shalt  }
0x6f: {  	_ =	shalt  }
0x70: {  	_ =	shalt  }
0x71: {  	_ =	shalt  }
0x72: {  	_ =	shalt  }
0x73: {  	_ =	shalt  }
0x74: {  	_ =	shalt  }
0x75: {  	_ =	shalt  }
0x76: {  	_ =	shalt  }
0x77: {  	_ =	shalt  }
0x78: {  	_ =	shalt  }
0x79: {  	_ =	shalt  }
0x7a: {  	_ =	shalt  }
0x7b: {  	_ =	shalt  }
0x7c: {  	_ =	shalt  }
0x7d: {  	_ =	shalt  }
0x7e: {  	_ =	shalt  }
0x7f: {  	_ =	shalt  }
0x80: {  	_ =	shalt  }
0x81: {  	_ =	shalt  }
0x82: {  	_ =	shalt  }
0x83: {  	_ =	shalt  }
0x84: {  	_ =	shalt  }
0x85: {  	_ =	shalt  }
0x86: {  	_ =	shalt  }
0x87: {  	_ =	shalt  }
.Lfunc_end0:
.L_simem_size_0:
called_computation_lowered:
.L_overlay_start_0:
0x88: {  	s2 =	sld [smem:$0x3FD9]  }
0x89: {  	s3 =	sld [smem:$0x3FFE];
	_ =	sdelay $0x1  }
0x8a: {  	s1 =	srdreg.scid  }
0x8b: {  	s0 =	sand.u32 $0x1, s1  }
0x8c: {  	s14 =	sshll.u32 s0, $0xA;
	s2 =	sadd.s32 s3, s2  }
0x8d: {  	s2 =	sadd.s32 s2, s14  }
0x8e: {  	[smem:$0x3FC4] =	sst s2  }
0x8f: {  	_ = 	snop  }
0x90: {  	s2 =	sld [smem:$0x3FD0];
	_ =	sdelay $0x2  }
0x91: {  	s15 =	simm.s32 $0xA;
	s4 =	simm.s32 $0x10  }
0x92: {  	[smem:s4], [sflag:s15] =	dma.local [hbm:s2], $0x1  }
0x93: {  	_ =	swait.eq [sflag:s15], $0x1  }
0x94: {  	[sflag:s15] =	ssyncset.done $0x0  }
0x95: {  	[sflag:s15] =	ssyncadd.s32 $0xFFFFFFFF  }
0x96: {  	s16 =	sld [smem:$0x11];
	(tm) =	ssettm $0x1  }
0x97: {  	s17 =	sld [smem:$0x3FFB];
	_ =	sdelay $0x3  }
0x98: {  	_ =	strace s17  }
0x99: {  	s3 =	sld [smem:$0x3FFC];
	_ =	sdelay $0x3  }
0x9a: {  	_ =	strace s3  }
0x9b: {  	s3 =	sld [smem:$0x3FFD];
	_ =	sdelay $0x3  }
0x9c: {  	_ =	strace s3  }
0x9d: {  	_ =	strace $0x8FFFFFFF  }
0x9e: {  	s18 =	sld [smem:$0x3FDB];
	_ =	sdelay $0x1  }
0x9f: {  	s19 =	simm.s32 $_scs_section_size  }
0xa0: {  	s5 =	simm.s32 $_size__tile_overlayer_lowered;
	s6 =	simm.s32 $_tile_overlayer_lowered  }
0xa1: {  	s22 =	simm.s32 $0x1BFF;
	s21 =	sshll.u32 s6, $0x1;
	s3 =	sadd.s32 s19, s18  }
0xa2: {  	s7 =	simm.s32 $0x0;
	s20 =	sshll.u32 s5, $0x1;
	s5 =	sadd.s32 s21, s3  }
0xa3: {  	[timem:s7], [sflag:s22] =	dma.local [hbm:s5], s20  }
0xa4: {  	_ =	swait.ge [sflag:s22], s20  }
0xa5: {  	s4 =	ssub.s32 $0x0, s20;
	[sflag:s22] =	ssyncset.done $0x0  }
0xa6: {  	[sflag:s22] =	ssyncadd.s32 s4;
	_ =	sdelay $0x1  }
0xa7: {  	s23 =	simm.s32 $0x1B8B  }
0xa8: {  	_ =	swait.ge [sflag:s23], $0x1  }
0xa9: {  	[sflag:s23] =	ssyncset.done $0x0  }
0xaa: {  	s25 =	simm.s32 $0x1B8E;
	s24 =	sld [smem:$0x3FFE];
	[sflag:s23] =	ssyncadd.s32 $0xFFFFFFFF  }
0xab: {  	s26 =	simm.s32 $execute0_lowered;
	[smem:$0x3FD2] =	sst s25  }
0xac: {  	s5 =	sshll.u32 s26, $0x1;
	_ =	strace $0x80000046;
	[dreg:$0x1] =	wrdreg $0xFFFFFFFF  }
0xad: {  	s28 =	simm.s32 $_size_execute0_lowered;
	s3 =	sadd.s32 s3, s5;
	[dreg:$0x0] =	wrdreg $0x0  }
0xae: {  	s5 =	sshll.u32 s28, $0x1;
	[dreg:$0x2] =	wrdreg s3  }
0xaf: {  	[dreg:$0x3] =	wrdreg s5  }
0xb0: {  	[dreg:$0x4] =	wrdreg $0xC0  }
0xb1: {  	_ =	task [dreg:s7], $0x5FFFF  }
0xb2: {  	[dreg:$0x1] =	wrdreg $0xFFFFFFFF  }
0xb3: {  	[dreg:$0x0] =	wrdreg $0x60  }
0xb4: {  	[dreg:$0x2] =	wrdreg s24  }
0xb5: {  	[dreg:$0x3] =	wrdreg s16  }
0xb6: {  	[dreg:$0x4] =	wrdreg $0x9  }
0xb7: {  	_ =	task.clear_ibuf [dreg:s7], $0x5FFFF;
	_ =	strace $0x90000046  }
0xb8: {  	s29 =	simm.s32 $0x9;
	_ =	strace $0x80000048  }
0xb9: {  	_ =	swait.ge [sflag:s29], $0x1  }
0xba: {  	[sflag:s29] =	ssyncadd.s32 $0xFFFFFFFF  }
0xbb: {  	_ =	strace $0x90000048  }
0xbc: {  	_ =	sfence  }
0xbd: {  	s30 =	sld [smem:$0x0];
	_ =	sdelay $0x2  }
0xbe: {  	s31 =	sshll.u32 s1, $0xD;
	s1 =	sshrl.u32 s1, $0x2  }
0xbf: {  	s3 =	sand.u32 $0x4000, s31;
	s1 =	sadd.s32 s1, s30  }
0xc0: {  	s0 =	sor.u32 s3, s0;
	s1 =	sshll.u32 s1, $0x11  }
0xc1: {  	s0 =	sor.u32 s1, s0  }
0xc2: {  	s0 =	sadd.s32 $0x8F2B, s0  }
0xc3: {  	[sflag:s0] =	ssyncadd.remote.s32 $0x1  }
0xc4: {  	_ =	sfence.sel $0xFFFF  }
0xc5: {  	[dreg:$0x0] =	wrdreg $0xFFFFFFFF;
	(pc) =	sbr.abs _section_cstart, $3  }
0xc6: {  	[dreg:$0x1] =	wrdreg $0xFFFFFFFF  }
0xc7: {  	_ =	task.clear_ibuf [dreg:s7], $0x2FFFF;
	_ =	strace $0x9FFFFFFF  }
0xc8: {  	(tm) =	ssettm $0x7FFFFFFF  }
0xc9: {  	_ =	shalt  }
tec
execute0_lowered:
.L_overlay_start_1:
0x0: {  	(tag) =	ssettag $0x1  }
0x1: {  	s1 =	srdreg.scid  }
0x2: {  	s8 =	rddreg [dreg:$0x0];
	s0 =	stileid.u32  }
0x3: {  	s3 =	rddreg [dreg:$0x1];
	s2 =	simm.s32 $0x0;
	s6 =	sand.u32 $0x1, s1  }
0x4: {  	s4 =	sshll.u32 s0, $0x9;
	s1 =	rddreg [dreg:$0x2];
	s5 =	sshll.u32 s6, $0x8  }
0x5: {  	s7 =	simm.s32 $0x1;
	[smem:$0x7FF] =	sst s2;
	s9 =	sor.u32 s5, s4  }
0x6: {  	_ =	strace $0x80000047;
	s10 =	ssub.s32 $0x2, s6;
	s4 =	sshrl.u32 s9, $0x3  }
0x7: {  	s6 =	simm.s32 $0x100;
	s4 =	sadd.s32 s3, s4;
	s3 =	simm.s32 $0x2  }
0x8: {  	[tilespmem:s2], [sflag:$0x2] =	stream.linear.gather [hbm4b:s4+s2], $0x100, $0x38;
	[tilespmem:$0x8100] =	vst v63  }
0x9: {  	s5 =	sadd.s32 $0x800, s8;
	s11 =	sshrl.u32 s10, $0x1;
	_ =	swait.ge [sflag:s3], $0x100  }
0xa: {  	s9 =	sshll.u32 s9, $0x4;
	s31 =	ssub.s32 s10, s11;
	[sflag:s3] =	ssyncset.done $0x0  }
0xb: {  	s8 =	sadd.s32 s9, s8;
	s9 =	smax.u32 s31, $0x1;
	[sflag:s3] =	ssyncadd.s32 $0xFFFFFF00  }
0xc: {  	[tilespmem:s6], [sflag:$0x1] =	stream.indirect.gather [hbm4b:s5+s6], $0x80, s2, s6, $0xb8;
	[tilespmem:$0x8100] =	vst v63  }
0xd: {  	p0 =	sne.s32 s9, $0x1;
	_ =	swait.ge [sflag:s7], $0x8000  }
.Ltmp0:
0xe: {  	[sflag:s7] =	ssyncset.done $0x0;
	(pc) =	sbr.rel @!p0 .LBB2_2-.Ltmp0, $4  }
0xf: {  	s8 =	sadd.s32 $0x20800, s8;
	[sflag:s7] =	ssyncadd.s32 $0xFFFF8000  }
0x10: {  	[hbm4b:s8+s2] =	stream.linear.scatter [tilespmem:s6], [sflag:$0x2], $0x8000, $0x38;
	[tilespmem:$0x8100] =	vst v63  }
0x11: {  	_ =	swait.ge [sflag:s3], $0x8000  }
0x12: {  	s9 =	sadd.s32 $0xFFFFFFFF, s9;
	[sflag:s3] =	ssyncset.done $0x0  }
.LBB2_1:
0x13: {  	p0 =	sne.s32 s9, $0x1;
	s9 =	sadd.s32 $0xFFFFFFFF, s9;
	[sflag:s3] =	ssyncadd.s32 $0xFFFF8000  }
0x14: {  	[tilespmem:s2], [sflag:$0x2] =	stream.linear.gather [hbm4b:s4+s2], $0x100, $0x38;
	[tilespmem:$0x8100] =	vst v63  }
0x15: {  	_ =	swait.ge [sflag:s3], $0x100  }
0x16: {  	[sflag:s3] =	ssyncset.done $0x0  }
0x17: {  	[sflag:s3] =	ssyncadd.s32 $0xFFFFFF00  }
0x18: {  	[tilespmem:s6], [sflag:$0x1] =	stream.indirect.gather [hbm4b:s5+s6], $0x80, s2, s6, $0xb8;
	[tilespmem:$0x8100] =	vst v63  }
0x19: {  	_ =	swait.ge [sflag:s7], $0x8000  }
.Ltmp1:
0x1a: {  	[sflag:s7] =	ssyncset.done $0x0;
	(pc) =	sbr.rel @p0 .LBB2_1-.Ltmp1, $4  }
0x1b: {  	[sflag:s7] =	ssyncadd.s32 $0xFFFF8000  }
0x1c: {  	[hbm4b:s8+s2] =	stream.linear.scatter [tilespmem:s6], [sflag:$0x2], $0x8000, $0x38;
	[tilespmem:$0x8100] =	vst v63  }
0x1d: {  	_ =	swait.ge [sflag:s3], $0x8000  }
0x1e: {  	[sflag:s3] =	ssyncset.done $0x0  }
.LBB2_2:
0x1f: {  	[sflag:s3] =	ssyncadd.s32 $0xFFFF8000  }
0x20: {  	_ =	sfence.sel $0x180000  }
0x21: {  	[bflag:$0x0] =	sbarrier.arrive $0xFFFF  }
0x22: {  	p0 =	sne.s32 s0, $0x0;
	_ =	strace $0x90000047  }
0x23: {  	s0 =	sadd.s32 @!p0 $0x100000, s1;
	[bflag:$0x2] =	sbarrier.arrive $0xFFFF  }
0x24: {  	[sflag:s0] =	ssyncadd.tile.s32 @!p0 $0x1;
	_ =	shalt  }
.Lfunc_end2:
_tile_overlayer_lowered:
.L_overlay_start_2:
0x25: {  	(tag) =	ssettag $0x2  }
0x26: {  	s0 =	rddreg [dreg:$0x0];
	s2 =	stileid.u32  }
0x27: {  	s1 =	rddreg [dreg:$0x1];
	p0 =	sne.s32 s2, $0x0  }
0x28: {  	s3 =	rddreg [dreg:$0x2];
	[bflag:$0x3] =	sbarrier.arrive $0xFFFF;
	s2 =	simm.s32 @!p0 $0x1C02  }
0x29: {  	[timem:s3], [sflag:s2] =	dma.local @!p0 [hbm:s0], s1  }
0x2a: {  	s0 =	simm.s32 @!p0 $0x2  }
0x2b: {  	_ =	swait.ge @!p0 [sflag:s0], s1  }
0x2c: {  	s1 =	ssub.s32 @!p0 $0x0, s1;
	[sflag:s0] =	ssyncset.done @!p0 $0x0  }
0x2d: {  	[sflag:s0] =	ssyncadd.s32 @!p0 s1  }
0x2e: {  	[bflag:$0x3] =	sbarrier.arrive $0xFFFF  }
0x2f: {  	_ =	shalt  }

</sc_bundles>
